<compile_context>
chip_gen: v7x
topology: tpu7x:2x2x1
jax: 0.10.2.dev20260603
libtpu: 0.0.44.dev20260713+nightly
codegen_flags: <defaults>
</compile_context>

<pallas_src>
import functools

import jax
import jax.numpy as jnp
from jax import lax
from jax.experimental import pallas as pl
from jax.experimental.pallas import tpu as pltpu
from jax.experimental.pallas import tpu_sc as plsc

_NW = 32
_RPC = 16
_L = 16


def _xlane_bcast(vec, j):
    idx = jnp.full((_L, 1), j, jnp.int32)
    dnums = lax.GatherDimensionNumbers(
        offset_dims=(), collapsed_slice_dims=(0,), start_index_map=(0,)
    )
    return lax.gather(
        vec, idx, dnums, (1,), mode=lax.GatherScatterMode.PROMISE_IN_BOUNDS
    )


def _sc_lookup(idx2, off_tile, flat_tab, F, V, E, B):
    n_chunks = B // _RPC
    per_w = n_chunks // _NW
    ipc = _RPC * F
    row_w = F * E
    wpc = _RPC * row_w
    mesh = plsc.VectorSubcoreMesh(core_axis_name="c", subcore_axis_name="s")

    @functools.partial(
        pl.kernel,
        mesh=mesh,
        compiler_params=pltpu.CompilerParams(needs_layout_passes=False),
        out_type=jax.ShapeDtypeStruct((n_chunks, wpc), jnp.float32),
        scratch_types=[
            pltpu.VMEM((F * V * E,), jnp.float32),
            pltpu.VMEM((112,), jnp.int32),
            pltpu.VMEM((ipc,), jnp.int32),
            pltpu.VMEM((ipc,), jnp.int32),
            pltpu.VMEM((wpc,), jnp.float32),
            pltpu.VMEM((wpc,), jnp.float32),
            pltpu.SemaphoreType.DMA,
            pltpu.SemaphoreType.DMA,
        ],
    )
    def k(idx_hbm, off_hbm, tab_hbm, out_hbm, tab_v, off_v, idx_v0, idx_v1,
          out_v0, out_v1, sem0, sem1):
        wid = lax.axis_index("s") * 2 + lax.axis_index("c")
        pltpu.sync_copy(tab_hbm, tab_v)
        pltpu.sync_copy(off_hbm, off_v)
        lanes = lax.iota(jnp.int32, 16)
        idx_bufs = (idx_v0, idx_v1)
        out_bufs = (out_v0, out_v1)
        sems = (sem0, sem1)

        def chunk_body(g, carry):
            for u in range(2):
                chunk = wid * per_w + 2 * g + u
                pltpu.sync_copy(idx_hbm.at[chunk], idx_bufs[u])

                @pl.when(g > 0)
                def _wait_prev():
                    pltpu.make_async_copy(
                        out_bufs[u], out_hbm.at[chunk], sems[u]
                    ).wait()

                @plsc.parallel_loop(0, F, unroll=4)
                def q_body(q, u=u):
                    p0 = q * _L
                    idxv = idx_bufs[u][pl.ds(p0, _L)]
                    offv = off_v[pl.ds((q % 7) * _L, _L)]
                    wv = (idxv + offv) * E
                    for j in range(_L):
                        src0 = _xlane_bcast(wv, j) + lanes
                        dst0 = (p0 + j) * E
                        for e0 in (0, 16, 32, 34):
                            w = plsc.load_gather(tab_v, [src0 + e0])
                            out_bufs[u][pl.ds(dst0 + e0, 16)] = w

                pltpu.async_copy(out_bufs[u], out_hbm.at[chunk], sems[u])
            return carry

        lax.fori_loop(0, per_w // 2, chunk_body, 0)
        for u in range(2):
            last = wid * per_w + per_w - 2 + u
            pltpu.make_async_copy(
                out_bufs[u], out_hbm.at[last], sems[u]
            ).wait()

    return k(idx2, off_tile, flat_tab)


def kernel(indices, tables):
    F, V, E = tables.shape
    B = indices.shape[0]
    flat_tab = tables.reshape(F * V * E)
    idx2 = indices.reshape(B // _RPC, _RPC * F)
    off_tile = (jnp.arange(112, dtype=jnp.int32) % F) * V
    out = _sc_lookup(idx2, off_tile, flat_tab, F, V, E, B)
    return out.reshape(B, F * E)

# --- scband reference (transcript-rebuilt; emitter-appended) ---
"""Pipeline reference for scband-nn-with-entity-embedding-45260365365706 (READ-ONLY COPY).

The authoritative reference and input builder live on the scoring server;
editing this copy changes nothing except your own understanding.
"""

import jax, jax.numpy as jnp
import numpy as np

VOCABS = [8, 28, 38, 5, 8, 11, 2, 26, 26, 25, 25, 25, 25, 25, 25, 3, 4, 3, 4, 7, 12, 26, 26, 25, 25, 26, 26, 2]
EMBED_DIM = 50
BATCH = 16384


def setup_inputs(seed: int = 0) -> dict:
    key = jax.random.key(seed)
    k_idx, k_tab = jax.random.split(key)
    F = len(VOCABS)
    # indices: one categorical id per field; fill_max=2 keeps values in-range for
    # every field (smallest vocab is 2).
    indices = jax.random.randint(k_idx, (BATCH, F), 0, 2, dtype=jnp.int32)
    # Learned embedding tables, padded to the max vocab so they stack into one
    # tensor [F, max_vocab, EMBED_DIM] (rows beyond a field's vocab are never
    # gathered because indices are in-range per field).
    max_vocab = max(VOCABS)
    tables = jax.random.normal(k_tab, (F, max_vocab, EMBED_DIM), dtype=jnp.float32) * 0.05
    return {"indices": indices, "tables": tables}


def reference(indices, tables):
    # Faithful translation of the Keras model: each field f does
    # Embedding(vocab_f, 50)(idx_f) -> Reshape((50,)), then all field
    # embeddings are merged (concatenated) into [B, F*50].
    F = tables.shape[0]
    field_ids = jnp.arange(F, dtype=indices.dtype)[None, :]          # [1, F]
    gathered = tables[field_ids, indices]                             # [B, F, 50]
    out = gathered.reshape(indices.shape[0], F * EMBED_DIM)           # [B, F*50]
    return out

if __name__ == "__main__":
    import jax
    _d = setup_inputs()
    print(jax.jit(kernel)(*tuple(_d.values())))

</pallas_src>

<mosaic_0001>
#map = affine_map<(d0, d1) -> (0, 0)>
#map1 = affine_map<(d0, d1) -> (0)>
module attributes {stable_mosaic.version = 14 : i64} {
  func.func @k(%arg0: i32, %arg1: i32, %arg2: memref<1024x448xi32, #tpu.memory_space<hbm>>, %arg3: memref<112xi32, #tpu.memory_space<hbm>>, %arg4: memref<53200xf32, #tpu.memory_space<hbm>>, %arg5: memref<1024x22400xf32, #tpu.memory_space<hbm>>, %arg6: memref<53200xf32, #tpu.memory_space<vmem>>, %arg7: memref<112xi32, #tpu.memory_space<vmem>>, %arg8: memref<448xi32, #tpu.memory_space<vmem>>, %arg9: memref<448xi32, #tpu.memory_space<vmem>>, %arg10: memref<22400xf32, #tpu.memory_space<vmem>>, %arg11: memref<22400xf32, #tpu.memory_space<vmem>>, %arg12: memref<!tpu.dma_semaphore, #tpu.memory_space<semaphore_mem>>, %arg13: memref<!tpu.dma_semaphore, #tpu.memory_space<semaphore_mem>>) attributes {dimension_semantics = [#tpu.dimension_semantics<core_parallel>, #tpu.dimension_semantics<subcore_parallel>], iteration_bounds = array<i64: 2, 16>, scalar_prefetch = 0 : i64, scratch_operands = 8 : i64, tpu.core_type = #tpu.core_type<sc_vector_subcore>, window_params = [{transform_indices = #map}, {transform_indices = #map1}, {transform_indices = #map1}, {transform_indices = #map}]} {
    %mul3A = arith.constant 2 : i32
    %mul3A_0 = arith.muli %arg1, %mul3A : i32
    %add3A = arith.addi %mul3A_0, %arg0 : i32
    "tpu.region"() ({
      %run_scoped3A = tpu.sem_alloc : memref<!tpu.dma_semaphore, #tpu.memory_space<semaphore_mem>>
      tpu.enqueue_dma source(%arg4 : memref<53200xf32, #tpu.memory_space<hbm>>) target(%arg6 : memref<53200xf32, #tpu.memory_space<vmem>>) target_semaphore(%run_scoped3A : memref<!tpu.dma_semaphore, #tpu.memory_space<semaphore_mem>>)
      tpu.wait_dma2 semaphore(%run_scoped3A : memref<!tpu.dma_semaphore, #tpu.memory_space<semaphore_mem>>) src(%arg4 : memref<53200xf32, #tpu.memory_space<hbm>>) dst(%arg6 : memref<53200xf32, #tpu.memory_space<vmem>>)
      tpu.yield
    }) : () -> ()
    "tpu.region"() ({
      %run_scoped3A = tpu.sem_alloc : memref<!tpu.dma_semaphore, #tpu.memory_space<semaphore_mem>>
      tpu.enqueue_dma source(%arg3 : memref<112xi32, #tpu.memory_space<hbm>>) target(%arg7 : memref<112xi32, #tpu.memory_space<vmem>>) target_semaphore(%run_scoped3A : memref<!tpu.dma_semaphore, #tpu.memory_space<semaphore_mem>>)
      tpu.wait_dma2 semaphore(%run_scoped3A : memref<!tpu.dma_semaphore, #tpu.memory_space<semaphore_mem>>) src(%arg3 : memref<112xi32, #tpu.memory_space<hbm>>) dst(%arg7 : memref<112xi32, #tpu.memory_space<vmem>>)
      tpu.yield
    }) : () -> ()
    %iota3A = tpu.iota {dimensions = array<i32: 0>} : vector<16xi32>
    %scan3A = arith.constant 0 : i32
    %scan3A_1 = arith.constant 0 : i32
    %scan3A_2 = arith.constant 16 : i32
    %scan3A_3 = arith.addi %scan3A_1, %scan3A_2 : i32
    %scan3A_4 = arith.constant 1 : i32
    scf.for %scan3A_32 = %scan3A_1 to %scan3A_3 step %scan3A_4  : i32 {
      %mul3A_33 = arith.constant 32 : i32
      %mul3A_34 = arith.muli %add3A, %mul3A_33 : i32
      %mul3A_35 = arith.constant 2 : i32
      %mul3A_36 = arith.muli %mul3A_35, %scan3A_32 : i32
      %add3A_37 = arith.addi %mul3A_34, %mul3A_36 : i32
      %add3A_38 = arith.constant 0 : i32
      %add3A_39 = arith.addi %add3A_37, %add3A_38 : i32
      "tpu.region"() ({
        %run_scoped3A = tpu.sem_alloc : memref<!tpu.dma_semaphore, #tpu.memory_space<semaphore_mem>>
        %dma_start3A_70 = arith.constant 0 : i32
        %dma_start3A_71 = tpu.memref_slice %arg2[%add3A_39, %dma_start3A_70] : memref<1024x448xi32, #tpu.memory_space<hbm>> -> memref<1x448xi32, #tpu.memory_space<hbm>>
        %dma_start3A_72 = tpu.memref_squeeze %dma_start3A_71 : memref<1x448xi32, #tpu.memory_space<hbm>> -> memref<448xi32, #tpu.memory_space<hbm>>
        %dma_start3A_73 = arith.constant 0 : i32
        %dma_start3A_74 = tpu.memref_slice %arg2[%add3A_39, %dma_start3A_73] : memref<1024x448xi32, #tpu.memory_space<hbm>> -> memref<1x448xi32, #tpu.memory_space<hbm>>
        %dma_start3A_75 = tpu.memref_squeeze %dma_start3A_74 : memref<1x448xi32, #tpu.memory_space<hbm>> -> memref<448xi32, #tpu.memory_space<hbm>>
        tpu.enqueue_dma source(%dma_start3A_75 : memref<448xi32, #tpu.memory_space<hbm>>) target(%arg8 : memref<448xi32, #tpu.memory_space<vmem>>) target_semaphore(%run_scoped3A : memref<!tpu.dma_semaphore, #tpu.memory_space<semaphore_mem>>)
        %dma_wait3A_76 = arith.constant 0 : i32
        %dma_wait3A_77 = tpu.memref_slice %arg2[%add3A_39, %dma_wait3A_76] : memref<1024x448xi32, #tpu.memory_space<hbm>> -> memref<1x448xi32, #tpu.memory_space<hbm>>
        %dma_wait3A_78 = tpu.memref_squeeze %dma_wait3A_77 : memref<1x448xi32, #tpu.memory_space<hbm>> -> memref<448xi32, #tpu.memory_space<hbm>>
        %dma_wait3A_79 = arith.constant 0 : i32
        %dma_wait3A_80 = tpu.memref_slice %arg2[%add3A_39, %dma_wait3A_79] : memref<1024x448xi32, #tpu.memory_space<hbm>> -> memref<1x448xi32, #tpu.memory_space<hbm>>
        %dma_wait3A_81 = tpu.memref_squeeze %dma_wait3A_80 : memref<1x448xi32, #tpu.memory_space<hbm>> -> memref<448xi32, #tpu.memory_space<hbm>>
        tpu.wait_dma2 semaphore(%run_scoped3A : memref<!tpu.dma_semaphore, #tpu.memory_space<semaphore_mem>>) src(%dma_wait3A_81 : memref<448xi32, #tpu.memory_space<hbm>>) dst(%arg8 : memref<448xi32, #tpu.memory_space<vmem>>)
        tpu.yield
      }) : () -> ()
      %gt3A = arith.constant 0 : i32
      %gt3A_40 = arith.cmpi sgt, %scan3A_32, %gt3A : i32
      %convert_element_type3A = arith.extui %gt3A_40 : i1 to i32
      %cond3A = arith.constant 0 : i32
      %cond3A_41 = arith.cmpi ne, %convert_element_type3A, %cond3A : i32
      scf.if %cond3A_41 {
        %dma_wait3A_70 = arith.constant 0 : i32
        %dma_wait3A_71 = tpu.memref_slice %arg5[%add3A_39, %dma_wait3A_70] : memref<1024x22400xf32, #tpu.memory_space<hbm>> -> memref<1x22400xf32, #tpu.memory_space<hbm>>
        %dma_wait3A_72 = tpu.memref_squeeze %dma_wait3A_71 : memref<1x22400xf32, #tpu.memory_space<hbm>> -> memref<22400xf32, #tpu.memory_space<hbm>>
        %dma_wait3A_73 = arith.constant 0 : i32
        %dma_wait3A_74 = tpu.memref_slice %arg5[%add3A_39, %dma_wait3A_73] : memref<1024x22400xf32, #tpu.memory_space<hbm>> -> memref<1x22400xf32, #tpu.memory_space<hbm>>
        %dma_wait3A_75 = tpu.memref_squeeze %dma_wait3A_74 : memref<1x22400xf32, #tpu.memory_space<hbm>> -> memref<22400xf32, #tpu.memory_space<hbm>>
        tpu.wait_dma2 semaphore(%arg12 : memref<!tpu.dma_semaphore, #tpu.memory_space<semaphore_mem>>) src(%arg10 : memref<22400xf32, #tpu.memory_space<vmem>>) dst(%dma_wait3A_75 : memref<22400xf32, #tpu.memory_space<hbm>>)
      } else {
      }
      %parallel_loop3A = arith.constant 0 : i32
      %parallel_loop3A_42 = arith.constant 28 : i32
      %parallel_loop3A_43 = arith.constant 1 : i32
      scf.for %parallel_loop3A_70 = %parallel_loop3A to %parallel_loop3A_42 step %parallel_loop3A_43  : i32 {
        %parallel_loop3A_71 = arith.constant 16 : i32
        %parallel_loop3A_72 = arith.muli %parallel_loop3A_70, %parallel_loop3A_71 : i32
        %parallel_loop3A_73 = arith.index_cast %parallel_loop3A_72 : i32 to index
        %parallel_loop3A_74 = tpu.vector_load %arg8[%parallel_loop3A_73] {strides = array<i32>} : memref<448xi32, #tpu.memory_space<vmem>>, vector<16xi32>,
        %parallel_loop3A_75 = arith.constant 7 : i32
        %parallel_loop3A_76 = arith.constant 0 : i32
        %parallel_loop3A_77 = arith.cmpi eq, %parallel_loop3A_75, %parallel_loop3A_76 : i32
        %parallel_loop3A_78 = arith.constant 1 : i32
        %parallel_loop3A_79 = arith.select %parallel_loop3A_77, %parallel_loop3A_78, %parallel_loop3A_75 : i32
        %parallel_loop3A_80 = arith.remsi %parallel_loop3A_70, %parallel_loop3A_79 : i32
        %parallel_loop3A_81 = arith.constant 0 : i32
        %parallel_loop3A_82 = arith.cmpi ne, %parallel_loop3A_80, %parallel_loop3A_81 : i32
        %parallel_loop3A_83 = arith.constant 0 : i32
        %parallel_loop3A_84 = arith.cmpi slt, %parallel_loop3A_80, %parallel_loop3A_83 : i32
        %parallel_loop3A_85 = arith.constant 0 : i32
        %parallel_loop3A_86 = arith.cmpi slt, %parallel_loop3A_79, %parallel_loop3A_85 : i32
        %parallel_loop3A_87 = arith.xori %parallel_loop3A_84, %parallel_loop3A_86 : i1
        %parallel_loop3A_88 = arith.andi %parallel_loop3A_87, %parallel_loop3A_82 : i1
        %parallel_loop3A_89 = arith.addi %parallel_loop3A_80, %parallel_loop3A_79 : i32
        %parallel_loop3A_90 = arith.select %parallel_loop3A_88, %parallel_loop3A_89, %parallel_loop3A_80 : i32
        %parallel_loop3A_91 = arith.constant 16 : i32
        %parallel_loop3A_92 = arith.muli %parallel_loop3A_90, %parallel_loop3A_91 : i32
        %parallel_loop3A_93 = arith.index_cast %parallel_loop3A_92 : i32 to index
        %parallel_loop3A_94 = tpu.vector_load %arg7[%parallel_loop3A_93] {strides = array<i32>} : memref<112xi32, #tpu.memory_space<vmem>>, vector<16xi32>,
        %parallel_loop3A_95 = arith.addi %parallel_loop3A_74, %parallel_loop3A_94 : vector<16xi32>
        %parallel_loop3A_96 = arith.constant 50 : i32
        %parallel_loop3A_97 = vector.broadcast %parallel_loop3A_96 : i32 to vector<16xi32>
        %parallel_loop3A_98 = arith.muli %parallel_loop3A_95, %parallel_loop3A_97 : vector<16xi32>
        %parallel_loop3A_99 = arith.constant 0 : i32
        %parallel_loop3A_100 = vector.broadcast %parallel_loop3A_99 : i32 to vector<16x1xi32>
        %parallel_loop3A_101 = vector.shape_cast %parallel_loop3A_100 : vector<16x1xi32> to vector<16xi32>
        %parallel_loop3A_102 = tpu.dynamic_gather %parallel_loop3A_98[%parallel_loop3A_101] in [0] : vector<16xi32>, vector<16xi32> -> vector<16xi32>
        %parallel_loop3A_103 = arith.addi %parallel_loop3A_102, %iota3A : vector<16xi32>
        %parallel_loop3A_104 = arith.constant 0 : i32
        %parallel_loop3A_105 = arith.addi %parallel_loop3A_72, %parallel_loop3A_104 : i32
        %parallel_loop3A_106 = arith.constant 50 : i32
        %parallel_loop3A_107 = arith.muli %parallel_loop3A_105, %parallel_loop3A_106 : i32
        %parallel_loop3A_108 = arith.constant 0 : i32
        %parallel_loop3A_109 = vector.broadcast %parallel_loop3A_108 : i32 to vector<16xi32>
        %parallel_loop3A_110 = arith.addi %parallel_loop3A_103, %parallel_loop3A_109 : vector<16xi32>
        %parallel_loop3A_111 = tpu.vector_load_idx %arg6[%parallel_loop3A_110] : memref<53200xf32, #tpu.memory_space<vmem>>[vector<16xi32>], vector<16xf32>,
        %parallel_loop3A_112 = arith.constant 0 : i32
        %parallel_loop3A_113 = arith.addi %parallel_loop3A_107, %parallel_loop3A_112 : i32
        %parallel_loop3A_114 = arith.index_cast %parallel_loop3A_113 : i32 to index
        %parallel_loop3A_115 = tpu.vector_load %arg10[%parallel_loop3A_114] {strides = array<i32>} : memref<22400xf32, #tpu.memory_space<vmem>>, vector<16xf32>,
        tpu.vector_store %arg10[%parallel_loop3A_114], %parallel_loop3A_111 {strides = array<i32>} : memref<22400xf32, #tpu.memory_space<vmem>>, vector<16xf32>,
        %parallel_loop3A_116 = arith.constant 16 : i32
        %parallel_loop3A_117 = vector.broadcast %parallel_loop3A_116 : i32 to vector<16xi32>
        %parallel_loop3A_118 = arith.addi %parallel_loop3A_103, %parallel_loop3A_117 : vector<16xi32>
        %parallel_loop3A_119 = tpu.vector_load_idx %arg6[%parallel_loop3A_118] : memref<53200xf32, #tpu.memory_space<vmem>>[vector<16xi32>], vector<16xf32>,
        %parallel_loop3A_120 = arith.constant 16 : i32
        %parallel_loop3A_121 = arith.addi %parallel_loop3A_107, %parallel_loop3A_120 : i32
        %parallel_loop3A_122 = arith.index_cast %parallel_loop3A_121 : i32 to index
        %parallel_loop3A_123 = tpu.vector_load %arg10[%parallel_loop3A_122] {strides = array<i32>} : memref<22400xf32, #tpu.memory_space<vmem>>, vector<16xf32>,
        tpu.vector_store %arg10[%parallel_loop3A_122], %parallel_loop3A_119 {strides = array<i32>} : memref<22400xf32, #tpu.memory_space<vmem>>, vector<16xf32>,
        %parallel_loop3A_124 = arith.constant 32 : i32
        %parallel_loop3A_125 = vector.broadcast %parallel_loop3A_124 : i32 to vector<16xi32>
        %parallel_loop3A_126 = arith.addi %parallel_loop3A_103, %parallel_loop3A_125 : vector<16xi32>
        %parallel_loop3A_127 = tpu.vector_load_idx %arg6[%parallel_loop3A_126] : memref<53200xf32, #tpu.memory_space<vmem>>[vector<16xi32>], vector<16xf32>,
        %parallel_loop3A_128 = arith.constant 32 : i32
        %parallel_loop3A_129 = arith.addi %parallel_loop3A_107, %parallel_loop3A_128 : i32
        %parallel_loop3A_130 = arith.index_cast %parallel_loop3A_129 : i32 to index
        %parallel_loop3A_131 = tpu.vector_load %arg10[%parallel_loop3A_130] {strides = array<i32>} : memref<22400xf32, #tpu.memory_space<vmem>>, vector<16xf32>,
        tpu.vector_store %arg10[%parallel_loop3A_130], %parallel_loop3A_127 {strides = array<i32>} : memref<22400xf32, #tpu.memory_space<vmem>>, vector<16xf32>,
        %parallel_loop3A_132 = arith.constant 34 : i32
        %parallel_loop3A_133 = vector.broadcast %parallel_loop3A_132 : i32 to vector<16xi32>
        %parallel_loop3A_134 = arith.addi %parallel_loop3A_103, %parallel_loop3A_133 : vector<16xi32>
        %parallel_loop3A_135 = tpu.vector_load_idx %arg6[%parallel_loop3A_134] : memref<53200xf32, #tpu.memory_space<vmem>>[vector<16xi32>], vector<16xf32>,
        %parallel_loop3A_136 = arith.constant 34 : i32
        %parallel_loop3A_137 = arith.addi %parallel_loop3A_107, %parallel_loop3A_136 : i32
        %parallel_loop3A_138 = arith.index_cast %parallel_loop3A_137 : i32 to index
        %parallel_loop3A_139 = tpu.vector_load %arg10[%parallel_loop3A_138] {strides = array<i32>} : memref<22400xf32, #tpu.memory_space<vmem>>, vector<16xf32>,
        tpu.vector_store %arg10[%parallel_loop3A_138], %parallel_loop3A_135 {strides = array<i32>} : memref<22400xf32, #tpu.memory_space<vmem>>, vector<16xf32>,
        %parallel_loop3A_140 = arith.constant 1 : i32
        %parallel_loop3A_141 = vector.broadcast %parallel_loop3A_140 : i32 to vector<16x1xi32>
        %parallel_loop3A_142 = vector.shape_cast %parallel_loop3A_141 : vector<16x1xi32> to vector<16xi32>
        %parallel_loop3A_143 = tpu.dynamic_gather %parallel_loop3A_98[%parallel_loop3A_142] in [0] : vector<16xi32>, vector<16xi32> -> vector<16xi32>
        %parallel_loop3A_144 = arith.addi %parallel_loop3A_143, %iota3A : vector<16xi32>
        %parallel_loop3A_145 = arith.constant 1 : i32
        %parallel_loop3A_146 = arith.addi %parallel_loop3A_72, %parallel_loop3A_145 : i32
        %parallel_loop3A_147 = arith.constant 50 : i32
        %parallel_loop3A_148 = arith.muli %parallel_loop3A_146, %parallel_loop3A_147 : i32
        %parallel_loop3A_149 = arith.constant 0 : i32
        %parallel_loop3A_150 = vector.broadcast %parallel_loop3A_149 : i32 to vector<16xi32>
        %parallel_loop3A_151 = arith.addi %parallel_loop3A_144, %parallel_loop3A_150 : vector<16xi32>
        %parallel_loop3A_152 = tpu.vector_load_idx %arg6[%parallel_loop3A_151] : memref<53200xf32, #tpu.memory_space<vmem>>[vector<16xi32>], vector<16xf32>,
        %parallel_loop3A_153 = arith.constant 0 : i32
        %parallel_loop3A_154 = arith.addi %parallel_loop3A_148, %parallel_loop3A_153 : i32
        %parallel_loop3A_155 = arith.index_cast %parallel_loop3A_154 : i32 to index
        %parallel_loop3A_156 = tpu.vector_load %arg10[%parallel_loop3A_155] {strides = array<i32>} : memref<22400xf32, #tpu.memory_space<vmem>>, vector<16xf32>,
        tpu.vector_store %arg10[%parallel_loop3A_155], %parallel_loop3A_152 {strides = array<i32>} : memref<22400xf32, #tpu.memory_space<vmem>>, vector<16xf32>,
        %parallel_loop3A_157 = arith.constant 16 : i32
        %parallel_loop3A_158 = vector.broadcast %parallel_loop3A_157 : i32 to vector<16xi32>
        %parallel_loop3A_159 = arith.addi %parallel_loop3A_144, %parallel_loop3A_158 : vector<16xi32>
        %parallel_loop3A_160 = tpu.vector_load_idx %arg6[%parallel_loop3A_159] : memref<53200xf32, #tpu.memory_space<vmem>>[vector<16xi32>], vector<16xf32>,
        %parallel_loop3A_161 = arith.constant 16 : i32
        %parallel_loop3A_162 = arith.addi %parallel_loop3A_148, %parallel_loop3A_161 : i32
        %parallel_loop3A_163 = arith.index_cast %parallel_loop3A_162 : i32 to index
        %parallel_loop3A_164 = tpu.vector_load %arg10[%parallel_loop3A_163] {strides = array<i32>} : memref<22400xf32, #tpu.memory_space<vmem>>, vector<16xf32>,
        tpu.vector_store %arg10[%parallel_loop3A_163], %parallel_loop3A_160 {strides = array<i32>} : memref<22400xf32, #tpu.memory_space<vmem>>, vector<16xf32>,
        %parallel_loop3A_165 = arith.constant 32 : i32
        %parallel_loop3A_166 = vector.broadcast %parallel_loop3A_165 : i32 to vector<16xi32>
        %parallel_loop3A_167 = arith.addi %parallel_loop3A_144, %parallel_loop3A_166 : vector<16xi32>
        %parallel_loop3A_168 = tpu.vector_load_idx %arg6[%parallel_loop3A_167] : memref<53200xf32, #tpu.memory_space<vmem>>[vector<16xi32>], vector<16xf32>,
        %parallel_loop3A_169 = arith.constant 32 : i32
        %parallel_loop3A_170 = arith.addi %parallel_loop3A_148, %parallel_loop3A_169 : i32
        %parallel_loop3A_171 = arith.index_cast %parallel_loop3A_170 : i32 to index
        %parallel_loop3A_172 = tpu.vector_load %arg10[%parallel_loop3A_171] {strides = array<i32>} : memref<22400xf32, #tpu.memory_space<vmem>>, vector<16xf32>,
        tpu.vector_store %arg10[%parallel_loop3A_171], %parallel_loop3A_168 {strides = array<i32>} : memref<22400xf32, #tpu.memory_space<vmem>>, vector<16xf32>,
        %parallel_loop3A_173 = arith.constant 34 : i32
        %parallel_loop3A_174 = vector.broadcast %parallel_loop3A_173 : i32 to vector<16xi32>
        %parallel_loop3A_175 = arith.addi %parallel_loop3A_144, %parallel_loop3A_174 : vector<16xi32>
        %parallel_loop3A_176 = tpu.vector_load_idx %arg6[%parallel_loop3A_175] : memref<53200xf32, #tpu.memory_space<vmem>>[vector<16xi32>], vector<16xf32>,
        %parallel_loop3A_177 = arith.constant 34 : i32
        %parallel_loop3A_178 = arith.addi %parallel_loop3A_148, %parallel_loop3A_177 : i32
        %parallel_loop3A_179 = arith.index_cast %parallel_loop3A_178 : i32 to index
        %parallel_loop3A_180 = tpu.vector_load %arg10[%parallel_loop3A_179] {strides = array<i32>} : memref<22400xf32, #tpu.memory_space<vmem>>, vector<16xf32>,
        tpu.vector_store %arg10[%parallel_loop3A_179], %parallel_loop3A_176 {strides = array<i32>} : memref<22400xf32, #tpu.memory_space<vmem>>, vector<16xf32>,
        %parallel_loop3A_181 = arith.constant 2 : i32
        %parallel_loop3A_182 = vector.broadcast %parallel_loop3A_181 : i32 to vector<16x1xi32>
        %parallel_loop3A_183 = vector.shape_cast %parallel_loop3A_182 : vector<16x1xi32> to vector<16xi32>
        %parallel_loop3A_184 = tpu.dynamic_gather %parallel_loop3A_98[%parallel_loop3A_183] in [0] : vector<16xi32>, vector<16xi32> -> vector<16xi32>
        %parallel_loop3A_185 = arith.addi %parallel_loop3A_184, %iota3A : vector<16xi32>
        %parallel_loop3A_186 = arith.constant 2 : i32
        %parallel_loop3A_187 = arith.addi %parallel_loop3A_72, %parallel_loop3A_186 : i32
        %parallel_loop3A_188 = arith.constant 50 : i32
        %parallel_loop3A_189 = arith.muli %parallel_loop3A_187, %parallel_loop3A_188 : i32
        %parallel_loop3A_190 = arith.constant 0 : i32
        %parallel_loop3A_191 = vector.broadcast %parallel_loop3A_190 : i32 to vector<16xi32>
        %parallel_loop3A_192 = arith.addi %parallel_loop3A_185, %parallel_loop3A_191 : vector<16xi32>
        %parallel_loop3A_193 = tpu.vector_load_idx %arg6[%parallel_loop3A_192] : memref<53200xf32, #tpu.memory_space<vmem>>[vector<16xi32>], vector<16xf32>,
        %parallel_loop3A_194 = arith.constant 0 : i32
        %parallel_loop3A_195 = arith.addi %parallel_loop3A_189, %parallel_loop3A_194 : i32
        %parallel_loop3A_196 = arith.index_cast %parallel_loop3A_195 : i32 to index
        %parallel_loop3A_197 = tpu.vector_load %arg10[%parallel_loop3A_196] {strides = array<i32>} : memref<22400xf32, #tpu.memory_space<vmem>>, vector<16xf32>,
        tpu.vector_store %arg10[%parallel_loop3A_196], %parallel_loop3A_193 {strides = array<i32>} : memref<22400xf32, #tpu.memory_space<vmem>>, vector<16xf32>,
        %parallel_loop3A_198 = arith.constant 16 : i32
        %parallel_loop3A_199 = vector.broadcast %parallel_loop3A_198 : i32 to vector<16xi32>
        %parallel_loop3A_200 = arith.addi %parallel_loop3A_185, %parallel_loop3A_199 : vector<16xi32>
        %parallel_loop3A_201 = tpu.vector_load_idx %arg6[%parallel_loop3A_200] : memref<53200xf32, #tpu.memory_space<vmem>>[vector<16xi32>], vector<16xf32>,
        %parallel_loop3A_202 = arith.constant 16 : i32
        %parallel_loop3A_203 = arith.addi %parallel_loop3A_189, %parallel_loop3A_202 : i32
        %parallel_loop3A_204 = arith.index_cast %parallel_loop3A_203 : i32 to index
        %parallel_loop3A_205 = tpu.vector_load %arg10[%parallel_loop3A_204] {strides = array<i32>} : memref<22400xf32, #tpu.memory_space<vmem>>, vector<16xf32>,
        tpu.vector_store %arg10[%parallel_loop3A_204], %parallel_loop3A_201 {strides = array<i32>} : memref<22400xf32, #tpu.memory_space<vmem>>, vector<16xf32>,
        %parallel_loop3A_206 = arith.constant 32 : i32
        %parallel_loop3A_207 = vector.broadcast %parallel_loop3A_206 : i32 to vector<16xi32>
        %parallel_loop3A_208 = arith.addi %parallel_loop3A_185, %parallel_loop3A_207 : vector<16xi32>
        %parallel_loop3A_209 = tpu.vector_load_idx %arg6[%parallel_loop3A_208] : memref<53200xf32, #tpu.memory_space<vmem>>[vector<16xi32>], vector<16xf32>,
        %parallel_loop3A_210 = arith.constant 32 : i32
        %parallel_loop3A_211 = arith.addi %parallel_loop3A_189, %parallel_loop3A_210 : i32
        %parallel_loop3A_212 = arith.index_cast %parallel_loop3A_211 : i32 to index
        %parallel_loop3A_213 = tpu.vector_load %arg10[%parallel_loop3A_212] {strides = array<i32>} : memref<22400xf32, #tpu.memory_space<vmem>>, vector<16xf32>,
        tpu.vector_store %arg10[%parallel_loop3A_212], %parallel_loop3A_209 {strides = array<i32>} : memref<22400xf32, #tpu.memory_space<vmem>>, vector<16xf32>,
        %parallel_loop3A_214 = arith.constant 34 : i32
        %parallel_loop3A_215 = vector.broadcast %parallel_loop3A_214 : i32 to vector<16xi32>
        %parallel_loop3A_216 = arith.addi %parallel_loop3A_185, %parallel_loop3A_215 : vector<16xi32>
        %parallel_loop3A_217 = tpu.vector_load_idx %arg6[%parallel_loop3A_216] : memref<53200xf32, #tpu.memory_space<vmem>>[vector<16xi32>], vector<16xf32>,
        %parallel_loop3A_218 = arith.constant 34 : i32
        %parallel_loop3A_219 = arith.addi %parallel_loop3A_189, %parallel_loop3A_218 : i32
        %parallel_loop3A_220 = arith.index_cast %parallel_loop3A_219 : i32 to index
        %parallel_loop3A_221 = tpu.vector_load %arg10[%parallel_loop3A_220] {strides = array<i32>} : memref<22400xf32, #tpu.memory_space<vmem>>, vector<16xf32>,
        tpu.vector_store %arg10[%parallel_loop3A_220], %parallel_loop3A_217 {strides = array<i32>} : memref<22400xf32, #tpu.memory_space<vmem>>, vector<16xf32>,
        %parallel_loop3A_222 = arith.constant 3 : i32
        %parallel_loop3A_223 = vector.broadcast %parallel_loop3A_222 : i32 to vector<16x1xi32>
        %parallel_loop3A_224 = vector.shape_cast %parallel_loop3A_223 : vector<16x1xi32> to vector<16xi32>
        %parallel_loop3A_225 = tpu.dynamic_gather %parallel_loop3A_98[%parallel_loop3A_224] in [0] : vector<16xi32>, vector<16xi32> -> vector<16xi32>
        %parallel_loop3A_226 = arith.addi %parallel_loop3A_225, %iota3A : vector<16xi32>
        %parallel_loop3A_227 = arith.constant 3 : i32
        %parallel_loop3A_228 = arith.addi %parallel_loop3A_72, %parallel_loop3A_227 : i32
        %parallel_loop3A_229 = arith.constant 50 : i32
        %parallel_loop3A_230 = arith.muli %parallel_loop3A_228, %parallel_loop3A_229 : i32
        %parallel_loop3A_231 = arith.constant 0 : i32
        %parallel_loop3A_232 = vector.broadcast %parallel_loop3A_231 : i32 to vector<16xi32>
        %parallel_loop3A_233 = arith.addi %parallel_loop3A_226, %parallel_loop3A_232 : vector<16xi32>
        %parallel_loop3A_234 = tpu.vector_load_idx %arg6[%parallel_loop3A_233] : memref<53200xf32, #tpu.memory_space<vmem>>[vector<16xi32>], vector<16xf32>,
        %parallel_loop3A_235 = arith.constant 0 : i32
        %parallel_loop3A_236 = arith.addi %parallel_loop3A_230, %parallel_loop3A_235 : i32
        %parallel_loop3A_237 = arith.index_cast %parallel_loop3A_236 : i32 to index
        %parallel_loop3A_238 = tpu.vector_load %arg10[%parallel_loop3A_237] {strides = array<i32>} : memref<22400xf32, #tpu.memory_space<vmem>>, vector<16xf32>,
        tpu.vector_store %arg10[%parallel_loop3A_237], %parallel_loop3A_234 {strides = array<i32>} : memref<22400xf32, #tpu.memory_space<vmem>>, vector<16xf32>,
        %parallel_loop3A_239 = arith.constant 16 : i32
        %parallel_loop3A_240 = vector.broadcast %parallel_loop3A_239 : i32 to vector<16xi32>
        %parallel_loop3A_241 = arith.addi %parallel_loop3A_226, %parallel_loop3A_240 : vector<16xi32>
        %parallel_loop3A_242 = tpu.vector_load_idx %arg6[%parallel_loop3A_241] : memref<53200xf32, #tpu.memory_space<vmem>>[vector<16xi32>], vector<16xf32>,
        %parallel_loop3A_243 = arith.constant 16 : i32
        %parallel_loop3A_244 = arith.addi %parallel_loop3A_230, %parallel_loop3A_243 : i32
        %parallel_loop3A_245 = arith.index_cast %parallel_loop3A_244 : i32 to index
        %parallel_loop3A_246 = tpu.vector_load %arg10[%parallel_loop3A_245] {strides = array<i32>} : memref<22400xf32, #tpu.memory_space<vmem>>, vector<16xf32>,
        tpu.vector_store %arg10[%parallel_loop3A_245], %parallel_loop3A_242 {strides = array<i32>} : memref<22400xf32, #tpu.memory_space<vmem>>, vector<16xf32>,
        %parallel_loop3A_247 = arith.constant 32 : i32
        %parallel_loop3A_248 = vector.broadcast %parallel_loop3A_247 : i32 to vector<16xi32>
        %parallel_loop3A_249 = arith.addi %parallel_loop3A_226, %parallel_loop3A_248 : vector<16xi32>
        %parallel_loop3A_250 = tpu.vector_load_idx %arg6[%parallel_loop3A_249] : memref<53200xf32, #tpu.memory_space<vmem>>[vector<16xi32>], vector<16xf32>,
        %parallel_loop3A_251 = arith.constant 32 : i32
        %parallel_loop3A_252 = arith.addi %parallel_loop3A_230, %parallel_loop3A_251 : i32
        %parallel_loop3A_253 = arith.index_cast %parallel_loop3A_252 : i32 to index
        %parallel_loop3A_254 = tpu.vector_load %arg10[%parallel_loop3A_253] {strides = array<i32>} : memref<22400xf32, #tpu.memory_space<vmem>>, vector<16xf32>,
        tpu.vector_store %arg10[%parallel_loop3A_253], %parallel_loop3A_250 {strides = array<i32>} : memref<22400xf32, #tpu.memory_space<vmem>>, vector<16xf32>,
        %parallel_loop3A_255 = arith.constant 34 : i32
        %parallel_loop3A_256 = vector.broadcast %parallel_loop3A_255 : i32 to vector<16xi32>
        %parallel_loop3A_257 = arith.addi %parallel_loop3A_226, %parallel_loop3A_256 : vector<16xi32>
        %parallel_loop3A_258 = tpu.vector_load_idx %arg6[%parallel_loop3A_257] : memref<53200xf32, #tpu.memory_space<vmem>>[vector<16xi32>], vector<16xf32>,
        %parallel_loop3A_259 = arith.constant 34 : i32
        %parallel_loop3A_260 = arith.addi %parallel_loop3A_230, %parallel_loop3A_259 : i32
        %parallel_loop3A_261 = arith.index_cast %parallel_loop3A_260 : i32 to index
        %parallel_loop3A_262 = tpu.vector_load %arg10[%parallel_loop3A_261] {strides = array<i32>} : memref<22400xf32, #tpu.memory_space<vmem>>, vector<16xf32>,
        tpu.vector_store %arg10[%parallel_loop3A_261], %parallel_loop3A_258 {strides = array<i32>} : memref<22400xf32, #tpu.memory_space<vmem>>, vector<16xf32>,
        %parallel_loop3A_263 = arith.constant 4 : i32
        %parallel_loop3A_264 = vector.broadcast %parallel_loop3A_263 : i32 to vector<16x1xi32>
        %parallel_loop3A_265 = vector.shape_cast %parallel_loop3A_264 : vector<16x1xi32> to vector<16xi32>
        %parallel_loop3A_266 = tpu.dynamic_gather %parallel_loop3A_98[%parallel_loop3A_265] in [0] : vector<16xi32>, vector<16xi32> -> vector<16xi32>
        %parallel_loop3A_267 = arith.addi %parallel_loop3A_266, %iota3A : vector<16xi32>
        %parallel_loop3A_268 = arith.constant 4 : i32
        %parallel_loop3A_269 = arith.addi %parallel_loop3A_72, %parallel_loop3A_268 : i32
        %parallel_loop3A_270 = arith.constant 50 : i32
        %parallel_loop3A_271 = arith.muli %parallel_loop3A_269, %parallel_loop3A_270 : i32
        %parallel_loop3A_272 = arith.constant 0 : i32
        %parallel_loop3A_273 = vector.broadcast %parallel_loop3A_272 : i32 to vector<16xi32>
        %parallel_loop3A_274 = arith.addi %parallel_loop3A_267, %parallel_loop3A_273 : vector<16xi32>
        %parallel_loop3A_275 = tpu.vector_load_idx %arg6[%parallel_loop3A_274] : memref<53200xf32, #tpu.memory_space<vmem>>[vector<16xi32>], vector<16xf32>,
        %parallel_loop3A_276 = arith.constant 0 : i32
        %parallel_loop3A_277 = arith.addi %parallel_loop3A_271, %parallel_loop3A_276 : i32
        %parallel_loop3A_278 = arith.index_cast %parallel_loop3A_277 : i32 to index
        %parallel_loop3A_279 = tpu.vector_load %arg10[%parallel_loop3A_278] {strides = array<i32>} : memref<22400xf32, #tpu.memory_space<vmem>>, vector<16xf32>,
        tpu.vector_store %arg10[%parallel_loop3A_278], %parallel_loop3A_275 {strides = array<i32>} : memref<22400xf32, #tpu.memory_space<vmem>>, vector<16xf32>,
        %parallel_loop3A_280 = arith.constant 16 : i32
        %parallel_loop3A_281 = vector.broadcast %parallel_loop3A_280 : i32 to vector<16xi32>
        %parallel_loop3A_282 = arith.addi %parallel_loop3A_267, %parallel_loop3A_281 : vector<16xi32>
        %parallel_loop3A_283 = tpu.vector_load_idx %arg6[%parallel_loop3A_282] : memref<53200xf32, #tpu.memory_space<vmem>>[vector<16xi32>], vector<16xf32>,
        %parallel_loop3A_284 = arith.constant 16 : i32
        %parallel_loop3A_285 = arith.addi %parallel_loop3A_271, %parallel_loop3A_284 : i32
        %parallel_loop3A_286 = arith.index_cast %parallel_loop3A_285 : i32 to index
        %parallel_loop3A_287 = tpu.vector_load %arg10[%parallel_loop3A_286] {strides = array<i32>} : memref<22400xf32, #tpu.memory_space<vmem>>, vector<16xf32>,
        tpu.vector_store %arg10[%parallel_loop3A_286], %parallel_loop3A_283 {strides = array<i32>} : memref<22400xf32, #tpu.memory_space<vmem>>, vector<16xf32>,
        %parallel_loop3A_288 = arith.constant 32 : i32
        %parallel_loop3A_289 = vector.broadcast %parallel_loop3A_288 : i32 to vector<16xi32>
        %parallel_loop3A_290 = arith.addi %parallel_loop3A_267, %parallel_loop3A_289 : vector<16xi32>
        %parallel_loop3A_291 = tpu.vector_load_idx %arg6[%parallel_loop3A_290] : memref<53200xf32, #tpu.memory_space<vmem>>[vector<16xi32>], vector<16xf32>,
        %parallel_loop3A_292 = arith.constant 32 : i32
        %parallel_loop3A_293 = arith.addi %parallel_loop3A_271, %parallel_loop3A_292 : i32
        %parallel_loop3A_294 = arith.index_cast %parallel_loop3A_293 : i32 to index
        %parallel_loop3A_295 = tpu.vector_load %arg10[%parallel_loop3A_294] {strides = array<i32>} : memref<22400xf32, #tpu.memory_space<vmem>>, vector<16xf32>,
        tpu.vector_store %arg10[%parallel_loop3A_294], %parallel_loop3A_291 {strides = array<i32>} : memref<22400xf32, #tpu.memory_space<vmem>>, vector<16xf32>,
        %parallel_loop3A_296 = arith.constant 34 : i32
        %parallel_loop3A_297 = vector.broadcast %parallel_loop3A_296 : i32 to vector<16xi32>
        %parallel_loop3A_298 = arith.addi %parallel_loop3A_267, %parallel_loop3A_297 : vector<16xi32>
        %parallel_loop3A_299 = tpu.vector_load_idx %arg6[%parallel_loop3A_298] : memref<53200xf32, #tpu.memory_space<vmem>>[vector<16xi32>], vector<16xf32>,
        %parallel_loop3A_300 = arith.constant 34 : i32
        %parallel_loop3A_301 = arith.addi %parallel_loop3A_271, %parallel_loop3A_300 : i32
        %parallel_loop3A_302 = arith.index_cast %parallel_loop3A_301 : i32 to index
        %parallel_loop3A_303 = tpu.vector_load %arg10[%parallel_loop3A_302] {strides = array<i32>} : memref<22400xf32, #tpu.memory_space<vmem>>, vector<16xf32>,
        tpu.vector_store %arg10[%parallel_loop3A_302], %parallel_loop3A_299 {strides = array<i32>} : memref<22400xf32, #tpu.memory_space<vmem>>, vector<16xf32>,
        %parallel_loop3A_304 = arith.constant 5 : i32
        %parallel_loop3A_305 = vector.broadcast %parallel_loop3A_304 : i32 to vector<16x1xi32>
        %parallel_loop3A_306 = vector.shape_cast %parallel_loop3A_305 : vector<16x1xi32> to vector<16xi32>
        %parallel_loop3A_307 = tpu.dynamic_gather %parallel_loop3A_98[%parallel_loop3A_306] in [0] : vector<16xi32>, vector<16xi32> -> vector<16xi32>
        %parallel_loop3A_308 = arith.addi %parallel_loop3A_307, %iota3A : vector<16xi32>
        %parallel_loop3A_309 = arith.constant 5 : i32
        %parallel_loop3A_310 = arith.addi %parallel_loop3A_72, %parallel_loop3A_309 : i32
        %parallel_loop3A_311 = arith.constant 50 : i32
        %parallel_loop3A_312 = arith.muli %parallel_loop3A_310, %parallel_loop3A_311 : i32
        %parallel_loop3A_313 = arith.constant 0 : i32
        %parallel_loop3A_314 = vector.broadcast %parallel_loop3A_313 : i32 to vector<16xi32>
        %parallel_loop3A_315 = arith.addi %parallel_loop3A_308, %parallel_loop3A_314 : vector<16xi32>
        %parallel_loop3A_316 = tpu.vector_load_idx %arg6[%parallel_loop3A_315] : memref<53200xf32, #tpu.memory_space<vmem>>[vector<16xi32>], vector<16xf32>,
        %parallel_loop3A_317 = arith.constant 0 : i32
        %parallel_loop3A_318 = arith.addi %parallel_loop3A_312, %parallel_loop3A_317 : i32
        %parallel_loop3A_319 = arith.index_cast %parallel_loop3A_318 : i32 to index
        %parallel_loop3A_320 = tpu.vector_load %arg10[%parallel_loop3A_319] {strides = array<i32>} : memref<22400xf32, #tpu.memory_space<vmem>>, vector<16xf32>,
        tpu.vector_store %arg10[%parallel_loop3A_319], %parallel_loop3A_316 {strides = array<i32>} : memref<22400xf32, #tpu.memory_space<vmem>>, vector<16xf32>,
        %parallel_loop3A_321 = arith.constant 16 : i32
        %parallel_loop3A_322 = vector.broadcast %parallel_loop3A_321 : i32 to vector<16xi32>
        %parallel_loop3A_323 = arith.addi %parallel_loop3A_308, %parallel_loop3A_322 : vector<16xi32>
        %parallel_loop3A_324 = tpu.vector_load_idx %arg6[%parallel_loop3A_323] : memref<53200xf32, #tpu.memory_space<vmem>>[vector<16xi32>], vector<16xf32>,
        %parallel_loop3A_325 = arith.constant 16 : i32
        %parallel_loop3A_326 = arith.addi %parallel_loop3A_312, %parallel_loop3A_325 : i32
        %parallel_loop3A_327 = arith.index_cast %parallel_loop3A_326 : i32 to index
        %parallel_loop3A_328 = tpu.vector_load %arg10[%parallel_loop3A_327] {strides = array<i32>} : memref<22400xf32, #tpu.memory_space<vmem>>, vector<16xf32>,
        tpu.vector_store %arg10[%parallel_loop3A_327], %parallel_loop3A_324 {strides = array<i32>} : memref<22400xf32, #tpu.memory_space<vmem>>, vector<16xf32>,
        %parallel_loop3A_329 = arith.constant 32 : i32
        %parallel_loop3A_330 = vector.broadcast %parallel_loop3A_329 : i32 to vector<16xi32>
        %parallel_loop3A_331 = arith.addi %parallel_loop3A_308, %parallel_loop3A_330 : vector<16xi32>
        %parallel_loop3A_332 = tpu.vector_load_idx %arg6[%parallel_loop3A_331] : memref<53200xf32, #tpu.memory_space<vmem>>[vector<16xi32>], vector<16xf32>,
        %parallel_loop3A_333 = arith.constant 32 : i32
        %parallel_loop3A_334 = arith.addi %parallel_loop3A_312, %parallel_loop3A_333 : i32
        %parallel_loop3A_335 = arith.index_cast %parallel_loop3A_334 : i32 to index
        %parallel_loop3A_336 = tpu.vector_load %arg10[%parallel_loop3A_335] {strides = array<i32>} : memref<22400xf32, #tpu.memory_space<vmem>>, vector<16xf32>,
        tpu.vector_store %arg10[%parallel_loop3A_335], %parallel_loop3A_332 {strides = array<i32>} : memref<22400xf32, #tpu.memory_space<vmem>>, vector<16xf32>,
        %parallel_loop3A_337 = arith.constant 34 : i32
        %parallel_loop3A_338 = vector.broadcast %parallel_loop3A_337 : i32 to vector<16xi32>
        %parallel_loop3A_339 = arith.addi %parallel_loop3A_308, %parallel_loop3A_338 : vector<16xi32>
        %parallel_loop3A_340 = tpu.vector_load_idx %arg6[%parallel_loop3A_339] : memref<53200xf32, #tpu.memory_space<vmem>>[vector<16xi32>], vector<16xf32>,
        %parallel_loop3A_341 = arith.constant 34 : i32
        %parallel_loop3A_342 = arith.addi %parallel_loop3A_312, %parallel_loop3A_341 : i32
        %parallel_loop3A_343 = arith.index_cast %parallel_loop3A_342 : i32 to index
        %parallel_loop3A_344 = tpu.vector_load %arg10[%parallel_loop3A_343] {strides = array<i32>} : memref<22400xf32, #tpu.memory_space<vmem>>, vector<16xf32>,
        tpu.vector_store %arg10[%parallel_loop3A_343], %parallel_loop3A_340 {strides = array<i32>} : memref<22400xf32, #tpu.memory_space<vmem>>, vector<16xf32>,
        %parallel_loop3A_345 = arith.constant 6 : i32
        %parallel_loop3A_346 = vector.broadcast %parallel_loop3A_345 : i32 to vector<16x1xi32>
        %parallel_loop3A_347 = vector.shape_cast %parallel_loop3A_346 : vector<16x1xi32> to vector<16xi32>
        %parallel_loop3A_348 = tpu.dynamic_gather %parallel_loop3A_98[%parallel_loop3A_347] in [0] : vector<16xi32>, vector<16xi32> -> vector<16xi32>
        %parallel_loop3A_349 = arith.addi %parallel_loop3A_348, %iota3A : vector<16xi32>
        %parallel_loop3A_350 = arith.constant 6 : i32
        %parallel_loop3A_351 = arith.addi %parallel_loop3A_72, %parallel_loop3A_350 : i32
        %parallel_loop3A_352 = arith.constant 50 : i32
        %parallel_loop3A_353 = arith.muli %parallel_loop3A_351, %parallel_loop3A_352 : i32
        %parallel_loop3A_354 = arith.constant 0 : i32
        %parallel_loop3A_355 = vector.broadcast %parallel_loop3A_354 : i32 to vector<16xi32>
        %parallel_loop3A_356 = arith.addi %parallel_loop3A_349, %parallel_loop3A_355 : vector<16xi32>
        %parallel_loop3A_357 = tpu.vector_load_idx %arg6[%parallel_loop3A_356] : memref<53200xf32, #tpu.memory_space<vmem>>[vector<16xi32>], vector<16xf32>,
        %parallel_loop3A_358 = arith.constant 0 : i32
        %parallel_loop3A_359 = arith.addi %parallel_loop3A_353, %parallel_loop3A_358 : i32
        %parallel_loop3A_360 = arith.index_cast %parallel_loop3A_359 : i32 to index
        %parallel_loop3A_361 = tpu.vector_load %arg10[%parallel_loop3A_360] {strides = array<i32>} : memref<22400xf32, #tpu.memory_space<vmem>>, vector<16xf32>,
        tpu.vector_store %arg10[%parallel_loop3A_360], %parallel_loop3A_357 {strides = array<i32>} : memref<22400xf32, #tpu.memory_space<vmem>>, vector<16xf32>,
        %parallel_loop3A_362 = arith.constant 16 : i32
        %parallel_loop3A_363 = vector.broadcast %parallel_loop3A_362 : i32 to vector<16xi32>
        %parallel_loop3A_364 = arith.addi %parallel_loop3A_349, %parallel_loop3A_363 : vector<16xi32>
        %parallel_loop3A_365 = tpu.vector_load_idx %arg6[%parallel_loop3A_364] : memref<53200xf32, #tpu.memory_space<vmem>>[vector<16xi32>], vector<16xf32>,
        %parallel_loop3A_366 = arith.constant 16 : i32
        %parallel_loop3A_367 = arith.addi %parallel_loop3A_353, %parallel_loop3A_366 : i32
        %parallel_loop3A_368 = arith.index_cast %parallel_loop3A_367 : i32 to index
        %parallel_loop3A_369 = tpu.vector_load %arg10[%parallel_loop3A_368] {strides = array<i32>} : memref<22400xf32, #tpu.memory_space<vmem>>, vector<16xf32>,
        tpu.vector_store %arg10[%parallel_loop3A_368], %parallel_loop3A_365 {strides = array<i32>} : memref<22400xf32, #tpu.memory_space<vmem>>, vector<16xf32>,
        %parallel_loop3A_370 = arith.constant 32 : i32
        %parallel_loop3A_371 = vector.broadcast %parallel_loop3A_370 : i32 to vector<16xi32>
        %parallel_loop3A_372 = arith.addi %parallel_loop3A_349, %parallel_loop3A_371 : vector<16xi32>
        %parallel_loop3A_373 = tpu.vector_load_idx %arg6[%parallel_loop3A_372] : memref<53200xf32, #tpu.memory_space<vmem>>[vector<16xi32>], vector<16xf32>,
        %parallel_loop3A_374 = arith.constant 32 : i32
        %parallel_loop3A_375 = arith.addi %parallel_loop3A_353, %parallel_loop3A_374 : i32
        %parallel_loop3A_376 = arith.index_cast %parallel_loop3A_375 : i32 to index
        %parallel_loop3A_377 = tpu.vector_load %arg10[%parallel_loop3A_376] {strides = array<i32>} : memref<22400xf32, #tpu.memory_space<vmem>>, vector<16xf32>,
        tpu.vector_store %arg10[%parallel_loop3A_376], %parallel_loop3A_373 {strides = array<i32>} : memref<22400xf32, #tpu.memory_space<vmem>>, vector<16xf32>,
        %parallel_loop3A_378 = arith.constant 34 : i32
        %parallel_loop3A_379 = vector.broadcast %parallel_loop3A_378 : i32 to vector<16xi32>
        %parallel_loop3A_380 = arith.addi %parallel_loop3A_349, %parallel_loop3A_379 : vector<16xi32>
        %parallel_loop3A_381 = tpu.vector_load_idx %arg6[%parallel_loop3A_380] : memref<53200xf32, #tpu.memory_space<vmem>>[vector<16xi32>], vector<16xf32>,
        %parallel_loop3A_382 = arith.constant 34 : i32
        %parallel_loop3A_383 = arith.addi %parallel_loop3A_353, %parallel_loop3A_382 : i32
        %parallel_loop3A_384 = arith.index_cast %parallel_loop3A_383 : i32 to index
        %parallel_loop3A_385 = tpu.vector_load %arg10[%parallel_loop3A_384] {strides = array<i32>} : memref<22400xf32, #tpu.memory_space<vmem>>, vector<16xf32>,
        tpu.vector_store %arg10[%parallel_loop3A_384], %parallel_loop3A_381 {strides = array<i32>} : memref<22400xf32, #tpu.memory_space<vmem>>, vector<16xf32>,
        %parallel_loop3A_386 = arith.constant 7 : i32
        %parallel_loop3A_387 = vector.broadcast %parallel_loop3A_386 : i32 to vector<16x1xi32>
        %parallel_loop3A_388 = vector.shape_cast %parallel_loop3A_387 : vector<16x1xi32> to vector<16xi32>
        %parallel_loop3A_389 = tpu.dynamic_gather %parallel_loop3A_98[%parallel_loop3A_388] in [0] : vector<16xi32>, vector<16xi32> -> vector<16xi32>
        %parallel_loop3A_390 = arith.addi %parallel_loop3A_389, %iota3A : vector<16xi32>
        %parallel_loop3A_391 = arith.constant 7 : i32
        %parallel_loop3A_392 = arith.addi %parallel_loop3A_72, %parallel_loop3A_391 : i32
        %parallel_loop3A_393 = arith.constant 50 : i32
        %parallel_loop3A_394 = arith.muli %parallel_loop3A_392, %parallel_loop3A_393 : i32
        %parallel_loop3A_395 = arith.constant 0 : i32
        %parallel_loop3A_396 = vector.broadcast %parallel_loop3A_395 : i32 to vector<16xi32>
        %parallel_loop3A_397 = arith.addi %parallel_loop3A_390, %parallel_loop3A_396 : vector<16xi32>
        %parallel_loop3A_398 = tpu.vector_load_idx %arg6[%parallel_loop3A_397] : memref<53200xf32, #tpu.memory_space<vmem>>[vector<16xi32>], vector<16xf32>,
        %parallel_loop3A_399 = arith.constant 0 : i32
        %parallel_loop3A_400 = arith.addi %parallel_loop3A_394, %parallel_loop3A_399 : i32
        %parallel_loop3A_401 = arith.index_cast %parallel_loop3A_400 : i32 to index
        %parallel_loop3A_402 = tpu.vector_load %arg10[%parallel_loop3A_401] {strides = array<i32>} : memref<22400xf32, #tpu.memory_space<vmem>>, vector<16xf32>,
        tpu.vector_store %arg10[%parallel_loop3A_401], %parallel_loop3A_398 {strides = array<i32>} : memref<22400xf32, #tpu.memory_space<vmem>>, vector<16xf32>,
        %parallel_loop3A_403 = arith.constant 16 : i32
        %parallel_loop3A_404 = vector.broadcast %parallel_loop3A_403 : i32 to vector<16xi32>
        %parallel_loop3A_405 = arith.addi %parallel_loop3A_390, %parallel_loop3A_404 : vector<16xi32>
        %parallel_loop3A_406 = tpu.vector_load_idx %arg6[%parallel_loop3A_405] : memref<53200xf32, #tpu.memory_space<vmem>>[vector<16xi32>], vector<16xf32>,
        %parallel_loop3A_407 = arith.constant 16 : i32
        %parallel_loop3A_408 = arith.addi %parallel_loop3A_394, %parallel_loop3A_407 : i32
        %parallel_loop3A_409 = arith.index_cast %parallel_loop3A_408 : i32 to index
        %parallel_loop3A_410 = tpu.vector_load %arg10[%parallel_loop3A_409] {strides = array<i32>} : memref<22400xf32, #tpu.memory_space<vmem>>, vector<16xf32>,
        tpu.vector_store %arg10[%parallel_loop3A_409], %parallel_loop3A_406 {strides = array<i32>} : memref<22400xf32, #tpu.memory_space<vmem>>, vector<16xf32>,
        %parallel_loop3A_411 = arith.constant 32 : i32
        %parallel_loop3A_412 = vector.broadcast %parallel_loop3A_411 : i32 to vector<16xi32>
        %parallel_loop3A_413 = arith.addi %parallel_loop3A_390, %parallel_loop3A_412 : vector<16xi32>
        %parallel_loop3A_414 = tpu.vector_load_idx %arg6[%parallel_loop3A_413] : memref<53200xf32, #tpu.memory_space<vmem>>[vector<16xi32>], vector<16xf32>,
        %parallel_loop3A_415 = arith.constant 32 : i32
        %parallel_loop3A_416 = arith.addi %parallel_loop3A_394, %parallel_loop3A_415 : i32
        %parallel_loop3A_417 = arith.index_cast %parallel_loop3A_416 : i32 to index
        %parallel_loop3A_418 = tpu.vector_load %arg10[%parallel_loop3A_417] {strides = array<i32>} : memref<22400xf32, #tpu.memory_space<vmem>>, vector<16xf32>,
        tpu.vector_store %arg10[%parallel_loop3A_417], %parallel_loop3A_414 {strides = array<i32>} : memref<22400xf32, #tpu.memory_space<vmem>>, vector<16xf32>,
        %parallel_loop3A_419 = arith.constant 34 : i32
        %parallel_loop3A_420 = vector.broadcast %parallel_loop3A_419 : i32 to vector<16xi32>
        %parallel_loop3A_421 = arith.addi %parallel_loop3A_390, %parallel_loop3A_420 : vector<16xi32>
        %parallel_loop3A_422 = tpu.vector_load_idx %arg6[%parallel_loop3A_421] : memref<53200xf32, #tpu.memory_space<vmem>>[vector<16xi32>], vector<16xf32>,
        %parallel_loop3A_423 = arith.constant 34 : i32
        %parallel_loop3A_424 = arith.addi %parallel_loop3A_394, %parallel_loop3A_423 : i32
        %parallel_loop3A_425 = arith.index_cast %parallel_loop3A_424 : i32 to index
        %parallel_loop3A_426 = tpu.vector_load %arg10[%parallel_loop3A_425] {strides = array<i32>} : memref<22400xf32, #tpu.memory_space<vmem>>, vector<16xf32>,
        tpu.vector_store %arg10[%parallel_loop3A_425], %parallel_loop3A_422 {strides = array<i32>} : memref<22400xf32, #tpu.memory_space<vmem>>, vector<16xf32>,
        %parallel_loop3A_427 = arith.constant 8 : i32
        %parallel_loop3A_428 = vector.broadcast %parallel_loop3A_427 : i32 to vector<16x1xi32>
        %parallel_loop3A_429 = vector.shape_cast %parallel_loop3A_428 : vector<16x1xi32> to vector<16xi32>
        %parallel_loop3A_430 = tpu.dynamic_gather %parallel_loop3A_98[%parallel_loop3A_429] in [0] : vector<16xi32>, vector<16xi32> -> vector<16xi32>
        %parallel_loop3A_431 = arith.addi %parallel_loop3A_430, %iota3A : vector<16xi32>
        %parallel_loop3A_432 = arith.constant 8 : i32
        %parallel_loop3A_433 = arith.addi %parallel_loop3A_72, %parallel_loop3A_432 : i32
        %parallel_loop3A_434 = arith.constant 50 : i32
        %parallel_loop3A_435 = arith.muli %parallel_loop3A_433, %parallel_loop3A_434 : i32
        %parallel_loop3A_436 = arith.constant 0 : i32
        %parallel_loop3A_437 = vector.broadcast %parallel_loop3A_436 : i32 to vector<16xi32>
        %parallel_loop3A_438 = arith.addi %parallel_loop3A_431, %parallel_loop3A_437 : vector<16xi32>
        %parallel_loop3A_439 = tpu.vector_load_idx %arg6[%parallel_loop3A_438] : memref<53200xf32, #tpu.memory_space<vmem>>[vector<16xi32>], vector<16xf32>,
        %parallel_loop3A_440 = arith.constant 0 : i32
        %parallel_loop3A_441 = arith.addi %parallel_loop3A_435, %parallel_loop3A_440 : i32
        %parallel_loop3A_442 = arith.index_cast %parallel_loop3A_441 : i32 to index
        %parallel_loop3A_443 = tpu.vector_load %arg10[%parallel_loop3A_442] {strides = array<i32>} : memref<22400xf32, #tpu.memory_space<vmem>>, vector<16xf32>,
        tpu.vector_store %arg10[%parallel_loop3A_442], %parallel_loop3A_439 {strides = array<i32>} : memref<22400xf32, #tpu.memory_space<vmem>>, vector<16xf32>,
        %parallel_loop3A_444 = arith.constant 16 : i32
        %parallel_loop3A_445 = vector.broadcast %parallel_loop3A_444 : i32 to vector<16xi32>
        %parallel_loop3A_446 = arith.addi %parallel_loop3A_431, %parallel_loop3A_445 : vector<16xi32>
        %parallel_loop3A_447 = tpu.vector_load_idx %arg6[%parallel_loop3A_446] : memref<53200xf32, #tpu.memory_space<vmem>>[vector<16xi32>], vector<16xf32>,
        %parallel_loop3A_448 = arith.constant 16 : i32
        %parallel_loop3A_449 = arith.addi %parallel_loop3A_435, %parallel_loop3A_448 : i32
        %parallel_loop3A_450 = arith.index_cast %parallel_loop3A_449 : i32 to index
        %parallel_loop3A_451 = tpu.vector_load %arg10[%parallel_loop3A_450] {strides = array<i32>} : memref<22400xf32, #tpu.memory_space<vmem>>, vector<16xf32>,
        tpu.vector_store %arg10[%parallel_loop3A_450], %parallel_loop3A_447 {strides = array<i32>} : memref<22400xf32, #tpu.memory_space<vmem>>, vector<16xf32>,
        %parallel_loop3A_452 = arith.constant 32 : i32
        %parallel_loop3A_453 = vector.broadcast %parallel_loop3A_452 : i32 to vector<16xi32>
        %parallel_loop3A_454 = arith.addi %parallel_loop3A_431, %parallel_loop3A_453 : vector<16xi32>
        %parallel_loop3A_455 = tpu.vector_load_idx %arg6[%parallel_loop3A_454] : memref<53200xf32, #tpu.memory_space<vmem>>[vector<16xi32>], vector<16xf32>,
        %parallel_loop3A_456 = arith.constant 32 : i32
        %parallel_loop3A_457 = arith.addi %parallel_loop3A_435, %parallel_loop3A_456 : i32
        %parallel_loop3A_458 = arith.index_cast %parallel_loop3A_457 : i32 to index
        %parallel_loop3A_459 = tpu.vector_load %arg10[%parallel_loop3A_458] {strides = array<i32>} : memref<22400xf32, #tpu.memory_space<vmem>>, vector<16xf32>,
        tpu.vector_store %arg10[%parallel_loop3A_458], %parallel_loop3A_455 {strides = array<i32>} : memref<22400xf32, #tpu.memory_space<vmem>>, vector<16xf32>,
        %parallel_loop3A_460 = arith.constant 34 : i32
        %parallel_loop3A_461 = vector.broadcast %parallel_loop3A_460 : i32 to vector<16xi32>
        %parallel_loop3A_462 = arith.addi %parallel_loop3A_431, %parallel_loop3A_461 : vector<16xi32>
        %parallel_loop3A_463 = tpu.vector_load_idx %arg6[%parallel_loop3A_462] : memref<53200xf32, #tpu.memory_space<vmem>>[vector<16xi32>], vector<16xf32>,
        %parallel_loop3A_464 = arith.constant 34 : i32
        %parallel_loop3A_465 = arith.addi %parallel_loop3A_435, %parallel_loop3A_464 : i32
        %parallel_loop3A_466 = arith.index_cast %parallel_loop3A_465 : i32 to index
        %parallel_loop3A_467 = tpu.vector_load %arg10[%parallel_loop3A_466] {strides = array<i32>} : memref<22400xf32, #tpu.memory_space<vmem>>, vector<16xf32>,
        tpu.vector_store %arg10[%parallel_loop3A_466], %parallel_loop3A_463 {strides = array<i32>} : memref<22400xf32, #tpu.memory_space<vmem>>, vector<16xf32>,
        %parallel_loop3A_468 = arith.constant 9 : i32
        %parallel_loop3A_469 = vector.broadcast %parallel_loop3A_468 : i32 to vector<16x1xi32>
        %parallel_loop3A_470 = vector.shape_cast %parallel_loop3A_469 : vector<16x1xi32> to vector<16xi32>
        %parallel_loop3A_471 = tpu.dynamic_gather %parallel_loop3A_98[%parallel_loop3A_470] in [0] : vector<16xi32>, vector<16xi32> -> vector<16xi32>
        %parallel_loop3A_472 = arith.addi %parallel_loop3A_471, %iota3A : vector<16xi32>
        %parallel_loop3A_473 = arith.constant 9 : i32
        %parallel_loop3A_474 = arith.addi %parallel_loop3A_72, %parallel_loop3A_473 : i32
        %parallel_loop3A_475 = arith.constant 50 : i32
        %parallel_loop3A_476 = arith.muli %parallel_loop3A_474, %parallel_loop3A_475 : i32
        %parallel_loop3A_477 = arith.constant 0 : i32
        %parallel_loop3A_478 = vector.broadcast %parallel_loop3A_477 : i32 to vector<16xi32>
        %parallel_loop3A_479 = arith.addi %parallel_loop3A_472, %parallel_loop3A_478 : vector<16xi32>
        %parallel_loop3A_480 = tpu.vector_load_idx %arg6[%parallel_loop3A_479] : memref<53200xf32, #tpu.memory_space<vmem>>[vector<16xi32>], vector<16xf32>,
        %parallel_loop3A_481 = arith.constant 0 : i32
        %parallel_loop3A_482 = arith.addi %parallel_loop3A_476, %parallel_loop3A_481 : i32
        %parallel_loop3A_483 = arith.index_cast %parallel_loop3A_482 : i32 to index
        %parallel_loop3A_484 = tpu.vector_load %arg10[%parallel_loop3A_483] {strides = array<i32>} : memref<22400xf32, #tpu.memory_space<vmem>>, vector<16xf32>,
        tpu.vector_store %arg10[%parallel_loop3A_483], %parallel_loop3A_480 {strides = array<i32>} : memref<22400xf32, #tpu.memory_space<vmem>>, vector<16xf32>,
        %parallel_loop3A_485 = arith.constant 16 : i32
        %parallel_loop3A_486 = vector.broadcast %parallel_loop3A_485 : i32 to vector<16xi32>
        %parallel_loop3A_487 = arith.addi %parallel_loop3A_472, %parallel_loop3A_486 : vector<16xi32>
        %parallel_loop3A_488 = tpu.vector_load_idx %arg6[%parallel_loop3A_487] : memref<53200xf32, #tpu.memory_space<vmem>>[vector<16xi32>], vector<16xf32>,
        %parallel_loop3A_489 = arith.constant 16 : i32
        %parallel_loop3A_490 = arith.addi %parallel_loop3A_476, %parallel_loop3A_489 : i32
        %parallel_loop3A_491 = arith.index_cast %parallel_loop3A_490 : i32 to index
        %parallel_loop3A_492 = tpu.vector_load %arg10[%parallel_loop3A_491] {strides = array<i32>} : memref<22400xf32, #tpu.memory_space<vmem>>, vector<16xf32>,
        tpu.vector_store %arg10[%parallel_loop3A_491], %parallel_loop3A_488 {strides = array<i32>} : memref<22400xf32, #tpu.memory_space<vmem>>, vector<16xf32>,
        %parallel_loop3A_493 = arith.constant 32 : i32
        %parallel_loop3A_494 = vector.broadcast %parallel_loop3A_493 : i32 to vector<16xi32>
        %parallel_loop3A_495 = arith.addi %parallel_loop3A_472, %parallel_loop3A_494 : vector<16xi32>
        %parallel_loop3A_496 = tpu.vector_load_idx %arg6[%parallel_loop3A_495] : memref<53200xf32, #tpu.memory_space<vmem>>[vector<16xi32>], vector<16xf32>,
        %parallel_loop3A_497 = arith.constant 32 : i32
        %parallel_loop3A_498 = arith.addi %parallel_loop3A_476, %parallel_loop3A_497 : i32
        %parallel_loop3A_499 = arith.index_cast %parallel_loop3A_498 : i32 to index
        %parallel_loop3A_500 = tpu.vector_load %arg10[%parallel_loop3A_499] {strides = array<i32>} : memref<22400xf32, #tpu.memory_space<vmem>>, vector<16xf32>,
        tpu.vector_store %arg10[%parallel_loop3A_499], %parallel_loop3A_496 {strides = array<i32>} : memref<22400xf32, #tpu.memory_space<vmem>>, vector<16xf32>,
        %parallel_loop3A_501 = arith.constant 34 : i32
        %parallel_loop3A_502 = vector.broadcast %parallel_loop3A_501 : i32 to vector<16xi32>
        %parallel_loop3A_503 = arith.addi %parallel_loop3A_472, %parallel_loop3A_502 : vector<16xi32>
        %parallel_loop3A_504 = tpu.vector_load_idx %arg6[%parallel_loop3A_503] : memref<53200xf32, #tpu.memory_space<vmem>>[vector<16xi32>], vector<16xf32>,
        %parallel_loop3A_505 = arith.constant 34 : i32
        %parallel_loop3A_506 = arith.addi %parallel_loop3A_476, %parallel_loop3A_505 : i32
        %parallel_loop3A_507 = arith.index_cast %parallel_loop3A_506 : i32 to index
        %parallel_loop3A_508 = tpu.vector_load %arg10[%parallel_loop3A_507] {strides = array<i32>} : memref<22400xf32, #tpu.memory_space<vmem>>, vector<16xf32>,
        tpu.vector_store %arg10[%parallel_loop3A_507], %parallel_loop3A_504 {strides = array<i32>} : memref<22400xf32, #tpu.memory_space<vmem>>, vector<16xf32>,
        %parallel_loop3A_509 = arith.constant 10 : i32
        %parallel_loop3A_510 = vector.broadcast %parallel_loop3A_509 : i32 to vector<16x1xi32>
        %parallel_loop3A_511 = vector.shape_cast %parallel_loop3A_510 : vector<16x1xi32> to vector<16xi32>
        %parallel_loop3A_512 = tpu.dynamic_gather %parallel_loop3A_98[%parallel_loop3A_511] in [0] : vector<16xi32>, vector<16xi32> -> vector<16xi32>
        %parallel_loop3A_513 = arith.addi %parallel_loop3A_512, %iota3A : vector<16xi32>
        %parallel_loop3A_514 = arith.constant 10 : i32
        %parallel_loop3A_515 = arith.addi %parallel_loop3A_72, %parallel_loop3A_514 : i32
        %parallel_loop3A_516 = arith.constant 50 : i32
        %parallel_loop3A_517 = arith.muli %parallel_loop3A_515, %parallel_loop3A_516 : i32
        %parallel_loop3A_518 = arith.constant 0 : i32
        %parallel_loop3A_519 = vector.broadcast %parallel_loop3A_518 : i32 to vector<16xi32>
        %parallel_loop3A_520 = arith.addi %parallel_loop3A_513, %parallel_loop3A_519 : vector<16xi32>
        %parallel_loop3A_521 = tpu.vector_load_idx %arg6[%parallel_loop3A_520] : memref<53200xf32, #tpu.memory_space<vmem>>[vector<16xi32>], vector<16xf32>,
        %parallel_loop3A_522 = arith.constant 0 : i32
        %parallel_loop3A_523 = arith.addi %parallel_loop3A_517, %parallel_loop3A_522 : i32
        %parallel_loop3A_524 = arith.index_cast %parallel_loop3A_523 : i32 to index
        %parallel_loop3A_525 = tpu.vector_load %arg10[%parallel_loop3A_524] {strides = array<i32>} : memref<22400xf32, #tpu.memory_space<vmem>>, vector<16xf32>,
        tpu.vector_store %arg10[%parallel_loop3A_524], %parallel_loop3A_521 {strides = array<i32>} : memref<22400xf32, #tpu.memory_space<vmem>>, vector<16xf32>,
        %parallel_loop3A_526 = arith.constant 16 : i32
        %parallel_loop3A_527 = vector.broadcast %parallel_loop3A_526 : i32 to vector<16xi32>
        %parallel_loop3A_528 = arith.addi %parallel_loop3A_513, %parallel_loop3A_527 : vector<16xi32>
        %parallel_loop3A_529 = tpu.vector_load_idx %arg6[%parallel_loop3A_528] : memref<53200xf32, #tpu.memory_space<vmem>>[vector<16xi32>], vector<16xf32>,
        %parallel_loop3A_530 = arith.constant 16 : i32
        %parallel_loop3A_531 = arith.addi %parallel_loop3A_517, %parallel_loop3A_530 : i32
        %parallel_loop3A_532 = arith.index_cast %parallel_loop3A_531 : i32 to index
        %parallel_loop3A_533 = tpu.vector_load %arg10[%parallel_loop3A_532] {strides = array<i32>} : memref<22400xf32, #tpu.memory_space<vmem>>, vector<16xf32>,
        tpu.vector_store %arg10[%parallel_loop3A_532], %parallel_loop3A_529 {strides = array<i32>} : memref<22400xf32, #tpu.memory_space<vmem>>, vector<16xf32>,
        %parallel_loop3A_534 = arith.constant 32 : i32
        %parallel_loop3A_535 = vector.broadcast %parallel_loop3A_534 : i32 to vector<16xi32>
        %parallel_loop3A_536 = arith.addi %parallel_loop3A_513, %parallel_loop3A_535 : vector<16xi32>
        %parallel_loop3A_537 = tpu.vector_load_idx %arg6[%parallel_loop3A_536] : memref<53200xf32, #tpu.memory_space<vmem>>[vector<16xi32>], vector<16xf32>,
        %parallel_loop3A_538 = arith.constant 32 : i32
        %parallel_loop3A_539 = arith.addi %parallel_loop3A_517, %parallel_loop3A_538 : i32
        %parallel_loop3A_540 = arith.index_cast %parallel_loop3A_539 : i32 to index
        %parallel_loop3A_541 = tpu.vector_load %arg10[%parallel_loop3A_540] {strides = array<i32>} : memref<22400xf32, #tpu.memory_space<vmem>>, vector<16xf32>,
        tpu.vector_store %arg10[%parallel_loop3A_540], %parallel_loop3A_537 {strides = array<i32>} : memref<22400xf32, #tpu.memory_space<vmem>>, vector<16xf32>,
        %parallel_loop3A_542 = arith.constant 34 : i32
        %parallel_loop3A_543 = vector.broadcast %parallel_loop3A_542 : i32 to vector<16xi32>
        %parallel_loop3A_544 = arith.addi %parallel_loop3A_513, %parallel_loop3A_543 : vector<16xi32>
        %parallel_loop3A_545 = tpu.vector_load_idx %arg6[%parallel_loop3A_544] : memref<53200xf32, #tpu.memory_space<vmem>>[vector<16xi32>], vector<16xf32>,
        %parallel_loop3A_546 = arith.constant 34 : i32
        %parallel_loop3A_547 = arith.addi %parallel_loop3A_517, %parallel_loop3A_546 : i32
        %parallel_loop3A_548 = arith.index_cast %parallel_loop3A_547 : i32 to index
        %parallel_loop3A_549 = tpu.vector_load %arg10[%parallel_loop3A_548] {strides = array<i32>} : memref<22400xf32, #tpu.memory_space<vmem>>, vector<16xf32>,
        tpu.vector_store %arg10[%parallel_loop3A_548], %parallel_loop3A_545 {strides = array<i32>} : memref<22400xf32, #tpu.memory_space<vmem>>, vector<16xf32>,
        %parallel_loop3A_550 = arith.constant 11 : i32
        %parallel_loop3A_551 = vector.broadcast %parallel_loop3A_550 : i32 to vector<16x1xi32>
        %parallel_loop3A_552 = vector.shape_cast %parallel_loop3A_551 : vector<16x1xi32> to vector<16xi32>
        %parallel_loop3A_553 = tpu.dynamic_gather %parallel_loop3A_98[%parallel_loop3A_552] in [0] : vector<16xi32>, vector<16xi32> -> vector<16xi32>
        %parallel_loop3A_554 = arith.addi %parallel_loop3A_553, %iota3A : vector<16xi32>
        %parallel_loop3A_555 = arith.constant 11 : i32
        %parallel_loop3A_556 = arith.addi %parallel_loop3A_72, %parallel_loop3A_555 : i32
        %parallel_loop3A_557 = arith.constant 50 : i32
        %parallel_loop3A_558 = arith.muli %parallel_loop3A_556, %parallel_loop3A_557 : i32
        %parallel_loop3A_559 = arith.constant 0 : i32
        %parallel_loop3A_560 = vector.broadcast %parallel_loop3A_559 : i32 to vector<16xi32>
        %parallel_loop3A_561 = arith.addi %parallel_loop3A_554, %parallel_loop3A_560 : vector<16xi32>
        %parallel_loop3A_562 = tpu.vector_load_idx %arg6[%parallel_loop3A_561] : memref<53200xf32, #tpu.memory_space<vmem>>[vector<16xi32>], vector<16xf32>,
        %parallel_loop3A_563 = arith.constant 0 : i32
        %parallel_loop3A_564 = arith.addi %parallel_loop3A_558, %parallel_loop3A_563 : i32
        %parallel_loop3A_565 = arith.index_cast %parallel_loop3A_564 : i32 to index
        %parallel_loop3A_566 = tpu.vector_load %arg10[%parallel_loop3A_565] {strides = array<i32>} : memref<22400xf32, #tpu.memory_space<vmem>>, vector<16xf32>,
        tpu.vector_store %arg10[%parallel_loop3A_565], %parallel_loop3A_562 {strides = array<i32>} : memref<22400xf32, #tpu.memory_space<vmem>>, vector<16xf32>,
        %parallel_loop3A_567 = arith.constant 16 : i32
        %parallel_loop3A_568 = vector.broadcast %parallel_loop3A_567 : i32 to vector<16xi32>
        %parallel_loop3A_569 = arith.addi %parallel_loop3A_554, %parallel_loop3A_568 : vector<16xi32>
        %parallel_loop3A_570 = tpu.vector_load_idx %arg6[%parallel_loop3A_569] : memref<53200xf32, #tpu.memory_space<vmem>>[vector<16xi32>], vector<16xf32>,
        %parallel_loop3A_571 = arith.constant 16 : i32
        %parallel_loop3A_572 = arith.addi %parallel_loop3A_558, %parallel_loop3A_571 : i32
        %parallel_loop3A_573 = arith.index_cast %parallel_loop3A_572 : i32 to index
        %parallel_loop3A_574 = tpu.vector_load %arg10[%parallel_loop3A_573] {strides = array<i32>} : memref<22400xf32, #tpu.memory_space<vmem>>, vector<16xf32>,
        tpu.vector_store %arg10[%parallel_loop3A_573], %parallel_loop3A_570 {strides = array<i32>} : memref<22400xf32, #tpu.memory_space<vmem>>, vector<16xf32>,
        %parallel_loop3A_575 = arith.constant 32 : i32
        %parallel_loop3A_576 = vector.broadcast %parallel_loop3A_575 : i32 to vector<16xi32>
        %parallel_loop3A_577 = arith.addi %parallel_loop3A_554, %parallel_loop3A_576 : vector<16xi32>
        %parallel_loop3A_578 = tpu.vector_load_idx %arg6[%parallel_loop3A_577] : memref<53200xf32, #tpu.memory_space<vmem>>[vector<16xi32>], vector<16xf32>,
        %parallel_loop3A_579 = arith.constant 32 : i32
        %parallel_loop3A_580 = arith.addi %parallel_loop3A_558, %parallel_loop3A_579 : i32
        %parallel_loop3A_581 = arith.index_cast %parallel_loop3A_580 : i32 to index
        %parallel_loop3A_582 = tpu.vector_load %arg10[%parallel_loop3A_581] {strides = array<i32>} : memref<22400xf32, #tpu.memory_space<vmem>>, vector<16xf32>,
        tpu.vector_store %arg10[%parallel_loop3A_581], %parallel_loop3A_578 {strides = array<i32>} : memref<22400xf32, #tpu.memory_space<vmem>>, vector<16xf32>,
        %parallel_loop3A_583 = arith.constant 34 : i32
        %parallel_loop3A_584 = vector.broadcast %parallel_loop3A_583 : i32 to vector<16xi32>
        %parallel_loop3A_585 = arith.addi %parallel_loop3A_554, %parallel_loop3A_584 : vector<16xi32>
        %parallel_loop3A_586 = tpu.vector_load_idx %arg6[%parallel_loop3A_585] : memref<53200xf32, #tpu.memory_space<vmem>>[vector<16xi32>], vector<16xf32>,
        %parallel_loop3A_587 = arith.constant 34 : i32
        %parallel_loop3A_588 = arith.addi %parallel_loop3A_558, %parallel_loop3A_587 : i32
        %parallel_loop3A_589 = arith.index_cast %parallel_loop3A_588 : i32 to index
        %parallel_loop3A_590 = tpu.vector_load %arg10[%parallel_loop3A_589] {strides = array<i32>} : memref<22400xf32, #tpu.memory_space<vmem>>, vector<16xf32>,
        tpu.vector_store %arg10[%parallel_loop3A_589], %parallel_loop3A_586 {strides = array<i32>} : memref<22400xf32, #tpu.memory_space<vmem>>, vector<16xf32>,
        %parallel_loop3A_591 = arith.constant 12 : i32
        %parallel_loop3A_592 = vector.broadcast %parallel_loop3A_591 : i32 to vector<16x1xi32>
        %parallel_loop3A_593 = vector.shape_cast %parallel_loop3A_592 : vector<16x1xi32> to vector<16xi32>
        %parallel_loop3A_594 = tpu.dynamic_gather %parallel_loop3A_98[%parallel_loop3A_593] in [0] : vector<16xi32>, vector<16xi32> -> vector<16xi32>
        %parallel_loop3A_595 = arith.addi %parallel_loop3A_594, %iota3A : vector<16xi32>
        %parallel_loop3A_596 = arith.constant 12 : i32
        %parallel_loop3A_597 = arith.addi %parallel_loop3A_72, %parallel_loop3A_596 : i32
        %parallel_loop3A_598 = arith.constant 50 : i32
        %parallel_loop3A_599 = arith.muli %parallel_loop3A_597, %parallel_loop3A_598 : i32
        %parallel_loop3A_600 = arith.constant 0 : i32
        %parallel_loop3A_601 = vector.broadcast %parallel_loop3A_600 : i32 to vector<16xi32>
        %parallel_loop3A_602 = arith.addi %parallel_loop3A_595, %parallel_loop3A_601 : vector<16xi32>
        %parallel_loop3A_603 = tpu.vector_load_idx %arg6[%parallel_loop3A_602] : memref<53200xf32, #tpu.memory_space<vmem>>[vector<16xi32>], vector<16xf32>,
        %parallel_loop3A_604 = arith.constant 0 : i32
        %parallel_loop3A_605 = arith.addi %parallel_loop3A_599, %parallel_loop3A_604 : i32
        %parallel_loop3A_606 = arith.index_cast %parallel_loop3A_605 : i32 to index
        %parallel_loop3A_607 = tpu.vector_load %arg10[%parallel_loop3A_606] {strides = array<i32>} : memref<22400xf32, #tpu.memory_space<vmem>>, vector<16xf32>,
        tpu.vector_store %arg10[%parallel_loop3A_606], %parallel_loop3A_603 {strides = array<i32>} : memref<22400xf32, #tpu.memory_space<vmem>>, vector<16xf32>,
        %parallel_loop3A_608 = arith.constant 16 : i32
        %parallel_loop3A_609 = vector.broadcast %parallel_loop3A_608 : i32 to vector<16xi32>
        %parallel_loop3A_610 = arith.addi %parallel_loop3A_595, %parallel_loop3A_609 : vector<16xi32>
        %parallel_loop3A_611 = tpu.vector_load_idx %arg6[%parallel_loop3A_610] : memref<53200xf32, #tpu.memory_space<vmem>>[vector<16xi32>], vector<16xf32>,
        %parallel_loop3A_612 = arith.constant 16 : i32
        %parallel_loop3A_613 = arith.addi %parallel_loop3A_599, %parallel_loop3A_612 : i32
        %parallel_loop3A_614 = arith.index_cast %parallel_loop3A_613 : i32 to index
        %parallel_loop3A_615 = tpu.vector_load %arg10[%parallel_loop3A_614] {strides = array<i32>} : memref<22400xf32, #tpu.memory_space<vmem>>, vector<16xf32>,
        tpu.vector_store %arg10[%parallel_loop3A_614], %parallel_loop3A_611 {strides = array<i32>} : memref<22400xf32, #tpu.memory_space<vmem>>, vector<16xf32>,
        %parallel_loop3A_616 = arith.constant 32 : i32
        %parallel_loop3A_617 = vector.broadcast %parallel_loop3A_616 : i32 to vector<16xi32>
        %parallel_loop3A_618 = arith.addi %parallel_loop3A_595, %parallel_loop3A_617 : vector<16xi32>
        %parallel_loop3A_619 = tpu.vector_load_idx %arg6[%parallel_loop3A_618] : memref<53200xf32, #tpu.memory_space<vmem>>[vector<16xi32>], vector<16xf32>,
        %parallel_loop3A_620 = arith.constant 32 : i32
        %parallel_loop3A_621 = arith.addi %parallel_loop3A_599, %parallel_loop3A_620 : i32
        %parallel_loop3A_622 = arith.index_cast %parallel_loop3A_621 : i32 to index
        %parallel_loop3A_623 = tpu.vector_load %arg10[%parallel_loop3A_622] {strides = array<i32>} : memref<22400xf32, #tpu.memory_space<vmem>>, vector<16xf32>,
        tpu.vector_store %arg10[%parallel_loop3A_622], %parallel_loop3A_619 {strides = array<i32>} : memref<22400xf32, #tpu.memory_space<vmem>>, vector<16xf32>,
        %parallel_loop3A_624 = arith.constant 34 : i32
        %parallel_loop3A_625 = vector.broadcast %parallel_loop3A_624 : i32 to vector<16xi32>
        %parallel_loop3A_626 = arith.addi %parallel_loop3A_595, %parallel_loop3A_625 : vector<16xi32>
        %parallel_loop3A_627 = tpu.vector_load_idx %arg6[%parallel_loop3A_626] : memref<53200xf32, #tpu.memory_space<vmem>>[vector<16xi32>], vector<16xf32>,
        %parallel_loop3A_628 = arith.constant 34 : i32
        %parallel_loop3A_629 = arith.addi %parallel_loop3A_599, %parallel_loop3A_628 : i32
        %parallel_loop3A_630 = arith.index_cast %parallel_loop3A_629 : i32 to index
        %parallel_loop3A_631 = tpu.vector_load %arg10[%parallel_loop3A_630] {strides = array<i32>} : memref<22400xf32, #tpu.memory_space<vmem>>, vector<16xf32>,
        tpu.vector_store %arg10[%parallel_loop3A_630], %parallel_loop3A_627 {strides = array<i32>} : memref<22400xf32, #tpu.memory_space<vmem>>, vector<16xf32>,
        %parallel_loop3A_632 = arith.constant 13 : i32
        %parallel_loop3A_633 = vector.broadcast %parallel_loop3A_632 : i32 to vector<16x1xi32>
        %parallel_loop3A_634 = vector.shape_cast %parallel_loop3A_633 : vector<16x1xi32> to vector<16xi32>
        %parallel_loop3A_635 = tpu.dynamic_gather %parallel_loop3A_98[%parallel_loop3A_634] in [0] : vector<16xi32>, vector<16xi32> -> vector<16xi32>
        %parallel_loop3A_636 = arith.addi %parallel_loop3A_635, %iota3A : vector<16xi32>
        %parallel_loop3A_637 = arith.constant 13 : i32
        %parallel_loop3A_638 = arith.addi %parallel_loop3A_72, %parallel_loop3A_637 : i32
        %parallel_loop3A_639 = arith.constant 50 : i32
        %parallel_loop3A_640 = arith.muli %parallel_loop3A_638, %parallel_loop3A_639 : i32
        %parallel_loop3A_641 = arith.constant 0 : i32
        %parallel_loop3A_642 = vector.broadcast %parallel_loop3A_641 : i32 to vector<16xi32>
        %parallel_loop3A_643 = arith.addi %parallel_loop3A_636, %parallel_loop3A_642 : vector<16xi32>
        %parallel_loop3A_644 = tpu.vector_load_idx %arg6[%parallel_loop3A_643] : memref<53200xf32, #tpu.memory_space<vmem>>[vector<16xi32>], vector<16xf32>,
        %parallel_loop3A_645 = arith.constant 0 : i32
        %parallel_loop3A_646 = arith.addi %parallel_loop3A_640, %parallel_loop3A_645 : i32
        %parallel_loop3A_647 = arith.index_cast %parallel_loop3A_646 : i32 to index
        %parallel_loop3A_648 = tpu.vector_load %arg10[%parallel_loop3A_647] {strides = array<i32>} : memref<22400xf32, #tpu.memory_space<vmem>>, vector<16xf32>,
        tpu.vector_store %arg10[%parallel_loop3A_647], %parallel_loop3A_644 {strides = array<i32>} : memref<22400xf32, #tpu.memory_space<vmem>>, vector<16xf32>,
        %parallel_loop3A_649 = arith.constant 16 : i32
        %parallel_loop3A_650 = vector.broadcast %parallel_loop3A_649 : i32 to vector<16xi32>
        %parallel_loop3A_651 = arith.addi %parallel_loop3A_636, %parallel_loop3A_650 : vector<16xi32>
        %parallel_loop3A_652 = tpu.vector_load_idx %arg6[%parallel_loop3A_651] : memref<53200xf32, #tpu.memory_space<vmem>>[vector<16xi32>], vector<16xf32>,
        %parallel_loop3A_653 = arith.constant 16 : i32
        %parallel_loop3A_654 = arith.addi %parallel_loop3A_640, %parallel_loop3A_653 : i32
        %parallel_loop3A_655 = arith.index_cast %parallel_loop3A_654 : i32 to index
        %parallel_loop3A_656 = tpu.vector_load %arg10[%parallel_loop3A_655] {strides = array<i32>} : memref<22400xf32, #tpu.memory_space<vmem>>, vector<16xf32>,
        tpu.vector_store %arg10[%parallel_loop3A_655], %parallel_loop3A_652 {strides = array<i32>} : memref<22400xf32, #tpu.memory_space<vmem>>, vector<16xf32>,
        %parallel_loop3A_657 = arith.constant 32 : i32
        %parallel_loop3A_658 = vector.broadcast %parallel_loop3A_657 : i32 to vector<16xi32>
        %parallel_loop3A_659 = arith.addi %parallel_loop3A_636, %parallel_loop3A_658 : vector<16xi32>
        %parallel_loop3A_660 = tpu.vector_load_idx %arg6[%parallel_loop3A_659] : memref<53200xf32, #tpu.memory_space<vmem>>[vector<16xi32>], vector<16xf32>,
        %parallel_loop3A_661 = arith.constant 32 : i32
        %parallel_loop3A_662 = arith.addi %parallel_loop3A_640, %parallel_loop3A_661 : i32
        %parallel_loop3A_663 = arith.index_cast %parallel_loop3A_662 : i32 to index
        %parallel_loop3A_664 = tpu.vector_load %arg10[%parallel_loop3A_663] {strides = array<i32>} : memref<22400xf32, #tpu.memory_space<vmem>>, vector<16xf32>,
        tpu.vector_store %arg10[%parallel_loop3A_663], %parallel_loop3A_660 {strides = array<i32>} : memref<22400xf32, #tpu.memory_space<vmem>>, vector<16xf32>,
        %parallel_loop3A_665 = arith.constant 34 : i32
        %parallel_loop3A_666 = vector.broadcast %parallel_loop3A_665 : i32 to vector<16xi32>
        %parallel_loop3A_667 = arith.addi %parallel_loop3A_636, %parallel_loop3A_666 : vector<16xi32>
        %parallel_loop3A_668 = tpu.vector_load_idx %arg6[%parallel_loop3A_667] : memref<53200xf32, #tpu.memory_space<vmem>>[vector<16xi32>], vector<16xf32>,
        %parallel_loop3A_669 = arith.constant 34 : i32
        %parallel_loop3A_670 = arith.addi %parallel_loop3A_640, %parallel_loop3A_669 : i32
        %parallel_loop3A_671 = arith.index_cast %parallel_loop3A_670 : i32 to index
        %parallel_loop3A_672 = tpu.vector_load %arg10[%parallel_loop3A_671] {strides = array<i32>} : memref<22400xf32, #tpu.memory_space<vmem>>, vector<16xf32>,
        tpu.vector_store %arg10[%parallel_loop3A_671], %parallel_loop3A_668 {strides = array<i32>} : memref<22400xf32, #tpu.memory_space<vmem>>, vector<16xf32>,
        %parallel_loop3A_673 = arith.constant 14 : i32
        %parallel_loop3A_674 = vector.broadcast %parallel_loop3A_673 : i32 to vector<16x1xi32>
        %parallel_loop3A_675 = vector.shape_cast %parallel_loop3A_674 : vector<16x1xi32> to vector<16xi32>
        %parallel_loop3A_676 = tpu.dynamic_gather %parallel_loop3A_98[%parallel_loop3A_675] in [0] : vector<16xi32>, vector<16xi32> -> vector<16xi32>
        %parallel_loop3A_677 = arith.addi %parallel_loop3A_676, %iota3A : vector<16xi32>
        %parallel_loop3A_678 = arith.constant 14 : i32
        %parallel_loop3A_679 = arith.addi %parallel_loop3A_72, %parallel_loop3A_678 : i32
        %parallel_loop3A_680 = arith.constant 50 : i32
        %parallel_loop3A_681 = arith.muli %parallel_loop3A_679, %parallel_loop3A_680 : i32
        %parallel_loop3A_682 = arith.constant 0 : i32
        %parallel_loop3A_683 = vector.broadcast %parallel_loop3A_682 : i32 to vector<16xi32>
        %parallel_loop3A_684 = arith.addi %parallel_loop3A_677, %parallel_loop3A_683 : vector<16xi32>
        %parallel_loop3A_685 = tpu.vector_load_idx %arg6[%parallel_loop3A_684] : memref<53200xf32, #tpu.memory_space<vmem>>[vector<16xi32>], vector<16xf32>,
        %parallel_loop3A_686 = arith.constant 0 : i32
        %parallel_loop3A_687 = arith.addi %parallel_loop3A_681, %parallel_loop3A_686 : i32
        %parallel_loop3A_688 = arith.index_cast %parallel_loop3A_687 : i32 to index
        %parallel_loop3A_689 = tpu.vector_load %arg10[%parallel_loop3A_688] {strides = array<i32>} : memref<22400xf32, #tpu.memory_space<vmem>>, vector<16xf32>,
        tpu.vector_store %arg10[%parallel_loop3A_688], %parallel_loop3A_685 {strides = array<i32>} : memref<22400xf32, #tpu.memory_space<vmem>>, vector<16xf32>,
        %parallel_loop3A_690 = arith.constant 16 : i32
        %parallel_loop3A_691 = vector.broadcast %parallel_loop3A_690 : i32 to vector<16xi32>
        %parallel_loop3A_692 = arith.addi %parallel_loop3A_677, %parallel_loop3A_691 : vector<16xi32>
        %parallel_loop3A_693 = tpu.vector_load_idx %arg6[%parallel_loop3A_692] : memref<53200xf32, #tpu.memory_space<vmem>>[vector<16xi32>], vector<16xf32>,
        %parallel_loop3A_694 = arith.constant 16 : i32
        %parallel_loop3A_695 = arith.addi %parallel_loop3A_681, %parallel_loop3A_694 : i32
        %parallel_loop3A_696 = arith.index_cast %parallel_loop3A_695 : i32 to index
        %parallel_loop3A_697 = tpu.vector_load %arg10[%parallel_loop3A_696] {strides = array<i32>} : memref<22400xf32, #tpu.memory_space<vmem>>, vector<16xf32>,
        tpu.vector_store %arg10[%parallel_loop3A_696], %parallel_loop3A_693 {strides = array<i32>} : memref<22400xf32, #tpu.memory_space<vmem>>, vector<16xf32>,
        %parallel_loop3A_698 = arith.constant 32 : i32
        %parallel_loop3A_699 = vector.broadcast %parallel_loop3A_698 : i32 to vector<16xi32>
        %parallel_loop3A_700 = arith.addi %parallel_loop3A_677, %parallel_loop3A_699 : vector<16xi32>
        %parallel_loop3A_701 = tpu.vector_load_idx %arg6[%parallel_loop3A_700] : memref<53200xf32, #tpu.memory_space<vmem>>[vector<16xi32>], vector<16xf32>,
        %parallel_loop3A_702 = arith.constant 32 : i32
        %parallel_loop3A_703 = arith.addi %parallel_loop3A_681, %parallel_loop3A_702 : i32
        %parallel_loop3A_704 = arith.index_cast %parallel_loop3A_703 : i32 to index
        %parallel_loop3A_705 = tpu.vector_load %arg10[%parallel_loop3A_704] {strides = array<i32>} : memref<22400xf32, #tpu.memory_space<vmem>>, vector<16xf32>,
        tpu.vector_store %arg10[%parallel_loop3A_704], %parallel_loop3A_701 {strides = array<i32>} : memref<22400xf32, #tpu.memory_space<vmem>>, vector<16xf32>,
        %parallel_loop3A_706 = arith.constant 34 : i32
        %parallel_loop3A_707 = vector.broadcast %parallel_loop3A_706 : i32 to vector<16xi32>
        %parallel_loop3A_708 = arith.addi %parallel_loop3A_677, %parallel_loop3A_707 : vector<16xi32>
        %parallel_loop3A_709 = tpu.vector_load_idx %arg6[%parallel_loop3A_708] : memref<53200xf32, #tpu.memory_space<vmem>>[vector<16xi32>], vector<16xf32>,
        %parallel_loop3A_710 = arith.constant 34 : i32
        %parallel_loop3A_711 = arith.addi %parallel_loop3A_681, %parallel_loop3A_710 : i32
        %parallel_loop3A_712 = arith.index_cast %parallel_loop3A_711 : i32 to index
        %parallel_loop3A_713 = tpu.vector_load %arg10[%parallel_loop3A_712] {strides = array<i32>} : memref<22400xf32, #tpu.memory_space<vmem>>, vector<16xf32>,
        tpu.vector_store %arg10[%parallel_loop3A_712], %parallel_loop3A_709 {strides = array<i32>} : memref<22400xf32, #tpu.memory_space<vmem>>, vector<16xf32>,
        %parallel_loop3A_714 = arith.constant 15 : i32
        %parallel_loop3A_715 = vector.broadcast %parallel_loop3A_714 : i32 to vector<16x1xi32>
        %parallel_loop3A_716 = vector.shape_cast %parallel_loop3A_715 : vector<16x1xi32> to vector<16xi32>
        %parallel_loop3A_717 = tpu.dynamic_gather %parallel_loop3A_98[%parallel_loop3A_716] in [0] : vector<16xi32>, vector<16xi32> -> vector<16xi32>
        %parallel_loop3A_718 = arith.addi %parallel_loop3A_717, %iota3A : vector<16xi32>
        %parallel_loop3A_719 = arith.constant 15 : i32
        %parallel_loop3A_720 = arith.addi %parallel_loop3A_72, %parallel_loop3A_719 : i32
        %parallel_loop3A_721 = arith.constant 50 : i32
        %parallel_loop3A_722 = arith.muli %parallel_loop3A_720, %parallel_loop3A_721 : i32
        %parallel_loop3A_723 = arith.constant 0 : i32
        %parallel_loop3A_724 = vector.broadcast %parallel_loop3A_723 : i32 to vector<16xi32>
        %parallel_loop3A_725 = arith.addi %parallel_loop3A_718, %parallel_loop3A_724 : vector<16xi32>
        %parallel_loop3A_726 = tpu.vector_load_idx %arg6[%parallel_loop3A_725] : memref<53200xf32, #tpu.memory_space<vmem>>[vector<16xi32>], vector<16xf32>,
        %parallel_loop3A_727 = arith.constant 0 : i32
        %parallel_loop3A_728 = arith.addi %parallel_loop3A_722, %parallel_loop3A_727 : i32
        %parallel_loop3A_729 = arith.index_cast %parallel_loop3A_728 : i32 to index
        %parallel_loop3A_730 = tpu.vector_load %arg10[%parallel_loop3A_729] {strides = array<i32>} : memref<22400xf32, #tpu.memory_space<vmem>>, vector<16xf32>,
        tpu.vector_store %arg10[%parallel_loop3A_729], %parallel_loop3A_726 {strides = array<i32>} : memref<22400xf32, #tpu.memory_space<vmem>>, vector<16xf32>,
        %parallel_loop3A_731 = arith.constant 16 : i32
        %parallel_loop3A_732 = vector.broadcast %parallel_loop3A_731 : i32 to vector<16xi32>
        %parallel_loop3A_733 = arith.addi %parallel_loop3A_718, %parallel_loop3A_732 : vector<16xi32>
        %parallel_loop3A_734 = tpu.vector_load_idx %arg6[%parallel_loop3A_733] : memref<53200xf32, #tpu.memory_space<vmem>>[vector<16xi32>], vector<16xf32>,
        %parallel_loop3A_735 = arith.constant 16 : i32
        %parallel_loop3A_736 = arith.addi %parallel_loop3A_722, %parallel_loop3A_735 : i32
        %parallel_loop3A_737 = arith.index_cast %parallel_loop3A_736 : i32 to index
        %parallel_loop3A_738 = tpu.vector_load %arg10[%parallel_loop3A_737] {strides = array<i32>} : memref<22400xf32, #tpu.memory_space<vmem>>, vector<16xf32>,
        tpu.vector_store %arg10[%parallel_loop3A_737], %parallel_loop3A_734 {strides = array<i32>} : memref<22400xf32, #tpu.memory_space<vmem>>, vector<16xf32>,
        %parallel_loop3A_739 = arith.constant 32 : i32
        %parallel_loop3A_740 = vector.broadcast %parallel_loop3A_739 : i32 to vector<16xi32>
        %parallel_loop3A_741 = arith.addi %parallel_loop3A_718, %parallel_loop3A_740 : vector<16xi32>
        %parallel_loop3A_742 = tpu.vector_load_idx %arg6[%parallel_loop3A_741] : memref<53200xf32, #tpu.memory_space<vmem>>[vector<16xi32>], vector<16xf32>,
        %parallel_loop3A_743 = arith.constant 32 : i32
        %parallel_loop3A_744 = arith.addi %parallel_loop3A_722, %parallel_loop3A_743 : i32
        %parallel_loop3A_745 = arith.index_cast %parallel_loop3A_744 : i32 to index
        %parallel_loop3A_746 = tpu.vector_load %arg10[%parallel_loop3A_745] {strides = array<i32>} : memref<22400xf32, #tpu.memory_space<vmem>>, vector<16xf32>,
        tpu.vector_store %arg10[%parallel_loop3A_745], %parallel_loop3A_742 {strides = array<i32>} : memref<22400xf32, #tpu.memory_space<vmem>>, vector<16xf32>,
        %parallel_loop3A_747 = arith.constant 34 : i32
        %parallel_loop3A_748 = vector.broadcast %parallel_loop3A_747 : i32 to vector<16xi32>
        %parallel_loop3A_749 = arith.addi %parallel_loop3A_718, %parallel_loop3A_748 : vector<16xi32>
        %parallel_loop3A_750 = tpu.vector_load_idx %arg6[%parallel_loop3A_749] : memref<53200xf32, #tpu.memory_space<vmem>>[vector<16xi32>], vector<16xf32>,
        %parallel_loop3A_751 = arith.constant 34 : i32
        %parallel_loop3A_752 = arith.addi %parallel_loop3A_722, %parallel_loop3A_751 : i32
        %parallel_loop3A_753 = arith.index_cast %parallel_loop3A_752 : i32 to index
        %parallel_loop3A_754 = tpu.vector_load %arg10[%parallel_loop3A_753] {strides = array<i32>} : memref<22400xf32, #tpu.memory_space<vmem>>, vector<16xf32>,
        tpu.vector_store %arg10[%parallel_loop3A_753], %parallel_loop3A_750 {strides = array<i32>} : memref<22400xf32, #tpu.memory_space<vmem>>, vector<16xf32>,
      } {sc.loop_unroll_factor = 4 : i64, sc.parallel_access}
      %dma_start3A = arith.constant 0 : i32
      %dma_start3A_44 = tpu.memref_slice %arg5[%add3A_39, %dma_start3A] : memref<1024x22400xf32, #tpu.memory_space<hbm>> -> memref<1x22400xf32, #tpu.memory_space<hbm>>
      %dma_start3A_45 = tpu.memref_squeeze %dma_start3A_44 : memref<1x22400xf32, #tpu.memory_space<hbm>> -> memref<22400xf32, #tpu.memory_space<hbm>>
      %dma_start3A_46 = arith.constant 0 : i32
      %dma_start3A_47 = tpu.memref_slice %arg5[%add3A_39, %dma_start3A_46] : memref<1024x22400xf32, #tpu.memory_space<hbm>> -> memref<1x22400xf32, #tpu.memory_space<hbm>>
      %dma_start3A_48 = tpu.memref_squeeze %dma_start3A_47 : memref<1x22400xf32, #tpu.memory_space<hbm>> -> memref<22400xf32, #tpu.memory_space<hbm>>
      tpu.enqueue_dma source(%arg10 : memref<22400xf32, #tpu.memory_space<vmem>>) target(%dma_start3A_48 : memref<22400xf32, #tpu.memory_space<hbm>>) target_semaphore(%arg12 : memref<!tpu.dma_semaphore, #tpu.memory_space<semaphore_mem>>)
      %mul3A_49 = arith.constant 32 : i32
      %mul3A_50 = arith.muli %add3A, %mul3A_49 : i32
      %mul3A_51 = arith.constant 2 : i32
      %mul3A_52 = arith.muli %mul3A_51, %scan3A_32 : i32
      %add3A_53 = arith.addi %mul3A_50, %mul3A_52 : i32
      %add3A_54 = arith.constant 1 : i32
      %add3A_55 = arith.addi %add3A_53, %add3A_54 : i32
      "tpu.region"() ({
        %run_scoped3A = tpu.sem_alloc : memref<!tpu.dma_semaphore, #tpu.memory_space<semaphore_mem>>
        %dma_start3A_70 = arith.constant 0 : i32
        %dma_start3A_71 = tpu.memref_slice %arg2[%add3A_55, %dma_start3A_70] : memref<1024x448xi32, #tpu.memory_space<hbm>> -> memref<1x448xi32, #tpu.memory_space<hbm>>
        %dma_start3A_72 = tpu.memref_squeeze %dma_start3A_71 : memref<1x448xi32, #tpu.memory_space<hbm>> -> memref<448xi32, #tpu.memory_space<hbm>>
        %dma_start3A_73 = arith.constant 0 : i32
        %dma_start3A_74 = tpu.memref_slice %arg2[%add3A_55, %dma_start3A_73] : memref<1024x448xi32, #tpu.memory_space<hbm>> -> memref<1x448xi32, #tpu.memory_space<hbm>>
        %dma_start3A_75 = tpu.memref_squeeze %dma_start3A_74 : memref<1x448xi32, #tpu.memory_space<hbm>> -> memref<448xi32, #tpu.memory_space<hbm>>
        tpu.enqueue_dma source(%dma_start3A_75 : memref<448xi32, #tpu.memory_space<hbm>>) target(%arg9 : memref<448xi32, #tpu.memory_space<vmem>>) target_semaphore(%run_scoped3A : memref<!tpu.dma_semaphore, #tpu.memory_space<semaphore_mem>>)
        %dma_wait3A_76 = arith.constant 0 : i32
        %dma_wait3A_77 = tpu.memref_slice %arg2[%add3A_55, %dma_wait3A_76] : memref<1024x448xi32, #tpu.memory_space<hbm>> -> memref<1x448xi32, #tpu.memory_space<hbm>>
        %dma_wait3A_78 = tpu.memref_squeeze %dma_wait3A_77 : memref<1x448xi32, #tpu.memory_space<hbm>> -> memref<448xi32, #tpu.memory_space<hbm>>
        %dma_wait3A_79 = arith.constant 0 : i32
        %dma_wait3A_80 = tpu.memref_slice %arg2[%add3A_55, %dma_wait3A_79] : memref<1024x448xi32, #tpu.memory_space<hbm>> -> memref<1x448xi32, #tpu.memory_space<hbm>>
        %dma_wait3A_81 = tpu.memref_squeeze %dma_wait3A_80 : memref<1x448xi32, #tpu.memory_space<hbm>> -> memref<448xi32, #tpu.memory_space<hbm>>
        tpu.wait_dma2 semaphore(%run_scoped3A : memref<!tpu.dma_semaphore, #tpu.memory_space<semaphore_mem>>) src(%dma_wait3A_81 : memref<448xi32, #tpu.memory_space<hbm>>) dst(%arg9 : memref<448xi32, #tpu.memory_space<vmem>>)
        tpu.yield
      }) : () -> ()
      %gt3A_56 = arith.constant 0 : i32
      %gt3A_57 = arith.cmpi sgt, %scan3A_32, %gt3A_56 : i32
      %convert_element_type3A_58 = arith.extui %gt3A_57 : i1 to i32
      %cond3A_59 = arith.constant 0 : i32
      %cond3A_60 = arith.cmpi ne, %convert_element_type3A_58, %cond3A_59 : i32
      scf.if %cond3A_60 {
        %dma_wait3A_70 = arith.constant 0 : i32
        %dma_wait3A_71 = tpu.memref_slice %arg5[%add3A_55, %dma_wait3A_70] : memref<1024x22400xf32, #tpu.memory_space<hbm>> -> memref<1x22400xf32, #tpu.memory_space<hbm>>
        %dma_wait3A_72 = tpu.memref_squeeze %dma_wait3A_71 : memref<1x22400xf32, #tpu.memory_space<hbm>> -> memref<22400xf32, #tpu.memory_space<hbm>>
        %dma_wait3A_73 = arith.constant 0 : i32
        %dma_wait3A_74 = tpu.memref_slice %arg5[%add3A_55, %dma_wait3A_73] : memref<1024x22400xf32, #tpu.memory_space<hbm>> -> memref<1x22400xf32, #tpu.memory_space<hbm>>
        %dma_wait3A_75 = tpu.memref_squeeze %dma_wait3A_74 : memref<1x22400xf32, #tpu.memory_space<hbm>> -> memref<22400xf32, #tpu.memory_space<hbm>>
        tpu.wait_dma2 semaphore(%arg13 : memref<!tpu.dma_semaphore, #tpu.memory_space<semaphore_mem>>) src(%arg11 : memref<22400xf32, #tpu.memory_space<vmem>>) dst(%dma_wait3A_75 : memref<22400xf32, #tpu.memory_space<hbm>>)
      } else {
      }
      %parallel_loop3A_61 = arith.constant 0 : i32
      %parallel_loop3A_62 = arith.constant 28 : i32
      %parallel_loop3A_63 = arith.constant 1 : i32
      scf.for %parallel_loop3A_70 = %parallel_loop3A_61 to %parallel_loop3A_62 step %parallel_loop3A_63  : i32 {
        %parallel_loop3A_71 = arith.constant 16 : i32
        %parallel_loop3A_72 = arith.muli %parallel_loop3A_70, %parallel_loop3A_71 : i32
        %parallel_loop3A_73 = arith.index_cast %parallel_loop3A_72 : i32 to index
        %parallel_loop3A_74 = tpu.vector_load %arg9[%parallel_loop3A_73] {strides = array<i32>} : memref<448xi32, #tpu.memory_space<vmem>>, vector<16xi32>,
        %parallel_loop3A_75 = arith.constant 7 : i32
        %parallel_loop3A_76 = arith.constant 0 : i32
        %parallel_loop3A_77 = arith.cmpi eq, %parallel_loop3A_75, %parallel_loop3A_76 : i32
        %parallel_loop3A_78 = arith.constant 1 : i32
        %parallel_loop3A_79 = arith.select %parallel_loop3A_77, %parallel_loop3A_78, %parallel_loop3A_75 : i32
        %parallel_loop3A_80 = arith.remsi %parallel_loop3A_70, %parallel_loop3A_79 : i32
        %parallel_loop3A_81 = arith.constant 0 : i32
        %parallel_loop3A_82 = arith.cmpi ne, %parallel_loop3A_80, %parallel_loop3A_81 : i32
        %parallel_loop3A_83 = arith.constant 0 : i32
        %parallel_loop3A_84 = arith.cmpi slt, %parallel_loop3A_80, %parallel_loop3A_83 : i32
        %parallel_loop3A_85 = arith.constant 0 : i32
        %parallel_loop3A_86 = arith.cmpi slt, %parallel_loop3A_79, %parallel_loop3A_85 : i32
        %parallel_loop3A_87 = arith.xori %parallel_loop3A_84, %parallel_loop3A_86 : i1
        %parallel_loop3A_88 = arith.andi %parallel_loop3A_87, %parallel_loop3A_82 : i1
        %parallel_loop3A_89 = arith.addi %parallel_loop3A_80, %parallel_loop3A_79 : i32
        %parallel_loop3A_90 = arith.select %parallel_loop3A_88, %parallel_loop3A_89, %parallel_loop3A_80 : i32
        %parallel_loop3A_91 = arith.constant 16 : i32
        %parallel_loop3A_92 = arith.muli %parallel_loop3A_90, %parallel_loop3A_91 : i32
        %parallel_loop3A_93 = arith.index_cast %parallel_loop3A_92 : i32 to index
        %parallel_loop3A_94 = tpu.vector_load %arg7[%parallel_loop3A_93] {strides = array<i32>} : memref<112xi32, #tpu.memory_space<vmem>>, vector<16xi32>,
        %parallel_loop3A_95 = arith.addi %parallel_loop3A_74, %parallel_loop3A_94 : vector<16xi32>
        %parallel_loop3A_96 = arith.constant 50 : i32
        %parallel_loop3A_97 = vector.broadcast %parallel_loop3A_96 : i32 to vector<16xi32>
        %parallel_loop3A_98 = arith.muli %parallel_loop3A_95, %parallel_loop3A_97 : vector<16xi32>
        %parallel_loop3A_99 = arith.constant 0 : i32
        %parallel_loop3A_100 = vector.broadcast %parallel_loop3A_99 : i32 to vector<16x1xi32>
        %parallel_loop3A_101 = vector.shape_cast %parallel_loop3A_100 : vector<16x1xi32> to vector<16xi32>
        %parallel_loop3A_102 = tpu.dynamic_gather %parallel_loop3A_98[%parallel_loop3A_101] in [0] : vector<16xi32>, vector<16xi32> -> vector<16xi32>
        %parallel_loop3A_103 = arith.addi %parallel_loop3A_102, %iota3A : vector<16xi32>
        %parallel_loop3A_104 = arith.constant 0 : i32
        %parallel_loop3A_105 = arith.addi %parallel_loop3A_72, %parallel_loop3A_104 : i32
        %parallel_loop3A_106 = arith.constant 50 : i32
        %parallel_loop3A_107 = arith.muli %parallel_loop3A_105, %parallel_loop3A_106 : i32
        %parallel_loop3A_108 = arith.constant 0 : i32
        %parallel_loop3A_109 = vector.broadcast %parallel_loop3A_108 : i32 to vector<16xi32>
        %parallel_loop3A_110 = arith.addi %parallel_loop3A_103, %parallel_loop3A_109 : vector<16xi32>
        %parallel_loop3A_111 = tpu.vector_load_idx %arg6[%parallel_loop3A_110] : memref<53200xf32, #tpu.memory_space<vmem>>[vector<16xi32>], vector<16xf32>,
        %parallel_loop3A_112 = arith.constant 0 : i32
        %parallel_loop3A_113 = arith.addi %parallel_loop3A_107, %parallel_loop3A_112 : i32
        %parallel_loop3A_114 = arith.index_cast %parallel_loop3A_113 : i32 to index
        %parallel_loop3A_115 = tpu.vector_load %arg11[%parallel_loop3A_114] {strides = array<i32>} : memref<22400xf32, #tpu.memory_space<vmem>>, vector<16xf32>,
        tpu.vector_store %arg11[%parallel_loop3A_114], %parallel_loop3A_111 {strides = array<i32>} : memref<22400xf32, #tpu.memory_space<vmem>>, vector<16xf32>,
        %parallel_loop3A_116 = arith.constant 16 : i32
        %parallel_loop3A_117 = vector.broadcast %parallel_loop3A_116 : i32 to vector<16xi32>
        %parallel_loop3A_118 = arith.addi %parallel_loop3A_103, %parallel_loop3A_117 : vector<16xi32>
        %parallel_loop3A_119 = tpu.vector_load_idx %arg6[%parallel_loop3A_118] : memref<53200xf32, #tpu.memory_space<vmem>>[vector<16xi32>], vector<16xf32>,
        %parallel_loop3A_120 = arith.constant 16 : i32
        %parallel_loop3A_121 = arith.addi %parallel_loop3A_107, %parallel_loop3A_120 : i32
        %parallel_loop3A_122 = arith.index_cast %parallel_loop3A_121 : i32 to index
        %parallel_loop3A_123 = tpu.vector_load %arg11[%parallel_loop3A_122] {strides = array<i32>} : memref<22400xf32, #tpu.memory_space<vmem>>, vector<16xf32>,
        tpu.vector_store %arg11[%parallel_loop3A_122], %parallel_loop3A_119 {strides = array<i32>} : memref<22400xf32, #tpu.memory_space<vmem>>, vector<16xf32>,
        %parallel_loop3A_124 = arith.constant 32 : i32
        %parallel_loop3A_125 = vector.broadcast %parallel_loop3A_124 : i32 to vector<16xi32>
        %parallel_loop3A_126 = arith.addi %parallel_loop3A_103, %parallel_loop3A_125 : vector<16xi32>
        %parallel_loop3A_127 = tpu.vector_load_idx %arg6[%parallel_loop3A_126] : memref<53200xf32, #tpu.memory_space<vmem>>[vector<16xi32>], vector<16xf32>,
        %parallel_loop3A_128 = arith.constant 32 : i32
        %parallel_loop3A_129 = arith.addi %parallel_loop3A_107, %parallel_loop3A_128 : i32
        %parallel_loop3A_130 = arith.index_cast %parallel_loop3A_129 : i32 to index
        %parallel_loop3A_131 = tpu.vector_load %arg11[%parallel_loop3A_130] {strides = array<i32>} : memref<22400xf32, #tpu.memory_space<vmem>>, vector<16xf32>,
        tpu.vector_store %arg11[%parallel_loop3A_130], %parallel_loop3A_127 {strides = array<i32>} : memref<22400xf32, #tpu.memory_space<vmem>>, vector<16xf32>,
        %parallel_loop3A_132 = arith.constant 34 : i32
        %parallel_loop3A_133 = vector.broadcast %parallel_loop3A_132 : i32 to vector<16xi32>
        %parallel_loop3A_134 = arith.addi %parallel_loop3A_103, %parallel_loop3A_133 : vector<16xi32>
        %parallel_loop3A_135 = tpu.vector_load_idx %arg6[%parallel_loop3A_134] : memref<53200xf32, #tpu.memory_space<vmem>>[vector<16xi32>], vector<16xf32>,
        %parallel_loop3A_136 = arith.constant 34 : i32
        %parallel_loop3A_137 = arith.addi %parallel_loop3A_107, %parallel_loop3A_136 : i32
        %parallel_loop3A_138 = arith.index_cast %parallel_loop3A_137 : i32 to index
        %parallel_loop3A_139 = tpu.vector_load %arg11[%parallel_loop3A_138] {strides = array<i32>} : memref<22400xf32, #tpu.memory_space<vmem>>, vector<16xf32>,
        tpu.vector_store %arg11[%parallel_loop3A_138], %parallel_loop3A_135 {strides = array<i32>} : memref<22400xf32, #tpu.memory_space<vmem>>, vector<16xf32>,
        %parallel_loop3A_140 = arith.constant 1 : i32
        %parallel_loop3A_141 = vector.broadcast %parallel_loop3A_140 : i32 to vector<16x1xi32>
        %parallel_loop3A_142 = vector.shape_cast %parallel_loop3A_141 : vector<16x1xi32> to vector<16xi32>
        %parallel_loop3A_143 = tpu.dynamic_gather %parallel_loop3A_98[%parallel_loop3A_142] in [0] : vector<16xi32>, vector<16xi32> -> vector<16xi32>
        %parallel_loop3A_144 = arith.addi %parallel_loop3A_143, %iota3A : vector<16xi32>
        %parallel_loop3A_145 = arith.constant 1 : i32
        %parallel_loop3A_146 = arith.addi %parallel_loop3A_72, %parallel_loop3A_145 : i32
        %parallel_loop3A_147 = arith.constant 50 : i32
        %parallel_loop3A_148 = arith.muli %parallel_loop3A_146, %parallel_loop3A_147 : i32
        %parallel_loop3A_149 = arith.constant 0 : i32
        %parallel_loop3A_150 = vector.broadcast %parallel_loop3A_149 : i32 to vector<16xi32>
        %parallel_loop3A_151 = arith.addi %parallel_loop3A_144, %parallel_loop3A_150 : vector<16xi32>
        %parallel_loop3A_152 = tpu.vector_load_idx %arg6[%parallel_loop3A_151] : memref<53200xf32, #tpu.memory_space<vmem>>[vector<16xi32>], vector<16xf32>,
        %parallel_loop3A_153 = arith.constant 0 : i32
        %parallel_loop3A_154 = arith.addi %parallel_loop3A_148, %parallel_loop3A_153 : i32
        %parallel_loop3A_155 = arith.index_cast %parallel_loop3A_154 : i32 to index
        %parallel_loop3A_156 = tpu.vector_load %arg11[%parallel_loop3A_155] {strides = array<i32>} : memref<22400xf32, #tpu.memory_space<vmem>>, vector<16xf32>,
        tpu.vector_store %arg11[%parallel_loop3A_155], %parallel_loop3A_152 {strides = array<i32>} : memref<22400xf32, #tpu.memory_space<vmem>>, vector<16xf32>,
        %parallel_loop3A_157 = arith.constant 16 : i32
        %parallel_loop3A_158 = vector.broadcast %parallel_loop3A_157 : i32 to vector<16xi32>
        %parallel_loop3A_159 = arith.addi %parallel_loop3A_144, %parallel_loop3A_158 : vector<16xi32>
        %parallel_loop3A_160 = tpu.vector_load_idx %arg6[%parallel_loop3A_159] : memref<53200xf32, #tpu.memory_space<vmem>>[vector<16xi32>], vector<16xf32>,
        %parallel_loop3A_161 = arith.constant 16 : i32
        %parallel_loop3A_162 = arith.addi %parallel_loop3A_148, %parallel_loop3A_161 : i32
        %parallel_loop3A_163 = arith.index_cast %parallel_loop3A_162 : i32 to index
        %parallel_loop3A_164 = tpu.vector_load %arg11[%parallel_loop3A_163] {strides = array<i32>} : memref<22400xf32, #tpu.memory_space<vmem>>, vector<16xf32>,
        tpu.vector_store %arg11[%parallel_loop3A_163], %parallel_loop3A_160 {strides = array<i32>} : memref<22400xf32, #tpu.memory_space<vmem>>, vector<16xf32>,
        %parallel_loop3A_165 = arith.constant 32 : i32
        %parallel_loop3A_166 = vector.broadcast %parallel_loop3A_165 : i32 to vector<16xi32>
        %parallel_loop3A_167 = arith.addi %parallel_loop3A_144, %parallel_loop3A_166 : vector<16xi32>
        %parallel_loop3A_168 = tpu.vector_load_idx %arg6[%parallel_loop3A_167] : memref<53200xf32, #tpu.memory_space<vmem>>[vector<16xi32>], vector<16xf32>,
        %parallel_loop3A_169 = arith.constant 32 : i32
        %parallel_loop3A_170 = arith.addi %parallel_loop3A_148, %parallel_loop3A_169 : i32
        %parallel_loop3A_171 = arith.index_cast %parallel_loop3A_170 : i32 to index
        %parallel_loop3A_172 = tpu.vector_load %arg11[%parallel_loop3A_171] {strides = array<i32>} : memref<22400xf32, #tpu.memory_space<vmem>>, vector<16xf32>,
        tpu.vector_store %arg11[%parallel_loop3A_171], %parallel_loop3A_168 {strides = array<i32>} : memref<22400xf32, #tpu.memory_space<vmem>>, vector<16xf32>,
        %parallel_loop3A_173 = arith.constant 34 : i32
        %parallel_loop3A_174 = vector.broadcast %parallel_loop3A_173 : i32 to vector<16xi32>
        %parallel_loop3A_175 = arith.addi %parallel_loop3A_144, %parallel_loop3A_174 : vector<16xi32>
        %parallel_loop3A_176 = tpu.vector_load_idx %arg6[%parallel_loop3A_175] : memref<53200xf32, #tpu.memory_space<vmem>>[vector<16xi32>], vector<16xf32>,
        %parallel_loop3A_177 = arith.constant 34 : i32
        %parallel_loop3A_178 = arith.addi %parallel_loop3A_148, %parallel_loop3A_177 : i32
        %parallel_loop3A_179 = arith.index_cast %parallel_loop3A_178 : i32 to index
        %parallel_loop3A_180 = tpu.vector_load %arg11[%parallel_loop3A_179] {strides = array<i32>} : memref<22400xf32, #tpu.memory_space<vmem>>, vector<16xf32>,
        tpu.vector_store %arg11[%parallel_loop3A_179], %parallel_loop3A_176 {strides = array<i32>} : memref<22400xf32, #tpu.memory_space<vmem>>, vector<16xf32>,
        %parallel_loop3A_181 = arith.constant 2 : i32
        %parallel_loop3A_182 = vector.broadcast %parallel_loop3A_181 : i32 to vector<16x1xi32>
        %parallel_loop3A_183 = vector.shape_cast %parallel_loop3A_182 : vector<16x1xi32> to vector<16xi32>
        %parallel_loop3A_184 = tpu.dynamic_gather %parallel_loop3A_98[%parallel_loop3A_183] in [0] : vector<16xi32>, vector<16xi32> -> vector<16xi32>
        %parallel_loop3A_185 = arith.addi %parallel_loop3A_184, %iota3A : vector<16xi32>
        %parallel_loop3A_186 = arith.constant 2 : i32
        %parallel_loop3A_187 = arith.addi %parallel_loop3A_72, %parallel_loop3A_186 : i32
        %parallel_loop3A_188 = arith.constant 50 : i32
        %parallel_loop3A_189 = arith.muli %parallel_loop3A_187, %parallel_loop3A_188 : i32
        %parallel_loop3A_190 = arith.constant 0 : i32
        %parallel_loop3A_191 = vector.broadcast %parallel_loop3A_190 : i32 to vector<16xi32>
        %parallel_loop3A_192 = arith.addi %parallel_loop3A_185, %parallel_loop3A_191 : vector<16xi32>
        %parallel_loop3A_193 = tpu.vector_load_idx %arg6[%parallel_loop3A_192] : memref<53200xf32, #tpu.memory_space<vmem>>[vector<16xi32>], vector<16xf32>,
        %parallel_loop3A_194 = arith.constant 0 : i32
        %parallel_loop3A_195 = arith.addi %parallel_loop3A_189, %parallel_loop3A_194 : i32
        %parallel_loop3A_196 = arith.index_cast %parallel_loop3A_195 : i32 to index
        %parallel_loop3A_197 = tpu.vector_load %arg11[%parallel_loop3A_196] {strides = array<i32>} : memref<22400xf32, #tpu.memory_space<vmem>>, vector<16xf32>,
        tpu.vector_store %arg11[%parallel_loop3A_196], %parallel_loop3A_193 {strides = array<i32>} : memref<22400xf32, #tpu.memory_space<vmem>>, vector<16xf32>,
        %parallel_loop3A_198 = arith.constant 16 : i32
        %parallel_loop3A_199 = vector.broadcast %parallel_loop3A_198 : i32 to vector<16xi32>
        %parallel_loop3A_200 = arith.addi %parallel_loop3A_185, %parallel_loop3A_199 : vector<16xi32>
        %parallel_loop3A_201 = tpu.vector_load_idx %arg6[%parallel_loop3A_200] : memref<53200xf32, #tpu.memory_space<vmem>>[vector<16xi32>], vector<16xf32>,
        %parallel_loop3A_202 = arith.constant 16 : i32
        %parallel_loop3A_203 = arith.addi %parallel_loop3A_189, %parallel_loop3A_202 : i32
        %parallel_loop3A_204 = arith.index_cast %parallel_loop3A_203 : i32 to index
        %parallel_loop3A_205 = tpu.vector_load %arg11[%parallel_loop3A_204] {strides = array<i32>} : memref<22400xf32, #tpu.memory_space<vmem>>, vector<16xf32>,
        tpu.vector_store %arg11[%parallel_loop3A_204], %parallel_loop3A_201 {strides = array<i32>} : memref<22400xf32, #tpu.memory_space<vmem>>, vector<16xf32>,
        %parallel_loop3A_206 = arith.constant 32 : i32
        %parallel_loop3A_207 = vector.broadcast %parallel_loop3A_206 : i32 to vector<16xi32>
        %parallel_loop3A_208 = arith.addi %parallel_loop3A_185, %parallel_loop3A_207 : vector<16xi32>
        %parallel_loop3A_209 = tpu.vector_load_idx %arg6[%parallel_loop3A_208] : memref<53200xf32, #tpu.memory_space<vmem>>[vector<16xi32>], vector<16xf32>,
        %parallel_loop3A_210 = arith.constant 32 : i32
        %parallel_loop3A_211 = arith.addi %parallel_loop3A_189, %parallel_loop3A_210 : i32
        %parallel_loop3A_212 = arith.index_cast %parallel_loop3A_211 : i32 to index
        %parallel_loop3A_213 = tpu.vector_load %arg11[%parallel_loop3A_212] {strides = array<i32>} : memref<22400xf32, #tpu.memory_space<vmem>>, vector<16xf32>,
        tpu.vector_store %arg11[%parallel_loop3A_212], %parallel_loop3A_209 {strides = array<i32>} : memref<22400xf32, #tpu.memory_space<vmem>>, vector<16xf32>,
        %parallel_loop3A_214 = arith.constant 34 : i32
        %parallel_loop3A_215 = vector.broadcast %parallel_loop3A_214 : i32 to vector<16xi32>
        %parallel_loop3A_216 = arith.addi %parallel_loop3A_185, %parallel_loop3A_215 : vector<16xi32>
        %parallel_loop3A_217 = tpu.vector_load_idx %arg6[%parallel_loop3A_216] : memref<53200xf32, #tpu.memory_space<vmem>>[vector<16xi32>], vector<16xf32>,
        %parallel_loop3A_218 = arith.constant 34 : i32
        %parallel_loop3A_219 = arith.addi %parallel_loop3A_189, %parallel_loop3A_218 : i32
        %parallel_loop3A_220 = arith.index_cast %parallel_loop3A_219 : i32 to index
        %parallel_loop3A_221 = tpu.vector_load %arg11[%parallel_loop3A_220] {strides = array<i32>} : memref<22400xf32, #tpu.memory_space<vmem>>, vector<16xf32>,
        tpu.vector_store %arg11[%parallel_loop3A_220], %parallel_loop3A_217 {strides = array<i32>} : memref<22400xf32, #tpu.memory_space<vmem>>, vector<16xf32>,
        %parallel_loop3A_222 = arith.constant 3 : i32
        %parallel_loop3A_223 = vector.broadcast %parallel_loop3A_222 : i32 to vector<16x1xi32>
        %parallel_loop3A_224 = vector.shape_cast %parallel_loop3A_223 : vector<16x1xi32> to vector<16xi32>
        %parallel_loop3A_225 = tpu.dynamic_gather %parallel_loop3A_98[%parallel_loop3A_224] in [0] : vector<16xi32>, vector<16xi32> -> vector<16xi32>
        %parallel_loop3A_226 = arith.addi %parallel_loop3A_225, %iota3A : vector<16xi32>
        %parallel_loop3A_227 = arith.constant 3 : i32
        %parallel_loop3A_228 = arith.addi %parallel_loop3A_72, %parallel_loop3A_227 : i32
        %parallel_loop3A_229 = arith.constant 50 : i32
        %parallel_loop3A_230 = arith.muli %parallel_loop3A_228, %parallel_loop3A_229 : i32
        %parallel_loop3A_231 = arith.constant 0 : i32
        %parallel_loop3A_232 = vector.broadcast %parallel_loop3A_231 : i32 to vector<16xi32>
        %parallel_loop3A_233 = arith.addi %parallel_loop3A_226, %parallel_loop3A_232 : vector<16xi32>
        %parallel_loop3A_234 = tpu.vector_load_idx %arg6[%parallel_loop3A_233] : memref<53200xf32, #tpu.memory_space<vmem>>[vector<16xi32>], vector<16xf32>,
        %parallel_loop3A_235 = arith.constant 0 : i32
        %parallel_loop3A_236 = arith.addi %parallel_loop3A_230, %parallel_loop3A_235 : i32
        %parallel_loop3A_237 = arith.index_cast %parallel_loop3A_236 : i32 to index
        %parallel_loop3A_238 = tpu.vector_load %arg11[%parallel_loop3A_237] {strides = array<i32>} : memref<22400xf32, #tpu.memory_space<vmem>>, vector<16xf32>,
        tpu.vector_store %arg11[%parallel_loop3A_237], %parallel_loop3A_234 {strides = array<i32>} : memref<22400xf32, #tpu.memory_space<vmem>>, vector<16xf32>,
        %parallel_loop3A_239 = arith.constant 16 : i32
        %parallel_loop3A_240 = vector.broadcast %parallel_loop3A_239 : i32 to vector<16xi32>
        %parallel_loop3A_241 = arith.addi %parallel_loop3A_226, %parallel_loop3A_240 : vector<16xi32>
        %parallel_loop3A_242 = tpu.vector_load_idx %arg6[%parallel_loop3A_241] : memref<53200xf32, #tpu.memory_space<vmem>>[vector<16xi32>], vector<16xf32>,
        %parallel_loop3A_243 = arith.constant 16 : i32
        %parallel_loop3A_244 = arith.addi %parallel_loop3A_230, %parallel_loop3A_243 : i32
        %parallel_loop3A_245 = arith.index_cast %parallel_loop3A_244 : i32 to index
        %parallel_loop3A_246 = tpu.vector_load %arg11[%parallel_loop3A_245] {strides = array<i32>} : memref<22400xf32, #tpu.memory_space<vmem>>, vector<16xf32>,
        tpu.vector_store %arg11[%parallel_loop3A_245], %parallel_loop3A_242 {strides = array<i32>} : memref<22400xf32, #tpu.memory_space<vmem>>, vector<16xf32>,
        %parallel_loop3A_247 = arith.constant 32 : i32
        %parallel_loop3A_248 = vector.broadcast %parallel_loop3A_247 : i32 to vector<16xi32>
        %parallel_loop3A_249 = arith.addi %parallel_loop3A_226, %parallel_loop3A_248 : vector<16xi32>
        %parallel_loop3A_250 = tpu.vector_load_idx %arg6[%parallel_loop3A_249] : memref<53200xf32, #tpu.memory_space<vmem>>[vector<16xi32>], vector<16xf32>,
        %parallel_loop3A_251 = arith.constant 32 : i32
        %parallel_loop3A_252 = arith.addi %parallel_loop3A_230, %parallel_loop3A_251 : i32
        %parallel_loop3A_253 = arith.index_cast %parallel_loop3A_252 : i32 to index
        %parallel_loop3A_254 = tpu.vector_load %arg11[%parallel_loop3A_253] {strides = array<i32>} : memref<22400xf32, #tpu.memory_space<vmem>>, vector<16xf32>,
        tpu.vector_store %arg11[%parallel_loop3A_253], %parallel_loop3A_250 {strides = array<i32>} : memref<22400xf32, #tpu.memory_space<vmem>>, vector<16xf32>,
        %parallel_loop3A_255 = arith.constant 34 : i32
        %parallel_loop3A_256 = vector.broadcast %parallel_loop3A_255 : i32 to vector<16xi32>
        %parallel_loop3A_257 = arith.addi %parallel_loop3A_226, %parallel_loop3A_256 : vector<16xi32>
        %parallel_loop3A_258 = tpu.vector_load_idx %arg6[%parallel_loop3A_257] : memref<53200xf32, #tpu.memory_space<vmem>>[vector<16xi32>], vector<16xf32>,
        %parallel_loop3A_259 = arith.constant 34 : i32
        %parallel_loop3A_260 = arith.addi %parallel_loop3A_230, %parallel_loop3A_259 : i32
        %parallel_loop3A_261 = arith.index_cast %parallel_loop3A_260 : i32 to index
        %parallel_loop3A_262 = tpu.vector_load %arg11[%parallel_loop3A_261] {strides = array<i32>} : memref<22400xf32, #tpu.memory_space<vmem>>, vector<16xf32>,
        tpu.vector_store %arg11[%parallel_loop3A_261], %parallel_loop3A_258 {strides = array<i32>} : memref<22400xf32, #tpu.memory_space<vmem>>, vector<16xf32>,
        %parallel_loop3A_263 = arith.constant 4 : i32
        %parallel_loop3A_264 = vector.broadcast %parallel_loop3A_263 : i32 to vector<16x1xi32>
        %parallel_loop3A_265 = vector.shape_cast %parallel_loop3A_264 : vector<16x1xi32> to vector<16xi32>
        %parallel_loop3A_266 = tpu.dynamic_gather %parallel_loop3A_98[%parallel_loop3A_265] in [0] : vector<16xi32>, vector<16xi32> -> vector<16xi32>
        %parallel_loop3A_267 = arith.addi %parallel_loop3A_266, %iota3A : vector<16xi32>
        %parallel_loop3A_268 = arith.constant 4 : i32
        %parallel_loop3A_269 = arith.addi %parallel_loop3A_72, %parallel_loop3A_268 : i32
        %parallel_loop3A_270 = arith.constant 50 : i32
        %parallel_loop3A_271 = arith.muli %parallel_loop3A_269, %parallel_loop3A_270 : i32
        %parallel_loop3A_272 = arith.constant 0 : i32
        %parallel_loop3A_273 = vector.broadcast %parallel_loop3A_272 : i32 to vector<16xi32>
        %parallel_loop3A_274 = arith.addi %parallel_loop3A_267, %parallel_loop3A_273 : vector<16xi32>
        %parallel_loop3A_275 = tpu.vector_load_idx %arg6[%parallel_loop3A_274] : memref<53200xf32, #tpu.memory_space<vmem>>[vector<16xi32>], vector<16xf32>,
        %parallel_loop3A_276 = arith.constant 0 : i32
        %parallel_loop3A_277 = arith.addi %parallel_loop3A_271, %parallel_loop3A_276 : i32
        %parallel_loop3A_278 = arith.index_cast %parallel_loop3A_277 : i32 to index
        %parallel_loop3A_279 = tpu.vector_load %arg11[%parallel_loop3A_278] {strides = array<i32>} : memref<22400xf32, #tpu.memory_space<vmem>>, vector<16xf32>,
        tpu.vector_store %arg11[%parallel_loop3A_278], %parallel_loop3A_275 {strides = array<i32>} : memref<22400xf32, #tpu.memory_space<vmem>>, vector<16xf32>,
        %parallel_loop3A_280 = arith.constant 16 : i32
        %parallel_loop3A_281 = vector.broadcast %parallel_loop3A_280 : i32 to vector<16xi32>
        %parallel_loop3A_282 = arith.addi %parallel_loop3A_267, %parallel_loop3A_281 : vector<16xi32>
        %parallel_loop3A_283 = tpu.vector_load_idx %arg6[%parallel_loop3A_282] : memref<53200xf32, #tpu.memory_space<vmem>>[vector<16xi32>], vector<16xf32>,
        %parallel_loop3A_284 = arith.constant 16 : i32
        %parallel_loop3A_285 = arith.addi %parallel_loop3A_271, %parallel_loop3A_284 : i32
        %parallel_loop3A_286 = arith.index_cast %parallel_loop3A_285 : i32 to index
        %parallel_loop3A_287 = tpu.vector_load %arg11[%parallel_loop3A_286] {strides = array<i32>} : memref<22400xf32, #tpu.memory_space<vmem>>, vector<16xf32>,
        tpu.vector_store %arg11[%parallel_loop3A_286], %parallel_loop3A_283 {strides = array<i32>} : memref<22400xf32, #tpu.memory_space<vmem>>, vector<16xf32>,
        %parallel_loop3A_288 = arith.constant 32 : i32
        %parallel_loop3A_289 = vector.broadcast %parallel_loop3A_288 : i32 to vector<16xi32>
        %parallel_loop3A_290 = arith.addi %parallel_loop3A_267, %parallel_loop3A_289 : vector<16xi32>
        %parallel_loop3A_291 = tpu.vector_load_idx %arg6[%parallel_loop3A_290] : memref<53200xf32, #tpu.memory_space<vmem>>[vector<16xi32>], vector<16xf32>,
        %parallel_loop3A_292 = arith.constant 32 : i32
        %parallel_loop3A_293 = arith.addi %parallel_loop3A_271, %parallel_loop3A_292 : i32
        %parallel_loop3A_294 = arith.index_cast %parallel_loop3A_293 : i32 to index
        %parallel_loop3A_295 = tpu.vector_load %arg11[%parallel_loop3A_294] {strides = array<i32>} : memref<22400xf32, #tpu.memory_space<vmem>>, vector<16xf32>,
        tpu.vector_store %arg11[%parallel_loop3A_294], %parallel_loop3A_291 {strides = array<i32>} : memref<22400xf32, #tpu.memory_space<vmem>>, vector<16xf32>,
        %parallel_loop3A_296 = arith.constant 34 : i32
        %parallel_loop3A_297 = vector.broadcast %parallel_loop3A_296 : i32 to vector<16xi32>
        %parallel_loop3A_298 = arith.addi %parallel_loop3A_267, %parallel_loop3A_297 : vector<16xi32>
        %parallel_loop3A_299 = tpu.vector_load_idx %arg6[%parallel_loop3A_298] : memref<53200xf32, #tpu.memory_space<vmem>>[vector<16xi32>], vector<16xf32>,
        %parallel_loop3A_300 = arith.constant 34 : i32
        %parallel_loop3A_301 = arith.addi %parallel_loop3A_271, %parallel_loop3A_300 : i32
        %parallel_loop3A_302 = arith.index_cast %parallel_loop3A_301 : i32 to index
        %parallel_loop3A_303 = tpu.vector_load %arg11[%parallel_loop3A_302] {strides = array<i32>} : memref<22400xf32, #tpu.memory_space<vmem>>, vector<16xf32>,
        tpu.vector_store %arg11[%parallel_loop3A_302], %parallel_loop3A_299 {strides = array<i32>} : memref<22400xf32, #tpu.memory_space<vmem>>, vector<16xf32>,
        %parallel_loop3A_304 = arith.constant 5 : i32
        %parallel_loop3A_305 = vector.broadcast %parallel_loop3A_304 : i32 to vector<16x1xi32>
        %parallel_loop3A_306 = vector.shape_cast %parallel_loop3A_305 : vector<16x1xi32> to vector<16xi32>
        %parallel_loop3A_307 = tpu.dynamic_gather %parallel_loop3A_98[%parallel_loop3A_306] in [0] : vector<16xi32>, vector<16xi32> -> vector<16xi32>
        %parallel_loop3A_308 = arith.addi %parallel_loop3A_307, %iota3A : vector<16xi32>
        %parallel_loop3A_309 = arith.constant 5 : i32
        %parallel_loop3A_310 = arith.addi %parallel_loop3A_72, %parallel_loop3A_309 : i32
        %parallel_loop3A_311 = arith.constant 50 : i32
        %parallel_loop3A_312 = arith.muli %parallel_loop3A_310, %parallel_loop3A_311 : i32
        %parallel_loop3A_313 = arith.constant 0 : i32
        %parallel_loop3A_314 = vector.broadcast %parallel_loop3A_313 : i32 to vector<16xi32>
        %parallel_loop3A_315 = arith.addi %parallel_loop3A_308, %parallel_loop3A_314 : vector<16xi32>
        %parallel_loop3A_316 = tpu.vector_load_idx %arg6[%parallel_loop3A_315] : memref<53200xf32, #tpu.memory_space<vmem>>[vector<16xi32>], vector<16xf32>,
        %parallel_loop3A_317 = arith.constant 0 : i32
        %parallel_loop3A_318 = arith.addi %parallel_loop3A_312, %parallel_loop3A_317 : i32
        %parallel_loop3A_319 = arith.index_cast %parallel_loop3A_318 : i32 to index
        %parallel_loop3A_320 = tpu.vector_load %arg11[%parallel_loop3A_319] {strides = array<i32>} : memref<22400xf32, #tpu.memory_space<vmem>>, vector<16xf32>,
        tpu.vector_store %arg11[%parallel_loop3A_319], %parallel_loop3A_316 {strides = array<i32>} : memref<22400xf32, #tpu.memory_space<vmem>>, vector<16xf32>,
        %parallel_loop3A_321 = arith.constant 16 : i32
        %parallel_loop3A_322 = vector.broadcast %parallel_loop3A_321 : i32 to vector<16xi32>
        %parallel_loop3A_323 = arith.addi %parallel_loop3A_308, %parallel_loop3A_322 : vector<16xi32>
        %parallel_loop3A_324 = tpu.vector_load_idx %arg6[%parallel_loop3A_323] : memref<53200xf32, #tpu.memory_space<vmem>>[vector<16xi32>], vector<16xf32>,
        %parallel_loop3A_325 = arith.constant 16 : i32
        %parallel_loop3A_326 = arith.addi %parallel_loop3A_312, %parallel_loop3A_325 : i32
        %parallel_loop3A_327 = arith.index_cast %parallel_loop3A_326 : i32 to index
        %parallel_loop3A_328 = tpu.vector_load %arg11[%parallel_loop3A_327] {strides = array<i32>} : memref<22400xf32, #tpu.memory_space<vmem>>, vector<16xf32>,
        tpu.vector_store %arg11[%parallel_loop3A_327], %parallel_loop3A_324 {strides = array<i32>} : memref<22400xf32, #tpu.memory_space<vmem>>, vector<16xf32>,
        %parallel_loop3A_329 = arith.constant 32 : i32
        %parallel_loop3A_330 = vector.broadcast %parallel_loop3A_329 : i32 to vector<16xi32>
        %parallel_loop3A_331 = arith.addi %parallel_loop3A_308, %parallel_loop3A_330 : vector<16xi32>
        %parallel_loop3A_332 = tpu.vector_load_idx %arg6[%parallel_loop3A_331] : memref<53200xf32, #tpu.memory_space<vmem>>[vector<16xi32>], vector<16xf32>,
        %parallel_loop3A_333 = arith.constant 32 : i32
        %parallel_loop3A_334 = arith.addi %parallel_loop3A_312, %parallel_loop3A_333 : i32
        %parallel_loop3A_335 = arith.index_cast %parallel_loop3A_334 : i32 to index
        %parallel_loop3A_336 = tpu.vector_load %arg11[%parallel_loop3A_335] {strides = array<i32>} : memref<22400xf32, #tpu.memory_space<vmem>>, vector<16xf32>,
        tpu.vector_store %arg11[%parallel_loop3A_335], %parallel_loop3A_332 {strides = array<i32>} : memref<22400xf32, #tpu.memory_space<vmem>>, vector<16xf32>,
        %parallel_loop3A_337 = arith.constant 34 : i32
        %parallel_loop3A_338 = vector.broadcast %parallel_loop3A_337 : i32 to vector<16xi32>
        %parallel_loop3A_339 = arith.addi %parallel_loop3A_308, %parallel_loop3A_338 : vector<16xi32>
        %parallel_loop3A_340 = tpu.vector_load_idx %arg6[%parallel_loop3A_339] : memref<53200xf32, #tpu.memory_space<vmem>>[vector<16xi32>], vector<16xf32>,
        %parallel_loop3A_341 = arith.constant 34 : i32
        %parallel_loop3A_342 = arith.addi %parallel_loop3A_312, %parallel_loop3A_341 : i32
        %parallel_loop3A_343 = arith.index_cast %parallel_loop3A_342 : i32 to index
        %parallel_loop3A_344 = tpu.vector_load %arg11[%parallel_loop3A_343] {strides = array<i32>} : memref<22400xf32, #tpu.memory_space<vmem>>, vector<16xf32>,
        tpu.vector_store %arg11[%parallel_loop3A_343], %parallel_loop3A_340 {strides = array<i32>} : memref<22400xf32, #tpu.memory_space<vmem>>, vector<16xf32>,
        %parallel_loop3A_345 = arith.constant 6 : i32
        %parallel_loop3A_346 = vector.broadcast %parallel_loop3A_345 : i32 to vector<16x1xi32>
        %parallel_loop3A_347 = vector.shape_cast %parallel_loop3A_346 : vector<16x1xi32> to vector<16xi32>
        %parallel_loop3A_348 = tpu.dynamic_gather %parallel_loop3A_98[%parallel_loop3A_347] in [0] : vector<16xi32>, vector<16xi32> -> vector<16xi32>
        %parallel_loop3A_349 = arith.addi %parallel_loop3A_348, %iota3A : vector<16xi32>
        %parallel_loop3A_350 = arith.constant 6 : i32
        %parallel_loop3A_351 = arith.addi %parallel_loop3A_72, %parallel_loop3A_350 : i32
        %parallel_loop3A_352 = arith.constant 50 : i32
        %parallel_loop3A_353 = arith.muli %parallel_loop3A_351, %parallel_loop3A_352 : i32
        %parallel_loop3A_354 = arith.constant 0 : i32
        %parallel_loop3A_355 = vector.broadcast %parallel_loop3A_354 : i32 to vector<16xi32>
        %parallel_loop3A_356 = arith.addi %parallel_loop3A_349, %parallel_loop3A_355 : vector<16xi32>
        %parallel_loop3A_357 = tpu.vector_load_idx %arg6[%parallel_loop3A_356] : memref<53200xf32, #tpu.memory_space<vmem>>[vector<16xi32>], vector<16xf32>,
        %parallel_loop3A_358 = arith.constant 0 : i32
        %parallel_loop3A_359 = arith.addi %parallel_loop3A_353, %parallel_loop3A_358 : i32
        %parallel_loop3A_360 = arith.index_cast %parallel_loop3A_359 : i32 to index
        %parallel_loop3A_361 = tpu.vector_load %arg11[%parallel_loop3A_360] {strides = array<i32>} : memref<22400xf32, #tpu.memory_space<vmem>>, vector<16xf32>,
        tpu.vector_store %arg11[%parallel_loop3A_360], %parallel_loop3A_357 {strides = array<i32>} : memref<22400xf32, #tpu.memory_space<vmem>>, vector<16xf32>,
        %parallel_loop3A_362 = arith.constant 16 : i32
        %parallel_loop3A_363 = vector.broadcast %parallel_loop3A_362 : i32 to vector<16xi32>
        %parallel_loop3A_364 = arith.addi %parallel_loop3A_349, %parallel_loop3A_363 : vector<16xi32>
        %parallel_loop3A_365 = tpu.vector_load_idx %arg6[%parallel_loop3A_364] : memref<53200xf32, #tpu.memory_space<vmem>>[vector<16xi32>], vector<16xf32>,
        %parallel_loop3A_366 = arith.constant 16 : i32
        %parallel_loop3A_367 = arith.addi %parallel_loop3A_353, %parallel_loop3A_366 : i32
        %parallel_loop3A_368 = arith.index_cast %parallel_loop3A_367 : i32 to index
        %parallel_loop3A_369 = tpu.vector_load %arg11[%parallel_loop3A_368] {strides = array<i32>} : memref<22400xf32, #tpu.memory_space<vmem>>, vector<16xf32>,
        tpu.vector_store %arg11[%parallel_loop3A_368], %parallel_loop3A_365 {strides = array<i32>} : memref<22400xf32, #tpu.memory_space<vmem>>, vector<16xf32>,
        %parallel_loop3A_370 = arith.constant 32 : i32
        %parallel_loop3A_371 = vector.broadcast %parallel_loop3A_370 : i32 to vector<16xi32>
        %parallel_loop3A_372 = arith.addi %parallel_loop3A_349, %parallel_loop3A_371 : vector<16xi32>
        %parallel_loop3A_373 = tpu.vector_load_idx %arg6[%parallel_loop3A_372] : memref<53200xf32, #tpu.memory_space<vmem>>[vector<16xi32>], vector<16xf32>,
        %parallel_loop3A_374 = arith.constant 32 : i32
        %parallel_loop3A_375 = arith.addi %parallel_loop3A_353, %parallel_loop3A_374 : i32
        %parallel_loop3A_376 = arith.index_cast %parallel_loop3A_375 : i32 to index
        %parallel_loop3A_377 = tpu.vector_load %arg11[%parallel_loop3A_376] {strides = array<i32>} : memref<22400xf32, #tpu.memory_space<vmem>>, vector<16xf32>,
        tpu.vector_store %arg11[%parallel_loop3A_376], %parallel_loop3A_373 {strides = array<i32>} : memref<22400xf32, #tpu.memory_space<vmem>>, vector<16xf32>,
        %parallel_loop3A_378 = arith.constant 34 : i32
        %parallel_loop3A_379 = vector.broadcast %parallel_loop3A_378 : i32 to vector<16xi32>
        %parallel_loop3A_380 = arith.addi %parallel_loop3A_349, %parallel_loop3A_379 : vector<16xi32>
        %parallel_loop3A_381 = tpu.vector_load_idx %arg6[%parallel_loop3A_380] : memref<53200xf32, #tpu.memory_space<vmem>>[vector<16xi32>], vector<16xf32>,
        %parallel_loop3A_382 = arith.constant 34 : i32
        %parallel_loop3A_383 = arith.addi %parallel_loop3A_353, %parallel_loop3A_382 : i32
        %parallel_loop3A_384 = arith.index_cast %parallel_loop3A_383 : i32 to index
        %parallel_loop3A_385 = tpu.vector_load %arg11[%parallel_loop3A_384] {strides = array<i32>} : memref<22400xf32, #tpu.memory_space<vmem>>, vector<16xf32>,
        tpu.vector_store %arg11[%parallel_loop3A_384], %parallel_loop3A_381 {strides = array<i32>} : memref<22400xf32, #tpu.memory_space<vmem>>, vector<16xf32>,
        %parallel_loop3A_386 = arith.constant 7 : i32
        %parallel_loop3A_387 = vector.broadcast %parallel_loop3A_386 : i32 to vector<16x1xi32>
        %parallel_loop3A_388 = vector.shape_cast %parallel_loop3A_387 : vector<16x1xi32> to vector<16xi32>
        %parallel_loop3A_389 = tpu.dynamic_gather %parallel_loop3A_98[%parallel_loop3A_388] in [0] : vector<16xi32>, vector<16xi32> -> vector<16xi32>
        %parallel_loop3A_390 = arith.addi %parallel_loop3A_389, %iota3A : vector<16xi32>
        %parallel_loop3A_391 = arith.constant 7 : i32
        %parallel_loop3A_392 = arith.addi %parallel_loop3A_72, %parallel_loop3A_391 : i32
        %parallel_loop3A_393 = arith.constant 50 : i32
        %parallel_loop3A_394 = arith.muli %parallel_loop3A_392, %parallel_loop3A_393 : i32
        %parallel_loop3A_395 = arith.constant 0 : i32
        %parallel_loop3A_396 = vector.broadcast %parallel_loop3A_395 : i32 to vector<16xi32>
        %parallel_loop3A_397 = arith.addi %parallel_loop3A_390, %parallel_loop3A_396 : vector<16xi32>
        %parallel_loop3A_398 = tpu.vector_load_idx %arg6[%parallel_loop3A_397] : memref<53200xf32, #tpu.memory_space<vmem>>[vector<16xi32>], vector<16xf32>,
        %parallel_loop3A_399 = arith.constant 0 : i32
        %parallel_loop3A_400 = arith.addi %parallel_loop3A_394, %parallel_loop3A_399 : i32
        %parallel_loop3A_401 = arith.index_cast %parallel_loop3A_400 : i32 to index
        %parallel_loop3A_402 = tpu.vector_load %arg11[%parallel_loop3A_401] {strides = array<i32>} : memref<22400xf32, #tpu.memory_space<vmem>>, vector<16xf32>,
        tpu.vector_store %arg11[%parallel_loop3A_401], %parallel_loop3A_398 {strides = array<i32>} : memref<22400xf32, #tpu.memory_space<vmem>>, vector<16xf32>,
        %parallel_loop3A_403 = arith.constant 16 : i32
        %parallel_loop3A_404 = vector.broadcast %parallel_loop3A_403 : i32 to vector<16xi32>
        %parallel_loop3A_405 = arith.addi %parallel_loop3A_390, %parallel_loop3A_404 : vector<16xi32>
        %parallel_loop3A_406 = tpu.vector_load_idx %arg6[%parallel_loop3A_405] : memref<53200xf32, #tpu.memory_space<vmem>>[vector<16xi32>], vector<16xf32>,
        %parallel_loop3A_407 = arith.constant 16 : i32
        %parallel_loop3A_408 = arith.addi %parallel_loop3A_394, %parallel_loop3A_407 : i32
        %parallel_loop3A_409 = arith.index_cast %parallel_loop3A_408 : i32 to index
        %parallel_loop3A_410 = tpu.vector_load %arg11[%parallel_loop3A_409] {strides = array<i32>} : memref<22400xf32, #tpu.memory_space<vmem>>, vector<16xf32>,
        tpu.vector_store %arg11[%parallel_loop3A_409], %parallel_loop3A_406 {strides = array<i32>} : memref<22400xf32, #tpu.memory_space<vmem>>, vector<16xf32>,
        %parallel_loop3A_411 = arith.constant 32 : i32
        %parallel_loop3A_412 = vector.broadcast %parallel_loop3A_411 : i32 to vector<16xi32>
        %parallel_loop3A_413 = arith.addi %parallel_loop3A_390, %parallel_loop3A_412 : vector<16xi32>
        %parallel_loop3A_414 = tpu.vector_load_idx %arg6[%parallel_loop3A_413] : memref<53200xf32, #tpu.memory_space<vmem>>[vector<16xi32>], vector<16xf32>,
        %parallel_loop3A_415 = arith.constant 32 : i32
        %parallel_loop3A_416 = arith.addi %parallel_loop3A_394, %parallel_loop3A_415 : i32
        %parallel_loop3A_417 = arith.index_cast %parallel_loop3A_416 : i32 to index
        %parallel_loop3A_418 = tpu.vector_load %arg11[%parallel_loop3A_417] {strides = array<i32>} : memref<22400xf32, #tpu.memory_space<vmem>>, vector<16xf32>,
        tpu.vector_store %arg11[%parallel_loop3A_417], %parallel_loop3A_414 {strides = array<i32>} : memref<22400xf32, #tpu.memory_space<vmem>>, vector<16xf32>,
        %parallel_loop3A_419 = arith.constant 34 : i32
        %parallel_loop3A_420 = vector.broadcast %parallel_loop3A_419 : i32 to vector<16xi32>
        %parallel_loop3A_421 = arith.addi %parallel_loop3A_390, %parallel_loop3A_420 : vector<16xi32>
        %parallel_loop3A_422 = tpu.vector_load_idx %arg6[%parallel_loop3A_421] : memref<53200xf32, #tpu.memory_space<vmem>>[vector<16xi32>], vector<16xf32>,
        %parallel_loop3A_423 = arith.constant 34 : i32
        %parallel_loop3A_424 = arith.addi %parallel_loop3A_394, %parallel_loop3A_423 : i32
        %parallel_loop3A_425 = arith.index_cast %parallel_loop3A_424 : i32 to index
        %parallel_loop3A_426 = tpu.vector_load %arg11[%parallel_loop3A_425] {strides = array<i32>} : memref<22400xf32, #tpu.memory_space<vmem>>, vector<16xf32>,
        tpu.vector_store %arg11[%parallel_loop3A_425], %parallel_loop3A_422 {strides = array<i32>} : memref<22400xf32, #tpu.memory_space<vmem>>, vector<16xf32>,
        %parallel_loop3A_427 = arith.constant 8 : i32
        %parallel_loop3A_428 = vector.broadcast %parallel_loop3A_427 : i32 to vector<16x1xi32>
        %parallel_loop3A_429 = vector.shape_cast %parallel_loop3A_428 : vector<16x1xi32> to vector<16xi32>
        %parallel_loop3A_430 = tpu.dynamic_gather %parallel_loop3A_98[%parallel_loop3A_429] in [0] : vector<16xi32>, vector<16xi32> -> vector<16xi32>
        %parallel_loop3A_431 = arith.addi %parallel_loop3A_430, %iota3A : vector<16xi32>
        %parallel_loop3A_432 = arith.constant 8 : i32
        %parallel_loop3A_433 = arith.addi %parallel_loop3A_72, %parallel_loop3A_432 : i32
        %parallel_loop3A_434 = arith.constant 50 : i32
        %parallel_loop3A_435 = arith.muli %parallel_loop3A_433, %parallel_loop3A_434 : i32
        %parallel_loop3A_436 = arith.constant 0 : i32
        %parallel_loop3A_437 = vector.broadcast %parallel_loop3A_436 : i32 to vector<16xi32>
        %parallel_loop3A_438 = arith.addi %parallel_loop3A_431, %parallel_loop3A_437 : vector<16xi32>
        %parallel_loop3A_439 = tpu.vector_load_idx %arg6[%parallel_loop3A_438] : memref<53200xf32, #tpu.memory_space<vmem>>[vector<16xi32>], vector<16xf32>,
        %parallel_loop3A_440 = arith.constant 0 : i32
        %parallel_loop3A_441 = arith.addi %parallel_loop3A_435, %parallel_loop3A_440 : i32
        %parallel_loop3A_442 = arith.index_cast %parallel_loop3A_441 : i32 to index
        %parallel_loop3A_443 = tpu.vector_load %arg11[%parallel_loop3A_442] {strides = array<i32>} : memref<22400xf32, #tpu.memory_space<vmem>>, vector<16xf32>,
        tpu.vector_store %arg11[%parallel_loop3A_442], %parallel_loop3A_439 {strides = array<i32>} : memref<22400xf32, #tpu.memory_space<vmem>>, vector<16xf32>,
        %parallel_loop3A_444 = arith.constant 16 : i32
        %parallel_loop3A_445 = vector.broadcast %parallel_loop3A_444 : i32 to vector<16xi32>
        %parallel_loop3A_446 = arith.addi %parallel_loop3A_431, %parallel_loop3A_445 : vector<16xi32>
        %parallel_loop3A_447 = tpu.vector_load_idx %arg6[%parallel_loop3A_446] : memref<53200xf32, #tpu.memory_space<vmem>>[vector<16xi32>], vector<16xf32>,
        %parallel_loop3A_448 = arith.constant 16 : i32
        %parallel_loop3A_449 = arith.addi %parallel_loop3A_435, %parallel_loop3A_448 : i32
        %parallel_loop3A_450 = arith.index_cast %parallel_loop3A_449 : i32 to index
        %parallel_loop3A_451 = tpu.vector_load %arg11[%parallel_loop3A_450] {strides = array<i32>} : memref<22400xf32, #tpu.memory_space<vmem>>, vector<16xf32>,
        tpu.vector_store %arg11[%parallel_loop3A_450], %parallel_loop3A_447 {strides = array<i32>} : memref<22400xf32, #tpu.memory_space<vmem>>, vector<16xf32>,
        %parallel_loop3A_452 = arith.constant 32 : i32
        %parallel_loop3A_453 = vector.broadcast %parallel_loop3A_452 : i32 to vector<16xi32>
        %parallel_loop3A_454 = arith.addi %parallel_loop3A_431, %parallel_loop3A_453 : vector<16xi32>
        %parallel_loop3A_455 = tpu.vector_load_idx %arg6[%parallel_loop3A_454] : memref<53200xf32, #tpu.memory_space<vmem>>[vector<16xi32>], vector<16xf32>,
        %parallel_loop3A_456 = arith.constant 32 : i32
        %parallel_loop3A_457 = arith.addi %parallel_loop3A_435, %parallel_loop3A_456 : i32
        %parallel_loop3A_458 = arith.index_cast %parallel_loop3A_457 : i32 to index
        %parallel_loop3A_459 = tpu.vector_load %arg11[%parallel_loop3A_458] {strides = array<i32>} : memref<22400xf32, #tpu.memory_space<vmem>>, vector<16xf32>,
        tpu.vector_store %arg11[%parallel_loop3A_458], %parallel_loop3A_455 {strides = array<i32>} : memref<22400xf32, #tpu.memory_space<vmem>>, vector<16xf32>,
        %parallel_loop3A_460 = arith.constant 34 : i32
        %parallel_loop3A_461 = vector.broadcast %parallel_loop3A_460 : i32 to vector<16xi32>
        %parallel_loop3A_462 = arith.addi %parallel_loop3A_431, %parallel_loop3A_461 : vector<16xi32>
        %parallel_loop3A_463 = tpu.vector_load_idx %arg6[%parallel_loop3A_462] : memref<53200xf32, #tpu.memory_space<vmem>>[vector<16xi32>], vector<16xf32>,
        %parallel_loop3A_464 = arith.constant 34 : i32
        %parallel_loop3A_465 = arith.addi %parallel_loop3A_435, %parallel_loop3A_464 : i32
        %parallel_loop3A_466 = arith.index_cast %parallel_loop3A_465 : i32 to index
        %parallel_loop3A_467 = tpu.vector_load %arg11[%parallel_loop3A_466] {strides = array<i32>} : memref<22400xf32, #tpu.memory_space<vmem>>, vector<16xf32>,
        tpu.vector_store %arg11[%parallel_loop3A_466], %parallel_loop3A_463 {strides = array<i32>} : memref<22400xf32, #tpu.memory_space<vmem>>, vector<16xf32>,
        %parallel_loop3A_468 = arith.constant 9 : i32
        %parallel_loop3A_469 = vector.broadcast %parallel_loop3A_468 : i32 to vector<16x1xi32>
        %parallel_loop3A_470 = vector.shape_cast %parallel_loop3A_469 : vector<16x1xi32> to vector<16xi32>
        %parallel_loop3A_471 = tpu.dynamic_gather %parallel_loop3A_98[%parallel_loop3A_470] in [0] : vector<16xi32>, vector<16xi32> -> vector<16xi32>
        %parallel_loop3A_472 = arith.addi %parallel_loop3A_471, %iota3A : vector<16xi32>
        %parallel_loop3A_473 = arith.constant 9 : i32
        %parallel_loop3A_474 = arith.addi %parallel_loop3A_72, %parallel_loop3A_473 : i32
        %parallel_loop3A_475 = arith.constant 50 : i32
        %parallel_loop3A_476 = arith.muli %parallel_loop3A_474, %parallel_loop3A_475 : i32
        %parallel_loop3A_477 = arith.constant 0 : i32
        %parallel_loop3A_478 = vector.broadcast %parallel_loop3A_477 : i32 to vector<16xi32>
        %parallel_loop3A_479 = arith.addi %parallel_loop3A_472, %parallel_loop3A_478 : vector<16xi32>
        %parallel_loop3A_480 = tpu.vector_load_idx %arg6[%parallel_loop3A_479] : memref<53200xf32, #tpu.memory_space<vmem>>[vector<16xi32>], vector<16xf32>,
        %parallel_loop3A_481 = arith.constant 0 : i32
        %parallel_loop3A_482 = arith.addi %parallel_loop3A_476, %parallel_loop3A_481 : i32
        %parallel_loop3A_483 = arith.index_cast %parallel_loop3A_482 : i32 to index
        %parallel_loop3A_484 = tpu.vector_load %arg11[%parallel_loop3A_483] {strides = array<i32>} : memref<22400xf32, #tpu.memory_space<vmem>>, vector<16xf32>,
        tpu.vector_store %arg11[%parallel_loop3A_483], %parallel_loop3A_480 {strides = array<i32>} : memref<22400xf32, #tpu.memory_space<vmem>>, vector<16xf32>,
        %parallel_loop3A_485 = arith.constant 16 : i32
        %parallel_loop3A_486 = vector.broadcast %parallel_loop3A_485 : i32 to vector<16xi32>
        %parallel_loop3A_487 = arith.addi %parallel_loop3A_472, %parallel_loop3A_486 : vector<16xi32>
        %parallel_loop3A_488 = tpu.vector_load_idx %arg6[%parallel_loop3A_487] : memref<53200xf32, #tpu.memory_space<vmem>>[vector<16xi32>], vector<16xf32>,
        %parallel_loop3A_489 = arith.constant 16 : i32
        %parallel_loop3A_490 = arith.addi %parallel_loop3A_476, %parallel_loop3A_489 : i32
        %parallel_loop3A_491 = arith.index_cast %parallel_loop3A_490 : i32 to index
        %parallel_loop3A_492 = tpu.vector_load %arg11[%parallel_loop3A_491] {strides = array<i32>} : memref<22400xf32, #tpu.memory_space<vmem>>, vector<16xf32>,
        tpu.vector_store %arg11[%parallel_loop3A_491], %parallel_loop3A_488 {strides = array<i32>} : memref<22400xf32, #tpu.memory_space<vmem>>, vector<16xf32>,
        %parallel_loop3A_493 = arith.constant 32 : i32
        %parallel_loop3A_494 = vector.broadcast %parallel_loop3A_493 : i32 to vector<16xi32>
        %parallel_loop3A_495 = arith.addi %parallel_loop3A_472, %parallel_loop3A_494 : vector<16xi32>
        %parallel_loop3A_496 = tpu.vector_load_idx %arg6[%parallel_loop3A_495] : memref<53200xf32, #tpu.memory_space<vmem>>[vector<16xi32>], vector<16xf32>,
        %parallel_loop3A_497 = arith.constant 32 : i32
        %parallel_loop3A_498 = arith.addi %parallel_loop3A_476, %parallel_loop3A_497 : i32
        %parallel_loop3A_499 = arith.index_cast %parallel_loop3A_498 : i32 to index
        %parallel_loop3A_500 = tpu.vector_load %arg11[%parallel_loop3A_499] {strides = array<i32>} : memref<22400xf32, #tpu.memory_space<vmem>>, vector<16xf32>,
        tpu.vector_store %arg11[%parallel_loop3A_499], %parallel_loop3A_496 {strides = array<i32>} : memref<22400xf32, #tpu.memory_space<vmem>>, vector<16xf32>,
        %parallel_loop3A_501 = arith.constant 34 : i32
        %parallel_loop3A_502 = vector.broadcast %parallel_loop3A_501 : i32 to vector<16xi32>
        %parallel_loop3A_503 = arith.addi %parallel_loop3A_472, %parallel_loop3A_502 : vector<16xi32>
        %parallel_loop3A_504 = tpu.vector_load_idx %arg6[%parallel_loop3A_503] : memref<53200xf32, #tpu.memory_space<vmem>>[vector<16xi32>], vector<16xf32>,
        %parallel_loop3A_505 = arith.constant 34 : i32
        %parallel_loop3A_506 = arith.addi %parallel_loop3A_476, %parallel_loop3A_505 : i32
        %parallel_loop3A_507 = arith.index_cast %parallel_loop3A_506 : i32 to index
        %parallel_loop3A_508 = tpu.vector_load %arg11[%parallel_loop3A_507] {strides = array<i32>} : memref<22400xf32, #tpu.memory_space<vmem>>, vector<16xf32>,
        tpu.vector_store %arg11[%parallel_loop3A_507], %parallel_loop3A_504 {strides = array<i32>} : memref<22400xf32, #tpu.memory_space<vmem>>, vector<16xf32>,
        %parallel_loop3A_509 = arith.constant 10 : i32
        %parallel_loop3A_510 = vector.broadcast %parallel_loop3A_509 : i32 to vector<16x1xi32>
        %parallel_loop3A_511 = vector.shape_cast %parallel_loop3A_510 : vector<16x1xi32> to vector<16xi32>
        %parallel_loop3A_512 = tpu.dynamic_gather %parallel_loop3A_98[%parallel_loop3A_511] in [0] : vector<16xi32>, vector<16xi32> -> vector<16xi32>
        %parallel_loop3A_513 = arith.addi %parallel_loop3A_512, %iota3A : vector<16xi32>
        %parallel_loop3A_514 = arith.constant 10 : i32
        %parallel_loop3A_515 = arith.addi %parallel_loop3A_72, %parallel_loop3A_514 : i32
        %parallel_loop3A_516 = arith.constant 50 : i32
        %parallel_loop3A_517 = arith.muli %parallel_loop3A_515, %parallel_loop3A_516 : i32
        %parallel_loop3A_518 = arith.constant 0 : i32
        %parallel_loop3A_519 = vector.broadcast %parallel_loop3A_518 : i32 to vector<16xi32>
        %parallel_loop3A_520 = arith.addi %parallel_loop3A_513, %parallel_loop3A_519 : vector<16xi32>
        %parallel_loop3A_521 = tpu.vector_load_idx %arg6[%parallel_loop3A_520] : memref<53200xf32, #tpu.memory_space<vmem>>[vector<16xi32>], vector<16xf32>,
        %parallel_loop3A_522 = arith.constant 0 : i32
        %parallel_loop3A_523 = arith.addi %parallel_loop3A_517, %parallel_loop3A_522 : i32
        %parallel_loop3A_524 = arith.index_cast %parallel_loop3A_523 : i32 to index
        %parallel_loop3A_525 = tpu.vector_load %arg11[%parallel_loop3A_524] {strides = array<i32>} : memref<22400xf32, #tpu.memory_space<vmem>>, vector<16xf32>,
        tpu.vector_store %arg11[%parallel_loop3A_524], %parallel_loop3A_521 {strides = array<i32>} : memref<22400xf32, #tpu.memory_space<vmem>>, vector<16xf32>,
        %parallel_loop3A_526 = arith.constant 16 : i32
        %parallel_loop3A_527 = vector.broadcast %parallel_loop3A_526 : i32 to vector<16xi32>
        %parallel_loop3A_528 = arith.addi %parallel_loop3A_513, %parallel_loop3A_527 : vector<16xi32>
        %parallel_loop3A_529 = tpu.vector_load_idx %arg6[%parallel_loop3A_528] : memref<53200xf32, #tpu.memory_space<vmem>>[vector<16xi32>], vector<16xf32>,
        %parallel_loop3A_530 = arith.constant 16 : i32
        %parallel_loop3A_531 = arith.addi %parallel_loop3A_517, %parallel_loop3A_530 : i32
        %parallel_loop3A_532 = arith.index_cast %parallel_loop3A_531 : i32 to index
        %parallel_loop3A_533 = tpu.vector_load %arg11[%parallel_loop3A_532] {strides = array<i32>} : memref<22400xf32, #tpu.memory_space<vmem>>, vector<16xf32>,
        tpu.vector_store %arg11[%parallel_loop3A_532], %parallel_loop3A_529 {strides = array<i32>} : memref<22400xf32, #tpu.memory_space<vmem>>, vector<16xf32>,
        %parallel_loop3A_534 = arith.constant 32 : i32
        %parallel_loop3A_535 = vector.broadcast %parallel_loop3A_534 : i32 to vector<16xi32>
        %parallel_loop3A_536 = arith.addi %parallel_loop3A_513, %parallel_loop3A_535 : vector<16xi32>
        %parallel_loop3A_537 = tpu.vector_load_idx %arg6[%parallel_loop3A_536] : memref<53200xf32, #tpu.memory_space<vmem>>[vector<16xi32>], vector<16xf32>,
        %parallel_loop3A_538 = arith.constant 32 : i32
        %parallel_loop3A_539 = arith.addi %parallel_loop3A_517, %parallel_loop3A_538 : i32
        %parallel_loop3A_540 = arith.index_cast %parallel_loop3A_539 : i32 to index
        %parallel_loop3A_541 = tpu.vector_load %arg11[%parallel_loop3A_540] {strides = array<i32>} : memref<22400xf32, #tpu.memory_space<vmem>>, vector<16xf32>,
        tpu.vector_store %arg11[%parallel_loop3A_540], %parallel_loop3A_537 {strides = array<i32>} : memref<22400xf32, #tpu.memory_space<vmem>>, vector<16xf32>,
        %parallel_loop3A_542 = arith.constant 34 : i32
        %parallel_loop3A_543 = vector.broadcast %parallel_loop3A_542 : i32 to vector<16xi32>
        %parallel_loop3A_544 = arith.addi %parallel_loop3A_513, %parallel_loop3A_543 : vector<16xi32>
        %parallel_loop3A_545 = tpu.vector_load_idx %arg6[%parallel_loop3A_544] : memref<53200xf32, #tpu.memory_space<vmem>>[vector<16xi32>], vector<16xf32>,
        %parallel_loop3A_546 = arith.constant 34 : i32
        %parallel_loop3A_547 = arith.addi %parallel_loop3A_517, %parallel_loop3A_546 : i32
        %parallel_loop3A_548 = arith.index_cast %parallel_loop3A_547 : i32 to index
        %parallel_loop3A_549 = tpu.vector_load %arg11[%parallel_loop3A_548] {strides = array<i32>} : memref<22400xf32, #tpu.memory_space<vmem>>, vector<16xf32>,
        tpu.vector_store %arg11[%parallel_loop3A_548], %parallel_loop3A_545 {strides = array<i32>} : memref<22400xf32, #tpu.memory_space<vmem>>, vector<16xf32>,
        %parallel_loop3A_550 = arith.constant 11 : i32
        %parallel_loop3A_551 = vector.broadcast %parallel_loop3A_550 : i32 to vector<16x1xi32>
        %parallel_loop3A_552 = vector.shape_cast %parallel_loop3A_551 : vector<16x1xi32> to vector<16xi32>
        %parallel_loop3A_553 = tpu.dynamic_gather %parallel_loop3A_98[%parallel_loop3A_552] in [0] : vector<16xi32>, vector<16xi32> -> vector<16xi32>
        %parallel_loop3A_554 = arith.addi %parallel_loop3A_553, %iota3A : vector<16xi32>
        %parallel_loop3A_555 = arith.constant 11 : i32
        %parallel_loop3A_556 = arith.addi %parallel_loop3A_72, %parallel_loop3A_555 : i32
        %parallel_loop3A_557 = arith.constant 50 : i32
        %parallel_loop3A_558 = arith.muli %parallel_loop3A_556, %parallel_loop3A_557 : i32
        %parallel_loop3A_559 = arith.constant 0 : i32
        %parallel_loop3A_560 = vector.broadcast %parallel_loop3A_559 : i32 to vector<16xi32>
        %parallel_loop3A_561 = arith.addi %parallel_loop3A_554, %parallel_loop3A_560 : vector<16xi32>
        %parallel_loop3A_562 = tpu.vector_load_idx %arg6[%parallel_loop3A_561] : memref<53200xf32, #tpu.memory_space<vmem>>[vector<16xi32>], vector<16xf32>,
        %parallel_loop3A_563 = arith.constant 0 : i32
        %parallel_loop3A_564 = arith.addi %parallel_loop3A_558, %parallel_loop3A_563 : i32
        %parallel_loop3A_565 = arith.index_cast %parallel_loop3A_564 : i32 to index
        %parallel_loop3A_566 = tpu.vector_load %arg11[%parallel_loop3A_565] {strides = array<i32>} : memref<22400xf32, #tpu.memory_space<vmem>>, vector<16xf32>,
        tpu.vector_store %arg11[%parallel_loop3A_565], %parallel_loop3A_562 {strides = array<i32>} : memref<22400xf32, #tpu.memory_space<vmem>>, vector<16xf32>,
        %parallel_loop3A_567 = arith.constant 16 : i32
        %parallel_loop3A_568 = vector.broadcast %parallel_loop3A_567 : i32 to vector<16xi32>
        %parallel_loop3A_569 = arith.addi %parallel_loop3A_554, %parallel_loop3A_568 : vector<16xi32>
        %parallel_loop3A_570 = tpu.vector_load_idx %arg6[%parallel_loop3A_569] : memref<53200xf32, #tpu.memory_space<vmem>>[vector<16xi32>], vector<16xf32>,
        %parallel_loop3A_571 = arith.constant 16 : i32
        %parallel_loop3A_572 = arith.addi %parallel_loop3A_558, %parallel_loop3A_571 : i32
        %parallel_loop3A_573 = arith.index_cast %parallel_loop3A_572 : i32 to index
        %parallel_loop3A_574 = tpu.vector_load %arg11[%parallel_loop3A_573] {strides = array<i32>} : memref<22400xf32, #tpu.memory_space<vmem>>, vector<16xf32>,
        tpu.vector_store %arg11[%parallel_loop3A_573], %parallel_loop3A_570 {strides = array<i32>} : memref<22400xf32, #tpu.memory_space<vmem>>, vector<16xf32>,
        %parallel_loop3A_575 = arith.constant 32 : i32
        %parallel_loop3A_576 = vector.broadcast %parallel_loop3A_575 : i32 to vector<16xi32>
        %parallel_loop3A_577 = arith.addi %parallel_loop3A_554, %parallel_loop3A_576 : vector<16xi32>
        %parallel_loop3A_578 = tpu.vector_load_idx %arg6[%parallel_loop3A_577] : memref<53200xf32, #tpu.memory_space<vmem>>[vector<16xi32>], vector<16xf32>,
        %parallel_loop3A_579 = arith.constant 32 : i32
        %parallel_loop3A_580 = arith.addi %parallel_loop3A_558, %parallel_loop3A_579 : i32
        %parallel_loop3A_581 = arith.index_cast %parallel_loop3A_580 : i32 to index
        %parallel_loop3A_582 = tpu.vector_load %arg11[%parallel_loop3A_581] {strides = array<i32>} : memref<22400xf32, #tpu.memory_space<vmem>>, vector<16xf32>,
        tpu.vector_store %arg11[%parallel_loop3A_581], %parallel_loop3A_578 {strides = array<i32>} : memref<22400xf32, #tpu.memory_space<vmem>>, vector<16xf32>,
        %parallel_loop3A_583 = arith.constant 34 : i32
        %parallel_loop3A_584 = vector.broadcast %parallel_loop3A_583 : i32 to vector<16xi32>
        %parallel_loop3A_585 = arith.addi %parallel_loop3A_554, %parallel_loop3A_584 : vector<16xi32>
        %parallel_loop3A_586 = tpu.vector_load_idx %arg6[%parallel_loop3A_585] : memref<53200xf32, #tpu.memory_space<vmem>>[vector<16xi32>], vector<16xf32>,
        %parallel_loop3A_587 = arith.constant 34 : i32
        %parallel_loop3A_588 = arith.addi %parallel_loop3A_558, %parallel_loop3A_587 : i32
        %parallel_loop3A_589 = arith.index_cast %parallel_loop3A_588 : i32 to index
        %parallel_loop3A_590 = tpu.vector_load %arg11[%parallel_loop3A_589] {strides = array<i32>} : memref<22400xf32, #tpu.memory_space<vmem>>, vector<16xf32>,
        tpu.vector_store %arg11[%parallel_loop3A_589], %parallel_loop3A_586 {strides = array<i32>} : memref<22400xf32, #tpu.memory_space<vmem>>, vector<16xf32>,
        %parallel_loop3A_591 = arith.constant 12 : i32
        %parallel_loop3A_592 = vector.broadcast %parallel_loop3A_591 : i32 to vector<16x1xi32>
        %parallel_loop3A_593 = vector.shape_cast %parallel_loop3A_592 : vector<16x1xi32> to vector<16xi32>
        %parallel_loop3A_594 = tpu.dynamic_gather %parallel_loop3A_98[%parallel_loop3A_593] in [0] : vector<16xi32>, vector<16xi32> -> vector<16xi32>
        %parallel_loop3A_595 = arith.addi %parallel_loop3A_594, %iota3A : vector<16xi32>
        %parallel_loop3A_596 = arith.constant 12 : i32
        %parallel_loop3A_597 = arith.addi %parallel_loop3A_72, %parallel_loop3A_596 : i32
        %parallel_loop3A_598 = arith.constant 50 : i32
        %parallel_loop3A_599 = arith.muli %parallel_loop3A_597, %parallel_loop3A_598 : i32
        %parallel_loop3A_600 = arith.constant 0 : i32
        %parallel_loop3A_601 = vector.broadcast %parallel_loop3A_600 : i32 to vector<16xi32>
        %parallel_loop3A_602 = arith.addi %parallel_loop3A_595, %parallel_loop3A_601 : vector<16xi32>
        %parallel_loop3A_603 = tpu.vector_load_idx %arg6[%parallel_loop3A_602] : memref<53200xf32, #tpu.memory_space<vmem>>[vector<16xi32>], vector<16xf32>,
        %parallel_loop3A_604 = arith.constant 0 : i32
        %parallel_loop3A_605 = arith.addi %parallel_loop3A_599, %parallel_loop3A_604 : i32
        %parallel_loop3A_606 = arith.index_cast %parallel_loop3A_605 : i32 to index
        %parallel_loop3A_607 = tpu.vector_load %arg11[%parallel_loop3A_606] {strides = array<i32>} : memref<22400xf32, #tpu.memory_space<vmem>>, vector<16xf32>,
        tpu.vector_store %arg11[%parallel_loop3A_606], %parallel_loop3A_603 {strides = array<i32>} : memref<22400xf32, #tpu.memory_space<vmem>>, vector<16xf32>,
        %parallel_loop3A_608 = arith.constant 16 : i32
        %parallel_loop3A_609 = vector.broadcast %parallel_loop3A_608 : i32 to vector<16xi32>
        %parallel_loop3A_610 = arith.addi %parallel_loop3A_595, %parallel_loop3A_609 : vector<16xi32>
        %parallel_loop3A_611 = tpu.vector_load_idx %arg6[%parallel_loop3A_610] : memref<53200xf32, #tpu.memory_space<vmem>>[vector<16xi32>], vector<16xf32>,
        %parallel_loop3A_612 = arith.constant 16 : i32
        %parallel_loop3A_613 = arith.addi %parallel_loop3A_599, %parallel_loop3A_612 : i32
        %parallel_loop3A_614 = arith.index_cast %parallel_loop3A_613 : i32 to index
        %parallel_loop3A_615 = tpu.vector_load %arg11[%parallel_loop3A_614] {strides = array<i32>} : memref<22400xf32, #tpu.memory_space<vmem>>, vector<16xf32>,
        tpu.vector_store %arg11[%parallel_loop3A_614], %parallel_loop3A_611 {strides = array<i32>} : memref<22400xf32, #tpu.memory_space<vmem>>, vector<16xf32>,
        %parallel_loop3A_616 = arith.constant 32 : i32
        %parallel_loop3A_617 = vector.broadcast %parallel_loop3A_616 : i32 to vector<16xi32>
        %parallel_loop3A_618 = arith.addi %parallel_loop3A_595, %parallel_loop3A_617 : vector<16xi32>
        %parallel_loop3A_619 = tpu.vector_load_idx %arg6[%parallel_loop3A_618] : memref<53200xf32, #tpu.memory_space<vmem>>[vector<16xi32>], vector<16xf32>,
        %parallel_loop3A_620 = arith.constant 32 : i32
        %parallel_loop3A_621 = arith.addi %parallel_loop3A_599, %parallel_loop3A_620 : i32
        %parallel_loop3A_622 = arith.index_cast %parallel_loop3A_621 : i32 to index
        %parallel_loop3A_623 = tpu.vector_load %arg11[%parallel_loop3A_622] {strides = array<i32>} : memref<22400xf32, #tpu.memory_space<vmem>>, vector<16xf32>,
        tpu.vector_store %arg11[%parallel_loop3A_622], %parallel_loop3A_619 {strides = array<i32>} : memref<22400xf32, #tpu.memory_space<vmem>>, vector<16xf32>,
        %parallel_loop3A_624 = arith.constant 34 : i32
        %parallel_loop3A_625 = vector.broadcast %parallel_loop3A_624 : i32 to vector<16xi32>
        %parallel_loop3A_626 = arith.addi %parallel_loop3A_595, %parallel_loop3A_625 : vector<16xi32>
        %parallel_loop3A_627 = tpu.vector_load_idx %arg6[%parallel_loop3A_626] : memref<53200xf32, #tpu.memory_space<vmem>>[vector<16xi32>], vector<16xf32>,
        %parallel_loop3A_628 = arith.constant 34 : i32
        %parallel_loop3A_629 = arith.addi %parallel_loop3A_599, %parallel_loop3A_628 : i32
        %parallel_loop3A_630 = arith.index_cast %parallel_loop3A_629 : i32 to index
        %parallel_loop3A_631 = tpu.vector_load %arg11[%parallel_loop3A_630] {strides = array<i32>} : memref<22400xf32, #tpu.memory_space<vmem>>, vector<16xf32>,
        tpu.vector_store %arg11[%parallel_loop3A_630], %parallel_loop3A_627 {strides = array<i32>} : memref<22400xf32, #tpu.memory_space<vmem>>, vector<16xf32>,
        %parallel_loop3A_632 = arith.constant 13 : i32
        %parallel_loop3A_633 = vector.broadcast %parallel_loop3A_632 : i32 to vector<16x1xi32>
        %parallel_loop3A_634 = vector.shape_cast %parallel_loop3A_633 : vector<16x1xi32> to vector<16xi32>
        %parallel_loop3A_635 = tpu.dynamic_gather %parallel_loop3A_98[%parallel_loop3A_634] in [0] : vector<16xi32>, vector<16xi32> -> vector<16xi32>
        %parallel_loop3A_636 = arith.addi %parallel_loop3A_635, %iota3A : vector<16xi32>
        %parallel_loop3A_637 = arith.constant 13 : i32
        %parallel_loop3A_638 = arith.addi %parallel_loop3A_72, %parallel_loop3A_637 : i32
        %parallel_loop3A_639 = arith.constant 50 : i32
        %parallel_loop3A_640 = arith.muli %parallel_loop3A_638, %parallel_loop3A_639 : i32
        %parallel_loop3A_641 = arith.constant 0 : i32
        %parallel_loop3A_642 = vector.broadcast %parallel_loop3A_641 : i32 to vector<16xi32>
        %parallel_loop3A_643 = arith.addi %parallel_loop3A_636, %parallel_loop3A_642 : vector<16xi32>
        %parallel_loop3A_644 = tpu.vector_load_idx %arg6[%parallel_loop3A_643] : memref<53200xf32, #tpu.memory_space<vmem>>[vector<16xi32>], vector<16xf32>,
        %parallel_loop3A_645 = arith.constant 0 : i32
        %parallel_loop3A_646 = arith.addi %parallel_loop3A_640, %parallel_loop3A_645 : i32
        %parallel_loop3A_647 = arith.index_cast %parallel_loop3A_646 : i32 to index
        %parallel_loop3A_648 = tpu.vector_load %arg11[%parallel_loop3A_647] {strides = array<i32>} : memref<22400xf32, #tpu.memory_space<vmem>>, vector<16xf32>,
        tpu.vector_store %arg11[%parallel_loop3A_647], %parallel_loop3A_644 {strides = array<i32>} : memref<22400xf32, #tpu.memory_space<vmem>>, vector<16xf32>,
        %parallel_loop3A_649 = arith.constant 16 : i32
        %parallel_loop3A_650 = vector.broadcast %parallel_loop3A_649 : i32 to vector<16xi32>
        %parallel_loop3A_651 = arith.addi %parallel_loop3A_636, %parallel_loop3A_650 : vector<16xi32>
        %parallel_loop3A_652 = tpu.vector_load_idx %arg6[%parallel_loop3A_651] : memref<53200xf32, #tpu.memory_space<vmem>>[vector<16xi32>], vector<16xf32>,
        %parallel_loop3A_653 = arith.constant 16 : i32
        %parallel_loop3A_654 = arith.addi %parallel_loop3A_640, %parallel_loop3A_653 : i32
        %parallel_loop3A_655 = arith.index_cast %parallel_loop3A_654 : i32 to index
        %parallel_loop3A_656 = tpu.vector_load %arg11[%parallel_loop3A_655] {strides = array<i32>} : memref<22400xf32, #tpu.memory_space<vmem>>, vector<16xf32>,
        tpu.vector_store %arg11[%parallel_loop3A_655], %parallel_loop3A_652 {strides = array<i32>} : memref<22400xf32, #tpu.memory_space<vmem>>, vector<16xf32>,
        %parallel_loop3A_657 = arith.constant 32 : i32
        %parallel_loop3A_658 = vector.broadcast %parallel_loop3A_657 : i32 to vector<16xi32>
        %parallel_loop3A_659 = arith.addi %parallel_loop3A_636, %parallel_loop3A_658 : vector<16xi32>
        %parallel_loop3A_660 = tpu.vector_load_idx %arg6[%parallel_loop3A_659] : memref<53200xf32, #tpu.memory_space<vmem>>[vector<16xi32>], vector<16xf32>,
        %parallel_loop3A_661 = arith.constant 32 : i32
        %parallel_loop3A_662 = arith.addi %parallel_loop3A_640, %parallel_loop3A_661 : i32
        %parallel_loop3A_663 = arith.index_cast %parallel_loop3A_662 : i32 to index
        %parallel_loop3A_664 = tpu.vector_load %arg11[%parallel_loop3A_663] {strides = array<i32>} : memref<22400xf32, #tpu.memory_space<vmem>>, vector<16xf32>,
        tpu.vector_store %arg11[%parallel_loop3A_663], %parallel_loop3A_660 {strides = array<i32>} : memref<22400xf32, #tpu.memory_space<vmem>>, vector<16xf32>,
        %parallel_loop3A_665 = arith.constant 34 : i32
        %parallel_loop3A_666 = vector.broadcast %parallel_loop3A_665 : i32 to vector<16xi32>
        %parallel_loop3A_667 = arith.addi %parallel_loop3A_636, %parallel_loop3A_666 : vector<16xi32>
        %parallel_loop3A_668 = tpu.vector_load_idx %arg6[%parallel_loop3A_667] : memref<53200xf32, #tpu.memory_space<vmem>>[vector<16xi32>], vector<16xf32>,
        %parallel_loop3A_669 = arith.constant 34 : i32
        %parallel_loop3A_670 = arith.addi %parallel_loop3A_640, %parallel_loop3A_669 : i32
        %parallel_loop3A_671 = arith.index_cast %parallel_loop3A_670 : i32 to index
        %parallel_loop3A_672 = tpu.vector_load %arg11[%parallel_loop3A_671] {strides = array<i32>} : memref<22400xf32, #tpu.memory_space<vmem>>, vector<16xf32>,
        tpu.vector_store %arg11[%parallel_loop3A_671], %parallel_loop3A_668 {strides = array<i32>} : memref<22400xf32, #tpu.memory_space<vmem>>, vector<16xf32>,
        %parallel_loop3A_673 = arith.constant 14 : i32
        %parallel_loop3A_674 = vector.broadcast %parallel_loop3A_673 : i32 to vector<16x1xi32>
        %parallel_loop3A_675 = vector.shape_cast %parallel_loop3A_674 : vector<16x1xi32> to vector<16xi32>
        %parallel_loop3A_676 = tpu.dynamic_gather %parallel_loop3A_98[%parallel_loop3A_675] in [0] : vector<16xi32>, vector<16xi32> -> vector<16xi32>
        %parallel_loop3A_677 = arith.addi %parallel_loop3A_676, %iota3A : vector<16xi32>
        %parallel_loop3A_678 = arith.constant 14 : i32
        %parallel_loop3A_679 = arith.addi %parallel_loop3A_72, %parallel_loop3A_678 : i32
        %parallel_loop3A_680 = arith.constant 50 : i32
        %parallel_loop3A_681 = arith.muli %parallel_loop3A_679, %parallel_loop3A_680 : i32
        %parallel_loop3A_682 = arith.constant 0 : i32
        %parallel_loop3A_683 = vector.broadcast %parallel_loop3A_682 : i32 to vector<16xi32>
        %parallel_loop3A_684 = arith.addi %parallel_loop3A_677, %parallel_loop3A_683 : vector<16xi32>
        %parallel_loop3A_685 = tpu.vector_load_idx %arg6[%parallel_loop3A_684] : memref<53200xf32, #tpu.memory_space<vmem>>[vector<16xi32>], vector<16xf32>,
        %parallel_loop3A_686 = arith.constant 0 : i32
        %parallel_loop3A_687 = arith.addi %parallel_loop3A_681, %parallel_loop3A_686 : i32
        %parallel_loop3A_688 = arith.index_cast %parallel_loop3A_687 : i32 to index
        %parallel_loop3A_689 = tpu.vector_load %arg11[%parallel_loop3A_688] {strides = array<i32>} : memref<22400xf32, #tpu.memory_space<vmem>>, vector<16xf32>,
        tpu.vector_store %arg11[%parallel_loop3A_688], %parallel_loop3A_685 {strides = array<i32>} : memref<22400xf32, #tpu.memory_space<vmem>>, vector<16xf32>,
        %parallel_loop3A_690 = arith.constant 16 : i32
        %parallel_loop3A_691 = vector.broadcast %parallel_loop3A_690 : i32 to vector<16xi32>
        %parallel_loop3A_692 = arith.addi %parallel_loop3A_677, %parallel_loop3A_691 : vector<16xi32>
        %parallel_loop3A_693 = tpu.vector_load_idx %arg6[%parallel_loop3A_692] : memref<53200xf32, #tpu.memory_space<vmem>>[vector<16xi32>], vector<16xf32>,
        %parallel_loop3A_694 = arith.constant 16 : i32
        %parallel_loop3A_695 = arith.addi %parallel_loop3A_681, %parallel_loop3A_694 : i32
        %parallel_loop3A_696 = arith.index_cast %parallel_loop3A_695 : i32 to index
        %parallel_loop3A_697 = tpu.vector_load %arg11[%parallel_loop3A_696] {strides = array<i32>} : memref<22400xf32, #tpu.memory_space<vmem>>, vector<16xf32>,
        tpu.vector_store %arg11[%parallel_loop3A_696], %parallel_loop3A_693 {strides = array<i32>} : memref<22400xf32, #tpu.memory_space<vmem>>, vector<16xf32>,
        %parallel_loop3A_698 = arith.constant 32 : i32
        %parallel_loop3A_699 = vector.broadcast %parallel_loop3A_698 : i32 to vector<16xi32>
        %parallel_loop3A_700 = arith.addi %parallel_loop3A_677, %parallel_loop3A_699 : vector<16xi32>
        %parallel_loop3A_701 = tpu.vector_load_idx %arg6[%parallel_loop3A_700] : memref<53200xf32, #tpu.memory_space<vmem>>[vector<16xi32>], vector<16xf32>,
        %parallel_loop3A_702 = arith.constant 32 : i32
        %parallel_loop3A_703 = arith.addi %parallel_loop3A_681, %parallel_loop3A_702 : i32
        %parallel_loop3A_704 = arith.index_cast %parallel_loop3A_703 : i32 to index
        %parallel_loop3A_705 = tpu.vector_load %arg11[%parallel_loop3A_704] {strides = array<i32>} : memref<22400xf32, #tpu.memory_space<vmem>>, vector<16xf32>,
        tpu.vector_store %arg11[%parallel_loop3A_704], %parallel_loop3A_701 {strides = array<i32>} : memref<22400xf32, #tpu.memory_space<vmem>>, vector<16xf32>,
        %parallel_loop3A_706 = arith.constant 34 : i32
        %parallel_loop3A_707 = vector.broadcast %parallel_loop3A_706 : i32 to vector<16xi32>
        %parallel_loop3A_708 = arith.addi %parallel_loop3A_677, %parallel_loop3A_707 : vector<16xi32>
        %parallel_loop3A_709 = tpu.vector_load_idx %arg6[%parallel_loop3A_708] : memref<53200xf32, #tpu.memory_space<vmem>>[vector<16xi32>], vector<16xf32>,
        %parallel_loop3A_710 = arith.constant 34 : i32
        %parallel_loop3A_711 = arith.addi %parallel_loop3A_681, %parallel_loop3A_710 : i32
        %parallel_loop3A_712 = arith.index_cast %parallel_loop3A_711 : i32 to index
        %parallel_loop3A_713 = tpu.vector_load %arg11[%parallel_loop3A_712] {strides = array<i32>} : memref<22400xf32, #tpu.memory_space<vmem>>, vector<16xf32>,
        tpu.vector_store %arg11[%parallel_loop3A_712], %parallel_loop3A_709 {strides = array<i32>} : memref<22400xf32, #tpu.memory_space<vmem>>, vector<16xf32>,
        %parallel_loop3A_714 = arith.constant 15 : i32
        %parallel_loop3A_715 = vector.broadcast %parallel_loop3A_714 : i32 to vector<16x1xi32>
        %parallel_loop3A_716 = vector.shape_cast %parallel_loop3A_715 : vector<16x1xi32> to vector<16xi32>
        %parallel_loop3A_717 = tpu.dynamic_gather %parallel_loop3A_98[%parallel_loop3A_716] in [0] : vector<16xi32>, vector<16xi32> -> vector<16xi32>
        %parallel_loop3A_718 = arith.addi %parallel_loop3A_717, %iota3A : vector<16xi32>
        %parallel_loop3A_719 = arith.constant 15 : i32
        %parallel_loop3A_720 = arith.addi %parallel_loop3A_72, %parallel_loop3A_719 : i32
        %parallel_loop3A_721 = arith.constant 50 : i32
        %parallel_loop3A_722 = arith.muli %parallel_loop3A_720, %parallel_loop3A_721 : i32
        %parallel_loop3A_723 = arith.constant 0 : i32
        %parallel_loop3A_724 = vector.broadcast %parallel_loop3A_723 : i32 to vector<16xi32>
        %parallel_loop3A_725 = arith.addi %parallel_loop3A_718, %parallel_loop3A_724 : vector<16xi32>
        %parallel_loop3A_726 = tpu.vector_load_idx %arg6[%parallel_loop3A_725] : memref<53200xf32, #tpu.memory_space<vmem>>[vector<16xi32>], vector<16xf32>,
        %parallel_loop3A_727 = arith.constant 0 : i32
        %parallel_loop3A_728 = arith.addi %parallel_loop3A_722, %parallel_loop3A_727 : i32
        %parallel_loop3A_729 = arith.index_cast %parallel_loop3A_728 : i32 to index
        %parallel_loop3A_730 = tpu.vector_load %arg11[%parallel_loop3A_729] {strides = array<i32>} : memref<22400xf32, #tpu.memory_space<vmem>>, vector<16xf32>,
        tpu.vector_store %arg11[%parallel_loop3A_729], %parallel_loop3A_726 {strides = array<i32>} : memref<22400xf32, #tpu.memory_space<vmem>>, vector<16xf32>,
        %parallel_loop3A_731 = arith.constant 16 : i32
        %parallel_loop3A_732 = vector.broadcast %parallel_loop3A_731 : i32 to vector<16xi32>
        %parallel_loop3A_733 = arith.addi %parallel_loop3A_718, %parallel_loop3A_732 : vector<16xi32>
        %parallel_loop3A_734 = tpu.vector_load_idx %arg6[%parallel_loop3A_733] : memref<53200xf32, #tpu.memory_space<vmem>>[vector<16xi32>], vector<16xf32>,
        %parallel_loop3A_735 = arith.constant 16 : i32
        %parallel_loop3A_736 = arith.addi %parallel_loop3A_722, %parallel_loop3A_735 : i32
        %parallel_loop3A_737 = arith.index_cast %parallel_loop3A_736 : i32 to index
        %parallel_loop3A_738 = tpu.vector_load %arg11[%parallel_loop3A_737] {strides = array<i32>} : memref<22400xf32, #tpu.memory_space<vmem>>, vector<16xf32>,
        tpu.vector_store %arg11[%parallel_loop3A_737], %parallel_loop3A_734 {strides = array<i32>} : memref<22400xf32, #tpu.memory_space<vmem>>, vector<16xf32>,
        %parallel_loop3A_739 = arith.constant 32 : i32
        %parallel_loop3A_740 = vector.broadcast %parallel_loop3A_739 : i32 to vector<16xi32>
        %parallel_loop3A_741 = arith.addi %parallel_loop3A_718, %parallel_loop3A_740 : vector<16xi32>
        %parallel_loop3A_742 = tpu.vector_load_idx %arg6[%parallel_loop3A_741] : memref<53200xf32, #tpu.memory_space<vmem>>[vector<16xi32>], vector<16xf32>,
        %parallel_loop3A_743 = arith.constant 32 : i32
        %parallel_loop3A_744 = arith.addi %parallel_loop3A_722, %parallel_loop3A_743 : i32
        %parallel_loop3A_745 = arith.index_cast %parallel_loop3A_744 : i32 to index
        %parallel_loop3A_746 = tpu.vector_load %arg11[%parallel_loop3A_745] {strides = array<i32>} : memref<22400xf32, #tpu.memory_space<vmem>>, vector<16xf32>,
        tpu.vector_store %arg11[%parallel_loop3A_745], %parallel_loop3A_742 {strides = array<i32>} : memref<22400xf32, #tpu.memory_space<vmem>>, vector<16xf32>,
        %parallel_loop3A_747 = arith.constant 34 : i32
        %parallel_loop3A_748 = vector.broadcast %parallel_loop3A_747 : i32 to vector<16xi32>
        %parallel_loop3A_749 = arith.addi %parallel_loop3A_718, %parallel_loop3A_748 : vector<16xi32>
        %parallel_loop3A_750 = tpu.vector_load_idx %arg6[%parallel_loop3A_749] : memref<53200xf32, #tpu.memory_space<vmem>>[vector<16xi32>], vector<16xf32>,
        %parallel_loop3A_751 = arith.constant 34 : i32
        %parallel_loop3A_752 = arith.addi %parallel_loop3A_722, %parallel_loop3A_751 : i32
        %parallel_loop3A_753 = arith.index_cast %parallel_loop3A_752 : i32 to index
        %parallel_loop3A_754 = tpu.vector_load %arg11[%parallel_loop3A_753] {strides = array<i32>} : memref<22400xf32, #tpu.memory_space<vmem>>, vector<16xf32>,
        tpu.vector_store %arg11[%parallel_loop3A_753], %parallel_loop3A_750 {strides = array<i32>} : memref<22400xf32, #tpu.memory_space<vmem>>, vector<16xf32>,
      } {sc.loop_unroll_factor = 4 : i64, sc.parallel_access}
      %dma_start3A_64 = arith.constant 0 : i32
      %dma_start3A_65 = tpu.memref_slice %arg5[%add3A_55, %dma_start3A_64] : memref<1024x22400xf32, #tpu.memory_space<hbm>> -> memref<1x22400xf32, #tpu.memory_space<hbm>>
      %dma_start3A_66 = tpu.memref_squeeze %dma_start3A_65 : memref<1x22400xf32, #tpu.memory_space<hbm>> -> memref<22400xf32, #tpu.memory_space<hbm>>
      %dma_start3A_67 = arith.constant 0 : i32
      %dma_start3A_68 = tpu.memref_slice %arg5[%add3A_55, %dma_start3A_67] : memref<1024x22400xf32, #tpu.memory_space<hbm>> -> memref<1x22400xf32, #tpu.memory_space<hbm>>
      %dma_start3A_69 = tpu.memref_squeeze %dma_start3A_68 : memref<1x22400xf32, #tpu.memory_space<hbm>> -> memref<22400xf32, #tpu.memory_space<hbm>>
      tpu.enqueue_dma source(%arg11 : memref<22400xf32, #tpu.memory_space<vmem>>) target(%dma_start3A_69 : memref<22400xf32, #tpu.memory_space<hbm>>) target_semaphore(%arg13 : memref<!tpu.dma_semaphore, #tpu.memory_space<semaphore_mem>>)
    }
    %scan3A_5 = arith.constant 16 : i32
    %mul3A_6 = arith.constant 32 : i32
    %mul3A_7 = arith.muli %add3A, %mul3A_6 : i32
    %add3A_8 = arith.constant 32 : i32
    %add3A_9 = arith.addi %mul3A_7, %add3A_8 : i32
    %sub3A = arith.constant 2 : i32
    %sub3A_10 = arith.subi %add3A_9, %sub3A : i32
    %add3A_11 = arith.constant 0 : i32
    %add3A_12 = arith.addi %sub3A_10, %add3A_11 : i32
    %dma_wait3A = arith.constant 0 : i32
    %dma_wait3A_13 = tpu.memref_slice %arg5[%add3A_12, %dma_wait3A] : memref<1024x22400xf32, #tpu.memory_space<hbm>> -> memref<1x22400xf32, #tpu.memory_space<hbm>>
    %dma_wait3A_14 = tpu.memref_squeeze %dma_wait3A_13 : memref<1x22400xf32, #tpu.memory_space<hbm>> -> memref<22400xf32, #tpu.memory_space<hbm>>
    %dma_wait3A_15 = arith.constant 0 : i32
    %dma_wait3A_16 = tpu.memref_slice %arg5[%add3A_12, %dma_wait3A_15] : memref<1024x22400xf32, #tpu.memory_space<hbm>> -> memref<1x22400xf32, #tpu.memory_space<hbm>>
    %dma_wait3A_17 = tpu.memref_squeeze %dma_wait3A_16 : memref<1x22400xf32, #tpu.memory_space<hbm>> -> memref<22400xf32, #tpu.memory_space<hbm>>
    tpu.wait_dma2 semaphore(%arg12 : memref<!tpu.dma_semaphore, #tpu.memory_space<semaphore_mem>>) src(%arg10 : memref<22400xf32, #tpu.memory_space<vmem>>) dst(%dma_wait3A_17 : memref<22400xf32, #tpu.memory_space<hbm>>)
    %mul3A_18 = arith.constant 32 : i32
    %mul3A_19 = arith.muli %add3A, %mul3A_18 : i32
    %add3A_20 = arith.constant 32 : i32
    %add3A_21 = arith.addi %mul3A_19, %add3A_20 : i32
    %sub3A_22 = arith.constant 2 : i32
    %sub3A_23 = arith.subi %add3A_21, %sub3A_22 : i32
    %add3A_24 = arith.constant 1 : i32
    %add3A_25 = arith.addi %sub3A_23, %add3A_24 : i32
    %dma_wait3A_26 = arith.constant 0 : i32
    %dma_wait3A_27 = tpu.memref_slice %arg5[%add3A_25, %dma_wait3A_26] : memref<1024x22400xf32, #tpu.memory_space<hbm>> -> memref<1x22400xf32, #tpu.memory_space<hbm>>
    %dma_wait3A_28 = tpu.memref_squeeze %dma_wait3A_27 : memref<1x22400xf32, #tpu.memory_space<hbm>> -> memref<22400xf32, #tpu.memory_space<hbm>>
    %dma_wait3A_29 = arith.constant 0 : i32
    %dma_wait3A_30 = tpu.memref_slice %arg5[%add3A_25, %dma_wait3A_29] : memref<1024x22400xf32, #tpu.memory_space<hbm>> -> memref<1x22400xf32, #tpu.memory_space<hbm>>
    %dma_wait3A_31 = tpu.memref_squeeze %dma_wait3A_30 : memref<1x22400xf32, #tpu.memory_space<hbm>> -> memref<22400xf32, #tpu.memory_space<hbm>>
    tpu.wait_dma2 semaphore(%arg13 : memref<!tpu.dma_semaphore, #tpu.memory_space<semaphore_mem>>) src(%arg11 : memref<22400xf32, #tpu.memory_space<vmem>>) dst(%dma_wait3A_31 : memref<22400xf32, #tpu.memory_space<hbm>>)
    return
  }
}

</mosaic_0001>

<sc_bundles>
// kernel: kernel.3.cloned.1.call-start
scs
__scs_entry_jumppad:
0x0: {  	(pc) =	sbr.rel $0x88, $3  }
0x1: {  	(tag) =	ssettag $0x0;
	lr =	simm.s32 $0x1  }
0x2: {  	[smem:$0x3F9F] =	sst lr;
	_ =	strace $0xD0000000  }
0x3: {  	_ = 	snop  }
0x4: {  	_ = 	snop  }
0x5: {  	_ = 	snop  }
0x6: {  	_ = 	snop  }
0x7: {  	_ = 	snop  }
__scs_overlays_trampoline_lowered:
0x8: {  	[smem:$0x3FAE] =	sst s0  }
0x9: {  	[smem:$0x3FAF] =	sst s1  }
0xa: {  	[smem:$0x3FB0] =	sst s2  }
0xb: {  	[smem:$0x3FB1] =	sst s3  }
0xc: {  	[smem:$0x3FB2] =	sst s4  }
0xd: {  	[smem:$0x3FB3] =	sst s5  }
0xe: {  	[smem:$0x3FB4] =	sst s6  }
0xf: {  	[smem:$0x3FB5] =	sst s7  }
0x10: {  	[smem:$0x3FB6] =	sst s8  }
0x11: {  	[smem:$0x3FB7] =	sst s9;
	s0 =	simm.s32 @!p0 $0x0  }
0x12: {  	s1 =	sld [smem:$0x3F9D];
	s0 =	simm.s32 @p0 $0x1  }
0x13: {  	[smem:$0x3FB8] =	sst s0;
	s0 =	simm.s32 @!p1 $0x0  }
0x14: {  	s2 =	sld [smem:$0x3F9C];
	s0 =	simm.s32 @p1 $0x1  }
0x15: {  	[smem:$0x3FB9] =	sst s0;
	s0 =	simm.s32 @!p2 $0x0  }
0x16: {  	s3 =	sld [smem:$0x3FDB];
	s0 =	simm.s32 @p2 $0x1  }
0x17: {  	s4 =	simm.s32 $0x1BF5;
	[smem:$0x3FBB] =	sst s0  }
0x18: {  	s0 =	sld [smem:$0x3F9E];
	_ =	swait.ge [sflag:s4], $0x0  }
0x19: {  	s7 =	sld [smem:$0x3F9F]  }
0x1a: {  	s8 =	sadd.s32 $0xFFFFE003, lr  }
0x1b: {  	s9 =	sadd.s32 $0xFFFFFEF7, lr;
	s5 =	simm.s32 $0xFFFFFFFF;
	p2 =	slt.u32 s8, $0xFFFFF086  }
0x1c: {  	p1 =	slt.u32 s9, $0xF7A;
	s5 =	simm.s32 @!p2 $0x0  }
0x1d: {  	s5 =	simm.s32 @p1 $0x1;
	p0 =	seq.s32 s7, s2  }
0x1e: {  	s7 =	smul.u32 @!p0 $0xF7A, s2;
	p2 =	seq.s32 @!p0 s5, $0x0  }
0x1f: {  	s9 =	smul.u32 $0xF7A, s1;
	s8 =	simm.s32 @!p0 $0x1BF5;
	p2 =	por !p2, p0  }
0x20: {  	[sflag:s8] =	ssyncset.s32 @!p0 $0xFFFFF086;
	s6 =	sadd.s32 @!p0 s3, s7;
	s7 =	simm.s32 @!p0 $0x108  }
0x21: {  	s3 =	sadd.s32 s3, s9;
	s6 =	sadd.s32 @!p0 $0x88, s6;
	s7 =	simm.s32 @p2 $0x1082  }
0x22: {  	[simem:s7], [sflag:s8] =	dma.local @!p0 [hbm:s6], $0xF7A  }
0x23: {  	s9 =	sor.u32 $0xD0000000, s2;
	s6 =	simm.s32 $0x108;
	_ =	swait.ge @!p0 [sflag:s8], $0x0  }
0x24: {  	s3 =	sadd.s32 $0x88, s3;
	s6 =	simm.s32 @!p1 $0x1082;
	[sflag:s4] =	ssyncset.s32 $0xFFFFF086  }
0x25: {  	[simem:s6], [sflag:s4] =	dma.local [hbm:s3], $0xF7A  }
0x26: {  	[smem:$0x3F9F] =	sst s1;
	(tag) =	ssettag s2;
	_ =	strace s9  }
0x27: {  	s1 =	sld [smem:$0x3FAF]  }
0x28: {  	s2 =	sld [smem:$0x3FB0]  }
0x29: {  	s4 =	sld [smem:$0x3FB2]  }
0x2a: {  	p0 =	seq.s32 s5, $0x0;
	s5 =	sld [smem:$0x3FB3]  }
0x2b: {  	s6 =	sld [smem:$0x3FB4]  }
0x2c: {  	s7 =	sld [smem:$0x3FB5]  }
0x2d: {  	s3 =	simm.s32 $0x108;
	s8 =	sld [smem:$0x3FB6]  }
0x2e: {  	s3 =	simm.s32 @!p0 $0x1082;
	s9 =	sld [smem:$0x3FB7]  }
0x2f: {  	lr =	sadd.s32 s0, s3;
	s0 =	sld [smem:$0x3FAE]  }
0x30: {  	s3 =	sld [smem:$0x3FB1]  }
0x31: {  	[smem:$0x3FBA] =	sst s10  }
0x32: {  	s10 =	sld [smem:$0x3FB8];
	_ =	sdelay $0x3  }
0x33: {  	p0 =	seq.s32 s10, $0x1;
	s10 =	sld [smem:$0x3FBA];
	_ =	sdelay $0x3  }
0x34: {  	[smem:$0x3FBA] =	sst s10  }
0x35: {  	s10 =	sld [smem:$0x3FB9];
	_ =	sdelay $0x3  }
0x36: {  	p1 =	seq.s32 s10, $0x1;
	s10 =	sld [smem:$0x3FBA];
	_ =	sdelay $0x3  }
0x37: {  	[smem:$0x3FBA] =	sst s10  }
0x38: {  	s10 =	sld [smem:$0x3FBB]  }
0x39: {  	_ = 	snop;
	(pc) =	sbr.ind lr, $3  }
0x3a: {  	_ = 	snop  }
0x3b: {  	_ = 	snop  }
0x3c: {  	p2 =	seq.s32 s10, $0x1;
	s10 =	sld [smem:$0x3FBA]  }
0x3d: {  	_ =	shalt  }
0x3e: {  	_ =	shalt  }
0x3f: {  	_ =	shalt  }
0x40: {  	_ =	shalt  }
0x41: {  	_ =	shalt  }
0x42: {  	_ =	shalt  }
0x43: {  	_ =	shalt  }
0x44: {  	_ =	shalt  }
0x45: {  	_ =	shalt  }
0x46: {  	_ =	shalt  }
0x47: {  	_ =	shalt  }
0x48: {  	_ =	shalt  }
0x49: {  	_ =	shalt  }
0x4a: {  	_ =	shalt  }
0x4b: {  	_ =	shalt  }
0x4c: {  	_ =	shalt  }
0x4d: {  	_ =	shalt  }
0x4e: {  	_ =	shalt  }
0x4f: {  	_ =	shalt  }
0x50: {  	_ =	shalt  }
0x51: {  	_ =	shalt  }
0x52: {  	_ =	shalt  }
0x53: {  	_ =	shalt  }
0x54: {  	_ =	shalt  }
0x55: {  	_ =	shalt  }
0x56: {  	_ =	shalt  }
0x57: {  	_ =	shalt  }
0x58: {  	_ =	shalt  }
0x59: {  	_ =	shalt  }
0x5a: {  	_ =	shalt  }
0x5b: {  	_ =	shalt  }
0x5c: {  	_ =	shalt  }
0x5d: {  	_ =	shalt  }
0x5e: {  	_ =	shalt  }
0x5f: {  	_ =	shalt  }
0x60: {  	_ =	shalt  }
0x61: {  	_ =	shalt  }
0x62: {  	_ =	shalt  }
0x63: {  	_ =	shalt  }
0x64: {  	_ =	shalt  }
0x65: {  	_ =	shalt  }
0x66: {  	_ =	shalt  }
0x67: {  	_ =	shalt  }
0x68: {  	_ =	shalt  }
0x69: {  	_ =	shalt  }
0x6a: {  	_ =	shalt  }
0x6b: {  	_ =	shalt  }
0x6c: {  	_ =	shalt  }
0x6d: {  	_ =	shalt  }
0x6e: {  	_ =	shalt  }
0x6f: {  	_ =	shalt  }
0x70: {  	_ =	shalt  }
0x71: {  	_ =	shalt  }
0x72: {  	_ =	shalt  }
0x73: {  	_ =	shalt  }
0x74: {  	_ =	shalt  }
0x75: {  	_ =	shalt  }
0x76: {  	_ =	shalt  }
0x77: {  	_ =	shalt  }
0x78: {  	_ =	shalt  }
0x79: {  	_ =	shalt  }
0x7a: {  	_ =	shalt  }
0x7b: {  	_ =	shalt  }
0x7c: {  	_ =	shalt  }
0x7d: {  	_ =	shalt  }
0x7e: {  	_ =	shalt  }
0x7f: {  	_ =	shalt  }
0x80: {  	_ =	shalt  }
0x81: {  	_ =	shalt  }
0x82: {  	_ =	shalt  }
0x83: {  	_ =	shalt  }
0x84: {  	_ =	shalt  }
0x85: {  	_ =	shalt  }
0x86: {  	_ =	shalt  }
0x87: {  	_ =	shalt  }
.Lfunc_end0:
.L_simem_size_0:
called_computation.1_lowered:
.L_overlay_start_0:
0x88: {  	s2 =	sld [smem:$0x3FD9]  }
0x89: {  	s3 =	sld [smem:$0x3FFE];
	_ =	sdelay $0x1  }
0x8a: {  	s1 =	srdreg.scid  }
0x8b: {  	s0 =	sand.u32 $0x1, s1  }
0x8c: {  	s17 =	sshll.u32 s0, $0xA;
	s2 =	sadd.s32 s3, s2  }
0x8d: {  	s2 =	sadd.s32 s2, s17  }
0x8e: {  	[smem:$0x3FC6] =	sst s2  }
0x8f: {  	_ = 	snop  }
0x90: {  	s2 =	sld [smem:$0x3FD0];
	(tm) =	ssettm $0x1  }
0x91: {  	s18 =	sld [smem:$0x3FFB];
	_ =	sdelay $0x3  }
0x92: {  	_ =	strace s18  }
0x93: {  	s3 =	sld [smem:$0x3FFC];
	_ =	sdelay $0x3  }
0x94: {  	_ =	strace s3  }
0x95: {  	s3 =	sld [smem:$0x3FFD];
	_ =	sdelay $0x3  }
0x96: {  	_ =	strace s3  }
0x97: {  	_ =	strace $0x8FFFFFFF  }
0x98: {  	s19 =	sld [smem:$0x3FDB];
	_ =	sdelay $0x1  }
0x99: {  	s4 =	simm.s32 $_scs_section_size  }
0x9a: {  	s5 =	simm.s32 $_size__tile_overlayer_lowered;
	s6 =	simm.s32 $_tile_overlayer_lowered  }
0x9b: {  	s22 =	simm.s32 $0x1BFF;
	s21 =	sshll.u32 s6, $0x1;
	s3 =	sadd.s32 s4, s19  }
0x9c: {  	s7 =	simm.s32 $0x0;
	s20 =	sshll.u32 s5, $0x1;
	s5 =	sadd.s32 s21, s3  }
0x9d: {  	[timem:s7], [sflag:s22] =	dma.local [hbm:s5], s20  }
0x9e: {  	_ =	swait.ge [sflag:s22], s20  }
0x9f: {  	s4 =	ssub.s32 $0x0, s20;
	[sflag:s22] =	ssyncset.done $0x0  }
0xa0: {  	[sflag:s22] =	ssyncadd.s32 s4;
	_ =	sdelay $0x1  }
0xa1: {  	s23 =	simm.s32 $0x1B8B  }
0xa2: {  	_ =	swait.ge [sflag:s23], $0x1  }
0xa3: {  	[sflag:s23] =	ssyncset.done $0x0  }
0xa4: {  	s25 =	simm.s32 $0x1B8E;
	s24 =	sld [smem:$0x3FFE];
	[sflag:s23] =	ssyncadd.s32 $0xFFFFFFFF  }
0xa5: {  	s26 =	simm.s32 $execute0_lowered;
	[smem:$0x3FD2] =	sst s25  }
0xa6: {  	s5 =	sshll.u32 s26, $0x1;
	_ =	strace $0x80000046;
	[dreg:$0x1] =	wrdreg $0xFFFFFFFF  }
0xa7: {  	s28 =	simm.s32 $_size_execute0_lowered;
	s3 =	sadd.s32 s3, s5;
	[dreg:$0x0] =	wrdreg $0x0  }
0xa8: {  	s5 =	sshll.u32 s28, $0x1;
	[dreg:$0x2] =	wrdreg s3  }
0xa9: {  	[dreg:$0x3] =	wrdreg s5  }
0xaa: {  	[dreg:$0x4] =	wrdreg $0xC0  }
0xab: {  	_ =	task [dreg:s7], $0x5FFFF  }
0xac: {  	[dreg:$0x1] =	wrdreg $0xFFFFFFFF  }
0xad: {  	[dreg:$0x0] =	wrdreg $0x60  }
0xae: {  	[dreg:$0x2] =	wrdreg s24  }
0xaf: {  	[dreg:$0x3] =	wrdreg s2  }
0xb0: {  	[dreg:$0x4] =	wrdreg $0x9  }
0xb1: {  	_ =	task.clear_ibuf [dreg:s7], $0x5FFFF;
	_ =	strace $0x90000046  }
0xb2: {  	s29 =	simm.s32 $0x9;
	_ =	strace $0x80000048  }
0xb3: {  	_ =	swait.ge [sflag:s29], $0x1  }
0xb4: {  	[sflag:s29] =	ssyncadd.s32 $0xFFFFFFFF  }
0xb5: {  	_ =	strace $0x90000048  }
0xb6: {  	_ =	sfence  }
0xb7: {  	s30 =	sld [smem:$0x0];
	_ =	sdelay $0x2  }
0xb8: {  	s31 =	sshll.u32 s1, $0xD;
	s1 =	sshrl.u32 s1, $0x2  }
0xb9: {  	s3 =	sand.u32 $0x4000, s31;
	s1 =	sadd.s32 s1, s30  }
0xba: {  	s0 =	sor.u32 s3, s0;
	s1 =	sshll.u32 s1, $0x11  }
0xbb: {  	s0 =	sor.u32 s1, s0  }
0xbc: {  	s0 =	sadd.s32 $0x8F2B, s0  }
0xbd: {  	[sflag:s0] =	ssyncadd.remote.s32 $0x1  }
0xbe: {  	_ =	sfence.sel $0xFFFF  }
0xbf: {  	[dreg:$0x0] =	wrdreg $0xFFFFFFFF;
	(pc) =	sbr.abs _section_cstart, $3  }
0xc0: {  	[dreg:$0x1] =	wrdreg $0xFFFFFFFF  }
0xc1: {  	_ =	task.clear_ibuf [dreg:s7], $0x2FFFF;
	_ =	strace $0x9FFFFFFF  }
0xc2: {  	(tm) =	ssettm $0x7FFFFFFF  }
0xc3: {  	_ =	shalt  }
tec
execute0_lowered:
.L_overlay_start_1:
0x0: {  	(tag) =	ssettag $0x1  }
0x1: {  	s0 =	rddreg [dreg:$0x0]  }
0x2: {  	s1 =	rddreg [dreg:$0x1];
	s2 =	simm.s32 $0x0  }
0x3: {  	s3 =	srdreg.scid;
	s30 =	stileid.u32;
	s11 =	simm.s32 $0x80  }
0x4: {  	s12 =	simm.s32 $0x400;
	s13 =	simm.s32 $0xD080;
	s14 =	simm.s32 $0xD480  }
0x5: {  	v0 =	vimm.s32 $0x0;
	v1 =	vlaneseq.u32;
	s15 =	simm.s32 $0xD280;
	s16 =	simm.s32 $0x12C00;
	s17 =	simm.s32 $0x1  }
0x6: {  	v5 =	vimm.s32 $0x1;
	v6 =	vimm.s32 $0x2;
	v7 =	vimm.s32 $0x3;
	s18 =	simm.s32 $0x2;
	s19 =	simm.s32 $0x0;
	[smem:$0x7FF] =	sst s2  }
0x7: {  	v8 =	vimm.s32 $0x4;
	v9 =	vimm.s32 $0x5;
	v10 =	vimm.s32 $0x6;
	s4 =	sadd.s32 $0x2400, s0;
	s3 =	sand.u32 $0x1, s3;
	s5 =	sadd.s32 $0x800, s0  }
0x8: {  	v11 =	vimm.s32 $0x7;
	v12 =	vimm.s32 $0x8;
	v13 =	vimm.s32 $0x9;
	s9 =	sshll.u32 s30, $0x6;
	s0 =	sadd.s32 $0xA00, s0;
	s7 =	ssub.s32 $0x2, s3  }
0x9: {  	v14 =	vimm.s32 $0xA;
	v15 =	vimm.s32 $0xB;
	v16 =	vimm.s32 $0xC;
	_ =	strace $0x80000047;
	[dreg:$0x3] =	wrdreg s5;
	s8 =	sshrl.u32 s7, $0x1  }
0xa: {  	v17 =	vimm.s32 $0xD;
	v18 =	vimm.s32 $0xE;
	v19 =	vimm.s32 $0xF;
	s3 =	sshll.u32 s3, $0x5;
	[dreg:$0x4] =	wrdreg s0;
	s31 =	ssub.s32 s7, s8  }
0xb: {  	v2 =	vor.u32 $0x10, v1;
	v3 =	vor.u32 $0x20, v1;
	v4 =	vadd.s32 $0x22, v1;
	s7 =	sor.u32 s3, s9;
	s9 =	simm.s32 $0x3;
	s8 =	smax.u32 s31, $0x1  }
.LBB2_1:
0xc: {  	s0 =	rddreg [dreg:$0x4]  }
0xd: {  	[tilespmem:s2], [sflag:$0x3] =	stream.linear.gather [hbm4b:s0+s2], $0xD000, $0x38;
	[tilespmem:$0x18380] =	vst v63  }
0xe: {  	_ =	swait.ge [sflag:s9], $0xD000  }
0xf: {  	[sflag:s9] =	ssyncset.done $0x0  }
0x10: {  	s3 =	simm.s32 $0xD000;
	s31 =	rddreg [dreg:$0x3];
	[sflag:s9] =	ssyncadd.s32 $0xFFFF3000  }
0x11: {  	[tilespmem:s3], [sflag:$0x3] =	stream.linear.gather [hbm4b:s31+s2], $0x80, $0x38;
	[tilespmem:$0x18380] =	vst v63  }
0x12: {  	_ =	swait.ge [sflag:s9], $0x80  }
0x13: {  	[sflag:s9] =	ssyncset.done $0x0  }
0x14: {  	s20 =	simm.s32 $0x0;
	[sflag:s9] =	ssyncadd.s32 $0xFFFFFF80  }
.LBB2_2:
0x15: {  	s0 =	sshll.u32 s20, $0x1  }
0x16: {  	s0 =	sadd.s32 s7, s0  }
0x17: {  	s31 =	sshll.u32 s20, $0x8;
	s23 =	sshrl.u32 s0, $0x3  }
0x18: {  	s21 =	sand.u32 $0x300, s31;
	s22 =	sshll.u32 s23, $0xC  }
0x19: {  	s0 =	sor.u32 s21, s22  }
0x1a: {  	s0 =	sshrl.u32 s0, $0x3  }
0x1b: {  	s0 =	sadd.s32 s4, s0  }
0x1c: {  	[tilespmem:s13], [sflag:$0x3] =	stream.strided.gather [hbm4b:s0+s11], $0x200, s12, s11, $0x38;
	[tilespmem:$0x18380] =	vst v63  }
0x1d: {  	_ =	swait.ge [sflag:s9], $0x200  }
0x1e: {  	p0 =	seq.s32 s20, $0x0;
	[sflag:s9] =	ssyncset.done $0x0  }
0x1f: {  	s0 =	simm.s32 @!p0 $0x1;
	[sflag:s9] =	ssyncadd.s32 $0xFFFFFE00  }
0x20: {  	_ =	swait.ge @!p0 [sflag:s0], $0x5780  }
0x21: {  	[sflag:s0] =	ssyncset.done @!p0 $0x0  }
0x22: {  	s24 =	simm.s32 $0x0;
	[sflag:s0] =	ssyncadd.s32 @!p0 $0xFFFFA880  }
.LBB2_3:
0x23: {  	s0 =	smul.u32 $0x25, s24;
	_ =	sdelay $0x1  }
0x24: {  	s0 =	sshrl.u32 s0, $0x8  }
0x25: {  	s3 =	ssub.s32 s24, s0  }
0x26: {  	s3 =	sand.u32 $0xFE, s3  }
0x27: {  	s3 =	sshrl.u32 s3, $0x1  }
0x28: {  	s0 =	sadd.s32 s0, s3  }
0x29: {  	s0 =	sand.u32 $0xFC, s0  }
0x2a: {  	s0 =	sshrl.u32 s0, $0x2  }
0x2b: {  	s0 =	smul.u32 $0x7, s0;
	_ =	sdelay $0x1  }
0x2c: {  	s28 =	sshll.u32 s24, $0x4;
	s0 =	ssub.s32 s24, s0  }
0x2d: {  	s3 =	sand.u32 $0x3FFFFFF0, s28;
	s0 =	sand.u32 $0xFF, s0  }
0x2e: {  	v20 =	vld [tilespmem:s3+$0xD080];
	s0 =	sshll.u32 s0, $0x4  }
0x2f: {  	v21 =	vld [tilespmem:s0+$0xD000];
	_ =	sdelay $0x4  }
0x30: {  	v20 =	vadd.s32 v20, v21  }
0x31: {  	v20 =	vmul.u32 $0x32, v20;
	_ =	sdelay $0x1  }
0x32: {  	v36 =	vperm.xlane v20, v0;
	_ =	sdelay $0x1  }
0x33: {  	v22 =	vadd.s32 v1, v36;
	_ =	sdelay $0x4  }
0x34: {  	v22 =	vld.idx.msk [tilespmem:v22+s2+$0x0], $0xffff  }
0x35: {  	v23 =	vadd.s32 v2, v36  }
0x36: {  	s29 =	smul.u32 $0xC80, s24;
	_ =	sdelay $0x1  }
0x37: {  	s25 =	sshra.s32 s29, $0x2  }
0x38: {  	[tilespmem:s25+$0xD480] =	vst v22  }
0x39: {  	v22 =	vld.idx.msk [tilespmem:v23+s2+$0x0], $0xffff  }
0x3a: {  	v37 =	vadd.s32 v3, v36;
	_ =	sdelay $0x3  }
0x3b: {  	[tilespmem:s25+$0xD490] =	vst v22  }
0x3c: {  	v22 =	vld.idx.msk [tilespmem:v37+s2+$0x0], $0xffff  }
0x3d: {  	v21 =	vadd.s32 v4, v36;
	_ =	sdelay $0x3  }
0x3e: {  	v38 =	vperm.xlane v20, v5;
	[tilespmem:s25+$0xD4A0] =	vst v22  }
0x3f: {  	v21 =	vld.idx.msk [tilespmem:v21+s2+$0x0], $0xffff  }
0x40: {  	v39 =	vadd.s32 v1, v38;
	_ =	sdelay $0x3  }
0x41: {  	[tilespmem:s25+$0xD4A2] =	vst v21  }
0x42: {  	v21 =	vld.idx.msk [tilespmem:v39+s2+$0x0], $0xffff  }
0x43: {  	v40 =	vadd.s32 v2, v38;
	_ =	sdelay $0x3  }
0x44: {  	[tilespmem:s25+$0xD4B2] =	vst v21  }
0x45: {  	v21 =	vld.idx.msk [tilespmem:v40+s2+$0x0], $0xffff  }
0x46: {  	v41 =	vadd.s32 v3, v38;
	_ =	sdelay $0x3  }
0x47: {  	[tilespmem:s25+$0xD4C2] =	vst v21  }
0x48: {  	v21 =	vld.idx.msk [tilespmem:v41+s2+$0x0], $0xffff  }
0x49: {  	v22 =	vadd.s32 v4, v38;
	_ =	sdelay $0x2  }
0x4a: {  	s0 =	sor.u32 $0x1, s24  }
0x4b: {  	s30 =	smul.u32 $0x25, s0;
	v24 =	vperm.xlane v20, v6;
	[tilespmem:s25+$0xD4D2] =	vst v21  }
0x4c: {  	v21 =	vld.idx.msk [tilespmem:v22+s2+$0x0], $0xffff  }
0x4d: {  	s3 =	sor.u32 $0x2, s24;
	s26 =	sshrl.u32 s30, $0x8;
	v42 =	vadd.s32 v1, v24  }
0x4e: {  	s28 =	smul.u32 $0x25, s3;
	s10 =	ssub.s32 s0, s26  }
0x4f: {  	s29 =	sand.u32 $0xFE, s10;
	s10 =	sor.u32 $0x3, s24  }
0x50: {  	s28 =	sshrl.u32 s28, $0x8;
	s30 =	smul.u32 $0x25, s10  }
0x51: {  	s31 =	ssub.s32 s3, s28;
	s6 =	sshll.u32 s0, $0x4;
	s29 =	sshrl.u32 s29, $0x1;
	[tilespmem:s25+$0xD4D4] =	vst v21  }
0x52: {  	s26 =	sadd.s32 s26, s29;
	s29 =	sand.u32 $0xFE, s31;
	s30 =	sshrl.u32 s30, $0x8;
	v21 =	vld.idx.msk [tilespmem:v42+s2+$0x0], $0xffff  }
0x53: {  	s26 =	sand.u32 $0xFC, s26;
	s29 =	sshrl.u32 s29, $0x1;
	s31 =	ssub.s32 s10, s30;
	v43 =	vadd.s32 v2, v24  }
0x54: {  	s26 =	sshrl.u32 s26, $0x2;
	s28 =	sadd.s32 s28, s29;
	s5 =	sand.u32 $0xFE, s31  }
0x55: {  	s26 =	smul.u32 $0x7, s26;
	s28 =	sand.u32 $0xFC, s28;
	s29 =	sshrl.u32 s5, $0x1  }
0x56: {  	s28 =	sshrl.u32 s28, $0x2;
	s5 =	sand.u32 $0x3FFFFFF0, s6;
	s29 =	sadd.s32 s30, s29  }
0x57: {  	s26 =	ssub.s32 s0, s26;
	s28 =	smul.u32 $0x7, s28;
	s29 =	sand.u32 $0xFC, s29;
	[tilespmem:s25+$0xD4E4] =	vst v21  }
0x58: {  	s6 =	sshll.u32 s3, $0x4;
	s26 =	sand.u32 $0xFF, s26;
	s29 =	sshrl.u32 s29, $0x2;
	v25 =	vld.idx.msk [tilespmem:v43+s2+$0x0], $0xffff  }
0x59: {  	s26 =	sshll.u32 s26, $0x4;
	s28 =	ssub.s32 s3, s28;
	s29 =	smul.u32 $0x7, s29;
	v44 =	vld [tilespmem:s5+$0xD080]  }
0x5a: {  	s30 =	sand.u32 $0x3FFFFFF0, s6;
	s28 =	sand.u32 $0xFF, s28;
	v22 =	vld [tilespmem:s26+$0xD000]  }
0x5b: {  	s31 =	sshll.u32 s28, $0x4;
	s29 =	ssub.s32 s10, s29;
	v26 =	vld [tilespmem:s30+$0xD080];
	s5 =	sshll.u32 s10, $0x4  }
0x5c: {  	v27 =	vld [tilespmem:s31+$0xD000];
	s30 =	sand.u32 $0xFF, s29;
	s6 =	sand.u32 $0x3FFFFFF0, s5  }
0x5d: {  	s31 =	sshll.u32 s30, $0x4;
	v28 =	vld [tilespmem:s6+$0xD080]  }
0x5e: {  	v29 =	vld [tilespmem:s31+$0xD000];
	_ =	sdelay $0x2  }
0x5f: {  	v21 =	vadd.s32 v44, v22  }
0x60: {  	v45 =	vadd.s32 v26, v27;
	v23 =	vmul.u32 $0x32, v21  }
0x61: {  	v22 =	vmul.u32 $0x32, v45;
	v46 =	vadd.s32 v28, v29  }
0x62: {  	v47 =	vperm.xlane v23, v0;
	v21 =	vmul.u32 $0x32, v46  }
0x63: {  	v48 =	vperm.xlane v22, v0  }
0x64: {  	v49 =	vadd.s32 v1, v47;
	v50 =	vperm.xlane v21, v0  }
0x65: {  	v30 =	vadd.s32 v1, v48  }
0x66: {  	v31 =	vadd.s32 v1, v50;
	_ =	sdelay $0x2  }
0x67: {  	v28 =	vld.idx.msk [tilespmem:v49+s2+$0x0], $0xffff  }
0x68: {  	v32 =	vadd.s32 v2, v47;
	v30 =	vld.idx.msk [tilespmem:v30+s2+$0x0], $0xffff  }
0x69: {  	v33 =	vadd.s32 v2, v48;
	v31 =	vld.idx.msk [tilespmem:v31+s2+$0x0], $0xffff  }
0x6a: {  	s28 =	smul.u32 $0x320, s0;
	v34 =	vadd.s32 v2, v50  }
0x6b: {  	s26 =	smul.u32 $0x320, s3  }
0x6c: {  	s29 =	smul.u32 $0x320, s10;
	[tilespmem:s28+$0xD480] =	vst v28  }
0x6d: {  	[tilespmem:s26+$0xD480] =	vst v30;
	v28 =	vld.idx.msk [tilespmem:v32+s2+$0x0], $0xffff  }
0x6e: {  	v51 =	vadd.s32 v3, v47;
	v52 =	vld.idx.msk [tilespmem:v33+s2+$0x0], $0xffff;
	[tilespmem:s29+$0xD480] =	vst v31  }
0x6f: {  	v53 =	vadd.s32 v3, v48;
	v54 =	vld.idx.msk [tilespmem:v34+s2+$0x0], $0xffff  }
0x70: {  	v55 =	vadd.s32 v3, v50  }
0x71: {  	s0 =	sor.u32 $0x30, s28  }
0x72: {  	s5 =	sor.u32 $0x50, s26;
	[tilespmem:s0+$0xD480] =	vst v28  }
0x73: {  	s6 =	sor.u32 $0x70, s29;
	[tilespmem:s5+$0xD480] =	vst v52;
	v28 =	vld.idx.msk [tilespmem:v51+s2+$0x0], $0xffff  }
0x74: {  	v26 =	vadd.s32 v4, v47;
	v56 =	vld.idx.msk [tilespmem:v53+s2+$0x0], $0xffff;
	[tilespmem:s6+$0xD480] =	vst v54  }
0x75: {  	v27 =	vadd.s32 v4, v48;
	v57 =	vld.idx.msk [tilespmem:v55+s2+$0x0], $0xffff  }
0x76: {  	v29 =	vadd.s32 v4, v50;
	_ =	sdelay $0x1  }
0x77: {  	s10 =	sor.u32 $0x60, s26;
	v58 =	vperm.xlane v23, v5;
	[tilespmem:s28+$0xD4A0] =	vst v28  }
0x78: {  	v59 =	vperm.xlane v22, v5;
	[tilespmem:s10+$0xD480] =	vst v56;
	v26 =	vld.idx.msk [tilespmem:v26+s2+$0x0], $0xffff  }
0x79: {  	v60 =	vadd.s32 v1, v58;
	v61 =	vperm.xlane v21, v5;
	v27 =	vld.idx.msk [tilespmem:v27+s2+$0x0], $0xffff;
	[tilespmem:s29+$0xD4A0] =	vst v57  }
0x7a: {  	v62 =	vadd.s32 v1, v59;
	v29 =	vld.idx.msk [tilespmem:v29+s2+$0x0], $0xffff  }
0x7b: {  	s30 =	sadd.s32 $0x20, s28;
	v63 =	vadd.s32 v1, v61  }
0x7c: {  	s0 =	sor.u32 $0x42, s30  }
0x7d: {  	s31 =	sor.u32 $0x62, s26;
	[tilespmem:s0+$0xD480] =	vst v26  }
0x7e: {  	[tilespmem:s31+$0xD480] =	vst v27;
	v26 =	vld.idx.msk [tilespmem:v60+s2+$0x0], $0xffff  }
0x7f: {  	v36 =	vadd.s32 v2, v58;
	v37 =	vld.idx.msk [tilespmem:v62+s2+$0x0], $0xffff;
	[tilespmem:s29+$0xD4A2] =	vst v29  }
0x80: {  	v38 =	vadd.s32 v2, v59;
	v39 =	vld.idx.msk [tilespmem:v63+s2+$0x0], $0xffff  }
0x81: {  	v40 =	vadd.s32 v2, v61;
	_ =	sdelay $0x1  }
0x82: {  	s3 =	sor.u32 $0x72, s26;
	[tilespmem:s28+$0xD4B2] =	vst v26  }
0x83: {  	[tilespmem:s3+$0xD480] =	vst v37;
	v26 =	vld.idx.msk [tilespmem:v36+s2+$0x0], $0xffff  }
0x84: {  	v41 =	vadd.s32 v3, v58;
	v29 =	vld.idx.msk [tilespmem:v38+s2+$0x0], $0xffff;
	[tilespmem:s29+$0xD4B2] =	vst v39  }
0x85: {  	v42 =	vadd.s32 v3, v59;
	v33 =	vld.idx.msk [tilespmem:v40+s2+$0x0], $0xffff  }
0x86: {  	v43 =	vadd.s32 v3, v61  }
0x87: {  	s5 =	sor.u32 $0x62, s28  }
0x88: {  	[tilespmem:s5+$0xD480] =	vst v26  }
0x89: {  	s6 =	sor.u32 $0x22, s29;
	[tilespmem:s26+$0xD4C2] =	vst v29;
	v26 =	vld.idx.msk [tilespmem:v41+s2+$0x0], $0xffff  }
0x8a: {  	v44 =	vadd.s32 v4, v58;
	v45 =	vld.idx.msk [tilespmem:v42+s2+$0x0], $0xffff;
	[tilespmem:s6+$0xD4C0] =	vst v33  }
0x8b: {  	v46 =	vadd.s32 v4, v59;
	v47 =	vld.idx.msk [tilespmem:v43+s2+$0x0], $0xffff  }
0x8c: {  	v31 =	vadd.s32 v4, v61  }
0x8d: {  	s10 =	sor.u32 $0x72, s28  }
0x8e: {  	v48 =	vperm.xlane v23, v6;
	[tilespmem:s10+$0xD480] =	vst v26  }
0x8f: {  	v49 =	vperm.xlane v22, v6;
	s3 =	sor.u32 $0x32, s29;
	[tilespmem:s26+$0xD4D2] =	vst v45;
	v27 =	vld.idx.msk [tilespmem:v44+s2+$0x0], $0xffff  }
0x90: {  	v50 =	vadd.s32 v1, v48;
	v51 =	vperm.xlane v21, v6;
	v29 =	vld.idx.msk [tilespmem:v46+s2+$0x0], $0xffff;
	[tilespmem:s3+$0xD4C0] =	vst v47  }
0x91: {  	v52 =	vadd.s32 v1, v49;
	v31 =	vld.idx.msk [tilespmem:v31+s2+$0x0], $0xffff  }
0x92: {  	v53 =	vadd.s32 v1, v51  }
0x93: {  	s30 =	sor.u32 $0x74, s28  }
0x94: {  	[tilespmem:s30+$0xD480] =	vst v27  }
0x95: {  	s31 =	sor.u32 $0x34, s29;
	[tilespmem:s26+$0xD4D4] =	vst v29;
	v27 =	vld.idx.msk [tilespmem:v50+s2+$0x0], $0xffff  }
0x96: {  	v54 =	vadd.s32 v2, v48;
	v55 =	vld.idx.msk [tilespmem:v52+s2+$0x0], $0xffff;
	[tilespmem:s31+$0xD4C0] =	vst v31  }
0x97: {  	v56 =	vadd.s32 v2, v49;
	v57 =	vld.idx.msk [tilespmem:v53+s2+$0x0], $0xffff  }
0x98: {  	v58 =	vadd.s32 v2, v51;
	_ =	sdelay $0x1  }
0x99: {  	[tilespmem:s28+$0xD4E4] =	vst v27  }
0x9a: {  	v59 =	vadd.s32 v3, v24;
	[tilespmem:s26+$0xD4E4] =	vst v55;
	v29 =	vld.idx.msk [tilespmem:v54+s2+$0x0], $0xffff  }
0x9b: {  	v60 =	vadd.s32 v3, v48;
	v31 =	vld.idx.msk [tilespmem:v56+s2+$0x0], $0xffff;
	[tilespmem:s29+$0xD4E4] =	vst v57  }
0x9c: {  	v61 =	vadd.s32 v3, v49;
	v34 =	vld.idx.msk [tilespmem:v58+s2+$0x0], $0xffff  }
0x9d: {  	v35 =	vadd.s32 v3, v51  }
0x9e: {  	[tilespmem:s25+$0xD4F4] =	vst v25  }
0x9f: {  	v25 =	vld.idx.msk [tilespmem:v59+s2+$0x0], $0xffff;
	s5 =	sadd.s32 $0x60, s29;
	[tilespmem:s28+$0xD4F4] =	vst v29  }
0xa0: {  	v24 =	vadd.s32 v4, v24;
	s0 =	sor.u32 $0x54, s5;
	[tilespmem:s26+$0xD4F4] =	vst v31;
	v62 =	vld.idx.msk [tilespmem:v60+s2+$0x0], $0xffff  }
0xa1: {  	v26 =	vadd.s32 v4, v48;
	v63 =	vld.idx.msk [tilespmem:v61+s2+$0x0], $0xffff;
	[tilespmem:s0+$0xD480] =	vst v34  }
0xa2: {  	v28 =	vadd.s32 v4, v49;
	v36 =	vld.idx.msk [tilespmem:v35+s2+$0x0], $0xffff  }
0xa3: {  	v30 =	vadd.s32 v4, v51  }
0xa4: {  	[tilespmem:s25+$0xD504] =	vst v25;
	v37 =	vperm.xlane v20, v7;
	s30 =	sand.u32 $0x7F80, s28  }
0xa5: {  	v24 =	vld.idx.msk [tilespmem:v24+s2+$0x0], $0xffff;
	v38 =	vperm.xlane v23, v7;
	s31 =	sand.u32 $0x7F80, s26;
	[tilespmem:s30+$0xD524] =	vst v62  }
0xa6: {  	v39 =	vadd.s32 v1, v37;
	v40 =	vperm.xlane v22, v7;
	s0 =	sand.u32 $0x7F80, s29;
	[tilespmem:s31+$0xD544] =	vst v63;
	v26 =	vld.idx.msk [tilespmem:v26+s2+$0x0], $0xffff  }
0xa7: {  	v41 =	vadd.s32 v1, v38;
	v42 =	vperm.xlane v21, v7;
	v28 =	vld.idx.msk [tilespmem:v28+s2+$0x0], $0xffff;
	[tilespmem:s0+$0xD564] =	vst v36  }
0xa8: {  	v43 =	vadd.s32 v1, v40;
	v30 =	vld.idx.msk [tilespmem:v30+s2+$0x0], $0xffff  }
0xa9: {  	v44 =	vadd.s32 v1, v42  }
0xaa: {  	[tilespmem:s25+$0xD506] =	vst v24  }
0xab: {  	v24 =	vld.idx.msk [tilespmem:v39+s2+$0x0], $0xffff;
	[tilespmem:s30+$0xD526] =	vst v26  }
0xac: {  	v45 =	vadd.s32 v2, v37;
	[tilespmem:s31+$0xD546] =	vst v28;
	v46 =	vld.idx.msk [tilespmem:v41+s2+$0x0], $0xffff  }
0xad: {  	v47 =	vadd.s32 v2, v38;
	v48 =	vld.idx.msk [tilespmem:v43+s2+$0x0], $0xffff;
	[tilespmem:s0+$0xD566] =	vst v30  }
0xae: {  	v49 =	vadd.s32 v2, v40;
	v50 =	vld.idx.msk [tilespmem:v44+s2+$0x0], $0xffff  }
0xaf: {  	v51 =	vadd.s32 v2, v42  }
0xb0: {  	[tilespmem:s25+$0xD516] =	vst v24  }
0xb1: {  	v24 =	vld.idx.msk [tilespmem:v45+s2+$0x0], $0xffff;
	[tilespmem:s28+$0xD516] =	vst v46  }
0xb2: {  	v52 =	vadd.s32 v3, v37;
	[tilespmem:s26+$0xD516] =	vst v48;
	v28 =	vld.idx.msk [tilespmem:v47+s2+$0x0], $0xffff  }
0xb3: {  	v53 =	vadd.s32 v3, v38;
	v30 =	vld.idx.msk [tilespmem:v49+s2+$0x0], $0xffff;
	[tilespmem:s29+$0xD516] =	vst v50  }
0xb4: {  	v54 =	vadd.s32 v3, v40;
	v34 =	vld.idx.msk [tilespmem:v51+s2+$0x0], $0xffff  }
0xb5: {  	s10 =	sadd.s32 $0xA0, s28;
	v55 =	vadd.s32 v3, v42  }
0xb6: {  	s5 =	sor.u32 $0x46, s10;
	[tilespmem:s25+$0xD526] =	vst v24  }
0xb7: {  	v24 =	vld.idx.msk [tilespmem:v52+s2+$0x0], $0xffff;
	[tilespmem:s5+$0xD480] =	vst v28  }
0xb8: {  	v25 =	vadd.s32 v4, v37;
	[tilespmem:s31+$0xD566] =	vst v30;
	v56 =	vld.idx.msk [tilespmem:v53+s2+$0x0], $0xffff  }
0xb9: {  	v27 =	vadd.s32 v4, v38;
	v57 =	vld.idx.msk [tilespmem:v54+s2+$0x0], $0xffff;
	[tilespmem:s29+$0xD526] =	vst v34  }
0xba: {  	v29 =	vadd.s32 v4, v40;
	v58 =	vld.idx.msk [tilespmem:v55+s2+$0x0], $0xffff  }
0xbb: {  	v31 =	vadd.s32 v4, v42  }
0xbc: {  	v59 =	vperm.xlane v20, v8;
	s6 =	sor.u32 $0x56, s10;
	[tilespmem:s25+$0xD536] =	vst v24  }
0xbd: {  	v25 =	vld.idx.msk [tilespmem:v25+s2+$0x0], $0xffff;
	v60 =	vperm.xlane v23, v8;
	[tilespmem:s6+$0xD480] =	vst v56  }
0xbe: {  	v61 =	vadd.s32 v1, v59;
	v62 =	vperm.xlane v22, v8;
	[tilespmem:s31+$0xD576] =	vst v57;
	v27 =	vld.idx.msk [tilespmem:v27+s2+$0x0], $0xffff  }
0xbf: {  	v63 =	vadd.s32 v1, v60;
	v36 =	vperm.xlane v21, v8;
	v29 =	vld.idx.msk [tilespmem:v29+s2+$0x0], $0xffff;
	[tilespmem:s29+$0xD536] =	vst v58  }
0xc0: {  	v37 =	vadd.s32 v1, v62;
	v31 =	vld.idx.msk [tilespmem:v31+s2+$0x0], $0xffff  }
0xc1: {  	v38 =	vadd.s32 v1, v36  }
0xc2: {  	s10 =	sor.u32 $0x58, s10;
	[tilespmem:s25+$0xD538] =	vst v25  }
0xc3: {  	v25 =	vld.idx.msk [tilespmem:v61+s2+$0x0], $0xffff;
	[tilespmem:s10+$0xD480] =	vst v27  }
0xc4: {  	v39 =	vadd.s32 v2, v59;
	[tilespmem:s31+$0xD578] =	vst v29;
	v40 =	vld.idx.msk [tilespmem:v63+s2+$0x0], $0xffff  }
0xc5: {  	v41 =	vadd.s32 v2, v60;
	v42 =	vld.idx.msk [tilespmem:v37+s2+$0x0], $0xffff;
	[tilespmem:s29+$0xD538] =	vst v31  }
0xc6: {  	v43 =	vadd.s32 v2, v62;
	v44 =	vld.idx.msk [tilespmem:v38+s2+$0x0], $0xffff  }
0xc7: {  	v45 =	vadd.s32 v2, v36  }
0xc8: {  	[tilespmem:s25+$0xD548] =	vst v25  }
0xc9: {  	v25 =	vld.idx.msk [tilespmem:v39+s2+$0x0], $0xffff;
	[tilespmem:s28+$0xD548] =	vst v40  }
0xca: {  	v46 =	vadd.s32 v3, v59;
	[tilespmem:s26+$0xD548] =	vst v42;
	v29 =	vld.idx.msk [tilespmem:v41+s2+$0x0], $0xffff  }
0xcb: {  	v47 =	vadd.s32 v3, v60;
	v31 =	vld.idx.msk [tilespmem:v43+s2+$0x0], $0xffff;
	[tilespmem:s29+$0xD548] =	vst v44  }
0xcc: {  	v48 =	vadd.s32 v3, v62;
	v34 =	vld.idx.msk [tilespmem:v45+s2+$0x0], $0xffff  }
0xcd: {  	v49 =	vadd.s32 v3, v36;
	s6 =	sadd.s32 $0xC0, s28  }
0xce: {  	[tilespmem:s25+$0xD558] =	vst v25;
	s5 =	sor.u32 $0x78, s6  }
0xcf: {  	v25 =	vld.idx.msk [tilespmem:v46+s2+$0x0], $0xffff;
	[tilespmem:s5+$0xD480] =	vst v29  }
0xd0: {  	v24 =	vadd.s32 v4, v59;
	s10 =	sor.u32 $0x38, s29;
	[tilespmem:s26+$0xD558] =	vst v31;
	v50 =	vld.idx.msk [tilespmem:v47+s2+$0x0], $0xffff  }
0xd1: {  	v26 =	vadd.s32 v4, v60;
	v51 =	vld.idx.msk [tilespmem:v48+s2+$0x0], $0xffff;
	[tilespmem:s10+$0xD540] =	vst v34  }
0xd2: {  	v28 =	vadd.s32 v4, v62;
	v52 =	vld.idx.msk [tilespmem:v49+s2+$0x0], $0xffff  }
0xd3: {  	v30 =	vadd.s32 v4, v36  }
0xd4: {  	v53 =	vperm.xlane v20, v9;
	[tilespmem:s25+$0xD568] =	vst v25  }
0xd5: {  	v54 =	vperm.xlane v23, v9;
	v24 =	vld.idx.msk [tilespmem:v24+s2+$0x0], $0xffff;
	s5 =	sadd.s32 $0xE0, s29;
	[tilespmem:s28+$0xD568] =	vst v50  }
0xd6: {  	v55 =	vadd.s32 v1, v53;
	v56 =	vperm.xlane v22, v9;
	s6 =	sor.u32 $0x48, s5;
	[tilespmem:s26+$0xD568] =	vst v51;
	v26 =	vld.idx.msk [tilespmem:v26+s2+$0x0], $0xffff  }
0xd7: {  	v57 =	vadd.s32 v1, v54;
	v58 =	vperm.xlane v21, v9;
	v28 =	vld.idx.msk [tilespmem:v28+s2+$0x0], $0xffff;
	[tilespmem:s6+$0xD480] =	vst v52  }
0xd8: {  	v59 =	vadd.s32 v1, v56;
	v30 =	vld.idx.msk [tilespmem:v30+s2+$0x0], $0xffff  }
0xd9: {  	v60 =	vadd.s32 v1, v58  }
0xda: {  	[tilespmem:s25+$0xD56A] =	vst v24  }
0xdb: {  	v24 =	vld.idx.msk [tilespmem:v55+s2+$0x0], $0xffff;
	[tilespmem:s28+$0xD56A] =	vst v26  }
0xdc: {  	v61 =	vadd.s32 v2, v53;
	s5 =	sor.u32 $0x4A, s5;
	[tilespmem:s26+$0xD56A] =	vst v28;
	v62 =	vld.idx.msk [tilespmem:v57+s2+$0x0], $0xffff  }
0xdd: {  	v63 =	vadd.s32 v2, v54;
	v36 =	vld.idx.msk [tilespmem:v59+s2+$0x0], $0xffff;
	[tilespmem:s5+$0xD480] =	vst v30  }
0xde: {  	v37 =	vadd.s32 v2, v56;
	v38 =	vld.idx.msk [tilespmem:v60+s2+$0x0], $0xffff  }
0xdf: {  	v39 =	vadd.s32 v2, v58  }
0xe0: {  	[tilespmem:s25+$0xD57A] =	vst v24  }
0xe1: {  	v24 =	vld.idx.msk [tilespmem:v61+s2+$0x0], $0xffff;
	[tilespmem:s28+$0xD57A] =	vst v62  }
0xe2: {  	v40 =	vadd.s32 v3, v53;
	[tilespmem:s26+$0xD57A] =	vst v36;
	v28 =	vld.idx.msk [tilespmem:v63+s2+$0x0], $0xffff  }
0xe3: {  	v41 =	vadd.s32 v3, v54;
	v30 =	vld.idx.msk [tilespmem:v37+s2+$0x0], $0xffff;
	[tilespmem:s29+$0xD57A] =	vst v38  }
0xe4: {  	v42 =	vadd.s32 v3, v56;
	v34 =	vld.idx.msk [tilespmem:v39+s2+$0x0], $0xffff  }
0xe5: {  	v43 =	vadd.s32 v3, v58  }
0xe6: {  	[tilespmem:s25+$0xD58A] =	vst v24  }
0xe7: {  	v24 =	vld.idx.msk [tilespmem:v40+s2+$0x0], $0xffff;
	[tilespmem:s30+$0xD5AA] =	vst v28  }
0xe8: {  	v25 =	vadd.s32 v4, v53;
	[tilespmem:s31+$0xD5CA] =	vst v30;
	v44 =	vld.idx.msk [tilespmem:v41+s2+$0x0], $0xffff  }
0xe9: {  	v27 =	vadd.s32 v4, v54;
	v45 =	vld.idx.msk [tilespmem:v42+s2+$0x0], $0xffff;
	[tilespmem:s0+$0xD5EA] =	vst v34  }
0xea: {  	v29 =	vadd.s32 v4, v56;
	v46 =	vld.idx.msk [tilespmem:v43+s2+$0x0], $0xffff  }
0xeb: {  	v31 =	vadd.s32 v4, v58  }
0xec: {  	v47 =	vperm.xlane v20, v10;
	[tilespmem:s25+$0xD59A] =	vst v24  }
0xed: {  	v48 =	vperm.xlane v23, v10;
	v25 =	vld.idx.msk [tilespmem:v25+s2+$0x0], $0xffff;
	[tilespmem:s30+$0xD5BA] =	vst v44  }
0xee: {  	v49 =	vadd.s32 v1, v47;
	v50 =	vperm.xlane v22, v10;
	[tilespmem:s31+$0xD5DA] =	vst v45;
	v27 =	vld.idx.msk [tilespmem:v27+s2+$0x0], $0xffff  }
0xef: {  	v51 =	vadd.s32 v1, v48;
	v52 =	vperm.xlane v21, v10;
	v29 =	vld.idx.msk [tilespmem:v29+s2+$0x0], $0xffff;
	[tilespmem:s0+$0xD5FA] =	vst v46  }
0xf0: {  	v53 =	vadd.s32 v1, v50;
	v31 =	vld.idx.msk [tilespmem:v31+s2+$0x0], $0xffff  }
0xf1: {  	v54 =	vadd.s32 v1, v52  }
0xf2: {  	[tilespmem:s25+$0xD59C] =	vst v25  }
0xf3: {  	v25 =	vld.idx.msk [tilespmem:v49+s2+$0x0], $0xffff;
	[tilespmem:s30+$0xD5BC] =	vst v27  }
0xf4: {  	v55 =	vadd.s32 v2, v47;
	[tilespmem:s31+$0xD5DC] =	vst v29;
	v56 =	vld.idx.msk [tilespmem:v51+s2+$0x0], $0xffff  }
0xf5: {  	v57 =	vadd.s32 v2, v48;
	v58 =	vld.idx.msk [tilespmem:v53+s2+$0x0], $0xffff;
	[tilespmem:s0+$0xD5FC] =	vst v31  }
0xf6: {  	v59 =	vadd.s32 v2, v50;
	v60 =	vld.idx.msk [tilespmem:v54+s2+$0x0], $0xffff  }
0xf7: {  	v61 =	vadd.s32 v2, v52  }
0xf8: {  	[tilespmem:s25+$0xD5AC] =	vst v25  }
0xf9: {  	v25 =	vld.idx.msk [tilespmem:v55+s2+$0x0], $0xffff;
	[tilespmem:s28+$0xD5AC] =	vst v56  }
0xfa: {  	v62 =	vadd.s32 v3, v47;
	[tilespmem:s26+$0xD5AC] =	vst v58;
	v29 =	vld.idx.msk [tilespmem:v57+s2+$0x0], $0xffff  }
0xfb: {  	v63 =	vadd.s32 v3, v48;
	v31 =	vld.idx.msk [tilespmem:v59+s2+$0x0], $0xffff;
	[tilespmem:s29+$0xD5AC] =	vst v60  }
0xfc: {  	v36 =	vadd.s32 v3, v50;
	v34 =	vld.idx.msk [tilespmem:v61+s2+$0x0], $0xffff  }
0xfd: {  	s10 =	sadd.s32 $0x120, s28;
	v37 =	vadd.s32 v3, v52  }
0xfe: {  	s5 =	sor.u32 $0x5C, s10;
	[tilespmem:s25+$0xD5BC] =	vst v25  }
0xff: {  	v25 =	vld.idx.msk [tilespmem:v62+s2+$0x0], $0xffff;
	[tilespmem:s5+$0xD480] =	vst v29  }
0x100: {  	v24 =	vadd.s32 v4, v47;
	[tilespmem:s31+$0xD5FC] =	vst v31;
	v38 =	vld.idx.msk [tilespmem:v63+s2+$0x0], $0xffff  }
0x101: {  	v26 =	vadd.s32 v4, v48;
	v39 =	vld.idx.msk [tilespmem:v36+s2+$0x0], $0xffff;
	[tilespmem:s29+$0xD5BC] =	vst v34  }
0x102: {  	v28 =	vadd.s32 v4, v50;
	v40 =	vld.idx.msk [tilespmem:v37+s2+$0x0], $0xffff  }
0x103: {  	v30 =	vadd.s32 v4, v52;
	s5 =	sadd.s32 $0x140, s28  }
0x104: {  	v41 =	vperm.xlane v20, v11;
	[tilespmem:s25+$0xD5CC] =	vst v25;
	s6 =	sor.u32 $0x6C, s5  }
0x105: {  	v42 =	vperm.xlane v23, v11;
	v24 =	vld.idx.msk [tilespmem:v24+s2+$0x0], $0xffff;
	[tilespmem:s6+$0xD480] =	vst v38  }
0x106: {  	s10 =	sor.u32 $0x2C, s29;
	v43 =	vadd.s32 v1, v41;
	v44 =	vperm.xlane v22, v11;
	[tilespmem:s26+$0xD5CC] =	vst v39;
	v26 =	vld.idx.msk [tilespmem:v26+s2+$0x0], $0xffff  }
0x107: {  	v45 =	vadd.s32 v1, v42;
	v46 =	vperm.xlane v21, v11;
	v28 =	vld.idx.msk [tilespmem:v28+s2+$0x0], $0xffff;
	[tilespmem:s10+$0xD5C0] =	vst v40  }
0x108: {  	v47 =	vadd.s32 v1, v44;
	v30 =	vld.idx.msk [tilespmem:v30+s2+$0x0], $0xffff  }
0x109: {  	v48 =	vadd.s32 v1, v46  }
0x10a: {  	[tilespmem:s25+$0xD5CE] =	vst v24;
	s5 =	sor.u32 $0x6E, s5  }
0x10b: {  	v24 =	vld.idx.msk [tilespmem:v43+s2+$0x0], $0xffff;
	[tilespmem:s5+$0xD480] =	vst v26  }
0x10c: {  	v49 =	vadd.s32 v2, v41;
	s6 =	sor.u32 $0x2E, s29;
	[tilespmem:s26+$0xD5CE] =	vst v28;
	v50 =	vld.idx.msk [tilespmem:v45+s2+$0x0], $0xffff  }
0x10d: {  	v51 =	vadd.s32 v2, v42;
	v52 =	vld.idx.msk [tilespmem:v47+s2+$0x0], $0xffff;
	[tilespmem:s6+$0xD5C0] =	vst v30  }
0x10e: {  	v53 =	vadd.s32 v2, v44;
	v54 =	vld.idx.msk [tilespmem:v48+s2+$0x0], $0xffff  }
0x10f: {  	v55 =	vadd.s32 v2, v46  }
0x110: {  	[tilespmem:s25+$0xD5DE] =	vst v24  }
0x111: {  	v24 =	vld.idx.msk [tilespmem:v49+s2+$0x0], $0xffff;
	[tilespmem:s28+$0xD5DE] =	vst v50  }
0x112: {  	v56 =	vadd.s32 v3, v41;
	[tilespmem:s26+$0xD5DE] =	vst v52;
	v28 =	vld.idx.msk [tilespmem:v51+s2+$0x0], $0xffff  }
0x113: {  	v57 =	vadd.s32 v3, v42;
	v30 =	vld.idx.msk [tilespmem:v53+s2+$0x0], $0xffff;
	[tilespmem:s29+$0xD5DE] =	vst v54  }
0x114: {  	v58 =	vadd.s32 v3, v44;
	v34 =	vld.idx.msk [tilespmem:v55+s2+$0x0], $0xffff  }
0x115: {  	v59 =	vadd.s32 v3, v46  }
0x116: {  	[tilespmem:s25+$0xD5EE] =	vst v24  }
0x117: {  	v24 =	vld.idx.msk [tilespmem:v56+s2+$0x0], $0xffff;
	s5 =	sadd.s32 $0x160, s29;
	[tilespmem:s28+$0xD5EE] =	vst v28  }
0x118: {  	v25 =	vadd.s32 v4, v41;
	s6 =	sor.u32 $0x4E, s5;
	[tilespmem:s26+$0xD5EE] =	vst v30;
	v60 =	vld.idx.msk [tilespmem:v57+s2+$0x0], $0xffff  }
0x119: {  	v27 =	vadd.s32 v4, v42;
	v61 =	vld.idx.msk [tilespmem:v58+s2+$0x0], $0xffff;
	[tilespmem:s6+$0xD480] =	vst v34  }
0x11a: {  	v29 =	vadd.s32 v4, v44;
	v62 =	vld.idx.msk [tilespmem:v59+s2+$0x0], $0xffff  }
0x11b: {  	v31 =	vadd.s32 v4, v46  }
0x11c: {  	v63 =	vperm.xlane v20, v12;
	[tilespmem:s25+$0xD5FE] =	vst v24  }
0x11d: {  	v36 =	vperm.xlane v23, v12;
	v25 =	vld.idx.msk [tilespmem:v25+s2+$0x0], $0xffff;
	[tilespmem:s28+$0xD5FE] =	vst v60  }
0x11e: {  	v37 =	vadd.s32 v1, v63;
	v38 =	vperm.xlane v22, v12;
	s5 =	sor.u32 $0x5E, s5;
	[tilespmem:s26+$0xD5FE] =	vst v61;
	v27 =	vld.idx.msk [tilespmem:v27+s2+$0x0], $0xffff  }
0x11f: {  	v39 =	vadd.s32 v1, v36;
	v40 =	vperm.xlane v21, v12;
	v29 =	vld.idx.msk [tilespmem:v29+s2+$0x0], $0xffff;
	[tilespmem:s5+$0xD480] =	vst v62  }
0x120: {  	v41 =	vadd.s32 v1, v38;
	v31 =	vld.idx.msk [tilespmem:v31+s2+$0x0], $0xffff  }
0x121: {  	v42 =	vadd.s32 v1, v40  }
0x122: {  	[tilespmem:s25+$0xD600] =	vst v25  }
0x123: {  	v25 =	vld.idx.msk [tilespmem:v37+s2+$0x0], $0xffff;
	[tilespmem:s30+$0xD620] =	vst v27  }
0x124: {  	v43 =	vadd.s32 v2, v63;
	[tilespmem:s31+$0xD640] =	vst v29;
	v44 =	vld.idx.msk [tilespmem:v39+s2+$0x0], $0xffff  }
0x125: {  	v45 =	vadd.s32 v2, v36;
	v46 =	vld.idx.msk [tilespmem:v41+s2+$0x0], $0xffff;
	[tilespmem:s0+$0xD660] =	vst v31  }
0x126: {  	v47 =	vadd.s32 v2, v38;
	v48 =	vld.idx.msk [tilespmem:v42+s2+$0x0], $0xffff  }
0x127: {  	v49 =	vadd.s32 v2, v40  }
0x128: {  	[tilespmem:s25+$0xD610] =	vst v25  }
0x129: {  	v25 =	vld.idx.msk [tilespmem:v43+s2+$0x0], $0xffff;
	[tilespmem:s28+$0xD610] =	vst v44  }
0x12a: {  	v50 =	vadd.s32 v3, v63;
	[tilespmem:s26+$0xD610] =	vst v46;
	v29 =	vld.idx.msk [tilespmem:v45+s2+$0x0], $0xffff  }
0x12b: {  	v51 =	vadd.s32 v3, v36;
	v31 =	vld.idx.msk [tilespmem:v47+s2+$0x0], $0xffff;
	[tilespmem:s29+$0xD610] =	vst v48  }
0x12c: {  	v52 =	vadd.s32 v3, v38;
	v34 =	vld.idx.msk [tilespmem:v49+s2+$0x0], $0xffff  }
0x12d: {  	v53 =	vadd.s32 v3, v40  }
0x12e: {  	[tilespmem:s25+$0xD620] =	vst v25  }
0x12f: {  	v25 =	vld.idx.msk [tilespmem:v50+s2+$0x0], $0xffff;
	[tilespmem:s28+$0xD620] =	vst v29  }
0x130: {  	v24 =	vadd.s32 v4, v63;
	[tilespmem:s31+$0xD660] =	vst v31;
	v54 =	vld.idx.msk [tilespmem:v51+s2+$0x0], $0xffff  }
0x131: {  	v26 =	vadd.s32 v4, v36;
	v55 =	vld.idx.msk [tilespmem:v52+s2+$0x0], $0xffff;
	[tilespmem:s29+$0xD620] =	vst v34  }
0x132: {  	v28 =	vadd.s32 v4, v38;
	v56 =	vld.idx.msk [tilespmem:v53+s2+$0x0], $0xffff  }
0x133: {  	v30 =	vadd.s32 v4, v40;
	s5 =	sadd.s32 $0x1A0, s28  }
0x134: {  	v57 =	vperm.xlane v20, v13;
	[tilespmem:s25+$0xD630] =	vst v25;
	s6 =	sor.u32 $0x50, s5  }
0x135: {  	v58 =	vperm.xlane v23, v13;
	v24 =	vld.idx.msk [tilespmem:v24+s2+$0x0], $0xffff;
	[tilespmem:s6+$0xD480] =	vst v54  }
0x136: {  	v59 =	vadd.s32 v1, v57;
	v60 =	vperm.xlane v22, v13;
	[tilespmem:s31+$0xD670] =	vst v55;
	v26 =	vld.idx.msk [tilespmem:v26+s2+$0x0], $0xffff  }
0x137: {  	v61 =	vadd.s32 v1, v58;
	v62 =	vperm.xlane v21, v13;
	v28 =	vld.idx.msk [tilespmem:v28+s2+$0x0], $0xffff;
	[tilespmem:s29+$0xD630] =	vst v56  }
0x138: {  	v63 =	vadd.s32 v1, v60;
	v30 =	vld.idx.msk [tilespmem:v30+s2+$0x0], $0xffff  }
0x139: {  	v36 =	vadd.s32 v1, v62  }
0x13a: {  	s5 =	sor.u32 $0x52, s5;
	[tilespmem:s25+$0xD632] =	vst v24  }
0x13b: {  	v24 =	vld.idx.msk [tilespmem:v59+s2+$0x0], $0xffff;
	[tilespmem:s5+$0xD480] =	vst v26  }
0x13c: {  	v37 =	vadd.s32 v2, v57;
	[tilespmem:s31+$0xD672] =	vst v28;
	v38 =	vld.idx.msk [tilespmem:v61+s2+$0x0], $0xffff  }
0x13d: {  	v39 =	vadd.s32 v2, v58;
	v40 =	vld.idx.msk [tilespmem:v63+s2+$0x0], $0xffff;
	[tilespmem:s29+$0xD632] =	vst v30  }
0x13e: {  	v41 =	vadd.s32 v2, v60;
	v42 =	vld.idx.msk [tilespmem:v36+s2+$0x0], $0xffff  }
0x13f: {  	v43 =	vadd.s32 v2, v62  }
0x140: {  	[tilespmem:s25+$0xD642] =	vst v24  }
0x141: {  	v24 =	vld.idx.msk [tilespmem:v37+s2+$0x0], $0xffff;
	[tilespmem:s28+$0xD642] =	vst v38  }
0x142: {  	v44 =	vadd.s32 v3, v57;
	[tilespmem:s26+$0xD642] =	vst v40;
	v28 =	vld.idx.msk [tilespmem:v39+s2+$0x0], $0xffff  }
0x143: {  	v45 =	vadd.s32 v3, v58;
	v30 =	vld.idx.msk [tilespmem:v41+s2+$0x0], $0xffff;
	[tilespmem:s29+$0xD642] =	vst v42  }
0x144: {  	v46 =	vadd.s32 v3, v60;
	v34 =	vld.idx.msk [tilespmem:v43+s2+$0x0], $0xffff  }
0x145: {  	v47 =	vadd.s32 v3, v62;
	s6 =	sadd.s32 $0x1C0, s28  }
0x146: {  	[tilespmem:s25+$0xD652] =	vst v24;
	s5 =	sor.u32 $0x72, s6  }
0x147: {  	v24 =	vld.idx.msk [tilespmem:v44+s2+$0x0], $0xffff;
	[tilespmem:s5+$0xD480] =	vst v28  }
0x148: {  	v25 =	vadd.s32 v4, v57;
	[tilespmem:s26+$0xD652] =	vst v30;
	v48 =	vld.idx.msk [tilespmem:v45+s2+$0x0], $0xffff  }
0x149: {  	v27 =	vadd.s32 v4, v58;
	v49 =	vld.idx.msk [tilespmem:v46+s2+$0x0], $0xffff;
	[tilespmem:s3+$0xD640] =	vst v34  }
0x14a: {  	v29 =	vadd.s32 v4, v60;
	v50 =	vld.idx.msk [tilespmem:v47+s2+$0x0], $0xffff  }
0x14b: {  	v31 =	vadd.s32 v4, v62  }
0x14c: {  	v51 =	vperm.xlane v20, v14;
	[tilespmem:s25+$0xD662] =	vst v24  }
0x14d: {  	v52 =	vperm.xlane v23, v14;
	v25 =	vld.idx.msk [tilespmem:v25+s2+$0x0], $0xffff;
	s3 =	sadd.s32 $0x1E0, s29;
	[tilespmem:s28+$0xD662] =	vst v48  }
0x14e: {  	v53 =	vadd.s32 v1, v51;
	v54 =	vperm.xlane v22, v14;
	s6 =	sor.u32 $0x42, s3;
	[tilespmem:s26+$0xD662] =	vst v49;
	v27 =	vld.idx.msk [tilespmem:v27+s2+$0x0], $0xffff  }
0x14f: {  	v55 =	vadd.s32 v1, v52;
	v56 =	vperm.xlane v21, v14;
	v29 =	vld.idx.msk [tilespmem:v29+s2+$0x0], $0xffff;
	[tilespmem:s6+$0xD480] =	vst v50  }
0x150: {  	v57 =	vadd.s32 v1, v54;
	v31 =	vld.idx.msk [tilespmem:v31+s2+$0x0], $0xffff  }
0x151: {  	v58 =	vadd.s32 v1, v56  }
0x152: {  	[tilespmem:s25+$0xD664] =	vst v25  }
0x153: {  	v25 =	vld.idx.msk [tilespmem:v53+s2+$0x0], $0xffff;
	[tilespmem:s28+$0xD664] =	vst v27  }
0x154: {  	v59 =	vadd.s32 v2, v51;
	s3 =	sor.u32 $0x44, s3;
	[tilespmem:s26+$0xD664] =	vst v29;
	v60 =	vld.idx.msk [tilespmem:v55+s2+$0x0], $0xffff  }
0x155: {  	v61 =	vadd.s32 v2, v52;
	v62 =	vld.idx.msk [tilespmem:v57+s2+$0x0], $0xffff;
	[tilespmem:s3+$0xD480] =	vst v31  }
0x156: {  	v63 =	vadd.s32 v2, v54;
	v36 =	vld.idx.msk [tilespmem:v58+s2+$0x0], $0xffff  }
0x157: {  	v37 =	vadd.s32 v2, v56  }
0x158: {  	[tilespmem:s25+$0xD674] =	vst v25  }
0x159: {  	v25 =	vld.idx.msk [tilespmem:v59+s2+$0x0], $0xffff;
	[tilespmem:s28+$0xD674] =	vst v60  }
0x15a: {  	v38 =	vadd.s32 v3, v51;
	[tilespmem:s26+$0xD674] =	vst v62;
	v29 =	vld.idx.msk [tilespmem:v61+s2+$0x0], $0xffff  }
0x15b: {  	v39 =	vadd.s32 v3, v52;
	v31 =	vld.idx.msk [tilespmem:v63+s2+$0x0], $0xffff;
	[tilespmem:s29+$0xD674] =	vst v36  }
0x15c: {  	v40 =	vadd.s32 v3, v54;
	v34 =	vld.idx.msk [tilespmem:v37+s2+$0x0], $0xffff  }
0x15d: {  	v41 =	vadd.s32 v3, v56  }
0x15e: {  	[tilespmem:s25+$0xD684] =	vst v25  }
0x15f: {  	v25 =	vld.idx.msk [tilespmem:v38+s2+$0x0], $0xffff;
	[tilespmem:s30+$0xD6A4] =	vst v29  }
0x160: {  	v24 =	vadd.s32 v4, v51;
	[tilespmem:s31+$0xD6C4] =	vst v31;
	v42 =	vld.idx.msk [tilespmem:v39+s2+$0x0], $0xffff  }
0x161: {  	v26 =	vadd.s32 v4, v52;
	v43 =	vld.idx.msk [tilespmem:v40+s2+$0x0], $0xffff;
	[tilespmem:s0+$0xD6E4] =	vst v34  }
0x162: {  	v28 =	vadd.s32 v4, v54;
	v44 =	vld.idx.msk [tilespmem:v41+s2+$0x0], $0xffff  }
0x163: {  	v30 =	vadd.s32 v4, v56  }
0x164: {  	v45 =	vperm.xlane v20, v15;
	[tilespmem:s25+$0xD694] =	vst v25  }
0x165: {  	v46 =	vperm.xlane v23, v15;
	v24 =	vld.idx.msk [tilespmem:v24+s2+$0x0], $0xffff;
	[tilespmem:s30+$0xD6B4] =	vst v42  }
0x166: {  	v47 =	vadd.s32 v1, v45;
	v48 =	vperm.xlane v22, v15;
	[tilespmem:s31+$0xD6D4] =	vst v43;
	v26 =	vld.idx.msk [tilespmem:v26+s2+$0x0], $0xffff  }
0x167: {  	v49 =	vadd.s32 v1, v46;
	v50 =	vperm.xlane v21, v15;
	v28 =	vld.idx.msk [tilespmem:v28+s2+$0x0], $0xffff;
	[tilespmem:s0+$0xD6F4] =	vst v44  }
0x168: {  	v51 =	vadd.s32 v1, v48;
	v30 =	vld.idx.msk [tilespmem:v30+s2+$0x0], $0xffff  }
0x169: {  	v52 =	vadd.s32 v1, v50  }
0x16a: {  	[tilespmem:s25+$0xD696] =	vst v24  }
0x16b: {  	v24 =	vld.idx.msk [tilespmem:v47+s2+$0x0], $0xffff;
	[tilespmem:s30+$0xD6B6] =	vst v26  }
0x16c: {  	v53 =	vadd.s32 v2, v45;
	[tilespmem:s31+$0xD6D6] =	vst v28;
	v54 =	vld.idx.msk [tilespmem:v49+s2+$0x0], $0xffff  }
0x16d: {  	v55 =	vadd.s32 v2, v46;
	v56 =	vld.idx.msk [tilespmem:v51+s2+$0x0], $0xffff;
	[tilespmem:s0+$0xD6F6] =	vst v30  }
0x16e: {  	v57 =	vadd.s32 v2, v48;
	v58 =	vld.idx.msk [tilespmem:v52+s2+$0x0], $0xffff  }
0x16f: {  	v59 =	vadd.s32 v2, v50  }
0x170: {  	[tilespmem:s25+$0xD6A6] =	vst v24  }
0x171: {  	v24 =	vld.idx.msk [tilespmem:v53+s2+$0x0], $0xffff;
	[tilespmem:s28+$0xD6A6] =	vst v54  }
0x172: {  	v60 =	vadd.s32 v3, v45;
	[tilespmem:s26+$0xD6A6] =	vst v56;
	v28 =	vld.idx.msk [tilespmem:v55+s2+$0x0], $0xffff  }
0x173: {  	v61 =	vadd.s32 v3, v46;
	v30 =	vld.idx.msk [tilespmem:v57+s2+$0x0], $0xffff;
	[tilespmem:s29+$0xD6A6] =	vst v58  }
0x174: {  	v62 =	vadd.s32 v3, v48;
	v34 =	vld.idx.msk [tilespmem:v59+s2+$0x0], $0xffff  }
0x175: {  	s5 =	sadd.s32 $0x220, s28;
	v63 =	vadd.s32 v3, v50  }
0x176: {  	s3 =	sor.u32 $0x56, s5;
	[tilespmem:s25+$0xD6B6] =	vst v24  }
0x177: {  	v24 =	vld.idx.msk [tilespmem:v60+s2+$0x0], $0xffff;
	[tilespmem:s3+$0xD480] =	vst v28  }
0x178: {  	v25 =	vadd.s32 v4, v45;
	[tilespmem:s31+$0xD6F6] =	vst v30;
	v36 =	vld.idx.msk [tilespmem:v61+s2+$0x0], $0xffff  }
0x179: {  	v27 =	vadd.s32 v4, v46;
	v37 =	vld.idx.msk [tilespmem:v62+s2+$0x0], $0xffff;
	[tilespmem:s29+$0xD6B6] =	vst v34  }
0x17a: {  	v29 =	vadd.s32 v4, v48;
	v38 =	vld.idx.msk [tilespmem:v63+s2+$0x0], $0xffff  }
0x17b: {  	v31 =	vadd.s32 v4, v50;
	s3 =	sadd.s32 $0x240, s28  }
0x17c: {  	v39 =	vperm.xlane v20, v16;
	[tilespmem:s25+$0xD6C6] =	vst v24;
	s6 =	sor.u32 $0x66, s3  }
0x17d: {  	v40 =	vperm.xlane v23, v16;
	v25 =	vld.idx.msk [tilespmem:v25+s2+$0x0], $0xffff;
	[tilespmem:s6+$0xD480] =	vst v36  }
0x17e: {  	v41 =	vadd.s32 v1, v39;
	v42 =	vperm.xlane v22, v16;
	[tilespmem:s26+$0xD6C6] =	vst v37;
	s6 =	sor.u32 $0x26, s29;
	v27 =	vld.idx.msk [tilespmem:v27+s2+$0x0], $0xffff  }
0x17f: {  	v43 =	vadd.s32 v1, v40;
	v44 =	vperm.xlane v21, v16;
	v29 =	vld.idx.msk [tilespmem:v29+s2+$0x0], $0xffff;
	[tilespmem:s6+$0xD6C0] =	vst v38  }
0x180: {  	v45 =	vadd.s32 v1, v42;
	v31 =	vld.idx.msk [tilespmem:v31+s2+$0x0], $0xffff  }
0x181: {  	v46 =	vadd.s32 v1, v44  }
0x182: {  	[tilespmem:s25+$0xD6C8] =	vst v25;
	s3 =	sor.u32 $0x68, s3  }
0x183: {  	v25 =	vld.idx.msk [tilespmem:v41+s2+$0x0], $0xffff;
	[tilespmem:s3+$0xD480] =	vst v27  }
0x184: {  	s5 =	sor.u32 $0x28, s29;
	v47 =	vadd.s32 v2, v39;
	[tilespmem:s26+$0xD6C8] =	vst v29;
	v48 =	vld.idx.msk [tilespmem:v43+s2+$0x0], $0xffff  }
0x185: {  	v49 =	vadd.s32 v2, v40;
	v50 =	vld.idx.msk [tilespmem:v45+s2+$0x0], $0xffff;
	[tilespmem:s5+$0xD6C0] =	vst v31  }
0x186: {  	v51 =	vadd.s32 v2, v42;
	v52 =	vld.idx.msk [tilespmem:v46+s2+$0x0], $0xffff  }
0x187: {  	v53 =	vadd.s32 v2, v44  }
0x188: {  	[tilespmem:s25+$0xD6D8] =	vst v25  }
0x189: {  	v25 =	vld.idx.msk [tilespmem:v47+s2+$0x0], $0xffff;
	[tilespmem:s28+$0xD6D8] =	vst v48  }
0x18a: {  	v54 =	vadd.s32 v3, v39;
	[tilespmem:s26+$0xD6D8] =	vst v50;
	v29 =	vld.idx.msk [tilespmem:v49+s2+$0x0], $0xffff  }
0x18b: {  	v55 =	vadd.s32 v3, v40;
	v31 =	vld.idx.msk [tilespmem:v51+s2+$0x0], $0xffff;
	[tilespmem:s29+$0xD6D8] =	vst v52  }
0x18c: {  	v56 =	vadd.s32 v3, v42;
	v34 =	vld.idx.msk [tilespmem:v53+s2+$0x0], $0xffff  }
0x18d: {  	v57 =	vadd.s32 v3, v44  }
0x18e: {  	[tilespmem:s25+$0xD6E8] =	vst v25  }
0x18f: {  	v25 =	vld.idx.msk [tilespmem:v54+s2+$0x0], $0xffff;
	s3 =	sadd.s32 $0x260, s29;
	[tilespmem:s28+$0xD6E8] =	vst v29  }
0x190: {  	v24 =	vadd.s32 v4, v39;
	s6 =	sor.u32 $0x48, s3;
	[tilespmem:s26+$0xD6E8] =	vst v31;
	v58 =	vld.idx.msk [tilespmem:v55+s2+$0x0], $0xffff  }
0x191: {  	v26 =	vadd.s32 v4, v40;
	v59 =	vld.idx.msk [tilespmem:v56+s2+$0x0], $0xffff;
	[tilespmem:s6+$0xD480] =	vst v34  }
0x192: {  	v28 =	vadd.s32 v4, v42;
	v60 =	vld.idx.msk [tilespmem:v57+s2+$0x0], $0xffff  }
0x193: {  	v30 =	vadd.s32 v4, v44  }
0x194: {  	v61 =	vperm.xlane v20, v17;
	[tilespmem:s25+$0xD6F8] =	vst v25  }
0x195: {  	v62 =	vperm.xlane v23, v17;
	v24 =	vld.idx.msk [tilespmem:v24+s2+$0x0], $0xffff;
	[tilespmem:s28+$0xD6F8] =	vst v58  }
0x196: {  	v63 =	vadd.s32 v1, v61;
	v36 =	vperm.xlane v22, v17;
	s6 =	sor.u32 $0x58, s3;
	[tilespmem:s26+$0xD6F8] =	vst v59;
	v26 =	vld.idx.msk [tilespmem:v26+s2+$0x0], $0xffff  }
0x197: {  	v37 =	vadd.s32 v1, v62;
	v38 =	vperm.xlane v21, v17;
	v28 =	vld.idx.msk [tilespmem:v28+s2+$0x0], $0xffff;
	[tilespmem:s6+$0xD480] =	vst v60  }
0x198: {  	v39 =	vadd.s32 v1, v36;
	v30 =	vld.idx.msk [tilespmem:v30+s2+$0x0], $0xffff  }
0x199: {  	v40 =	vadd.s32 v1, v38  }
0x19a: {  	[tilespmem:s25+$0xD6FA] =	vst v24  }
0x19b: {  	v24 =	vld.idx.msk [tilespmem:v63+s2+$0x0], $0xffff;
	[tilespmem:s28+$0xD6FA] =	vst v26  }
0x19c: {  	v41 =	vadd.s32 v2, v61;
	s3 =	sor.u32 $0x5A, s3;
	[tilespmem:s26+$0xD6FA] =	vst v28;
	v42 =	vld.idx.msk [tilespmem:v37+s2+$0x0], $0xffff  }
0x19d: {  	v43 =	vadd.s32 v2, v62;
	v44 =	vld.idx.msk [tilespmem:v39+s2+$0x0], $0xffff;
	[tilespmem:s3+$0xD480] =	vst v30  }
0x19e: {  	v45 =	vadd.s32 v2, v36;
	v46 =	vld.idx.msk [tilespmem:v40+s2+$0x0], $0xffff  }
0x19f: {  	v47 =	vadd.s32 v2, v38  }
0x1a0: {  	[tilespmem:s25+$0xD70A] =	vst v24  }
0x1a1: {  	v24 =	vld.idx.msk [tilespmem:v41+s2+$0x0], $0xffff;
	[tilespmem:s28+$0xD70A] =	vst v42  }
0x1a2: {  	v48 =	vadd.s32 v3, v61;
	[tilespmem:s26+$0xD70A] =	vst v44;
	v28 =	vld.idx.msk [tilespmem:v43+s2+$0x0], $0xffff  }
0x1a3: {  	v49 =	vadd.s32 v3, v62;
	v30 =	vld.idx.msk [tilespmem:v45+s2+$0x0], $0xffff;
	[tilespmem:s29+$0xD70A] =	vst v46  }
0x1a4: {  	v50 =	vadd.s32 v3, v36;
	v34 =	vld.idx.msk [tilespmem:v47+s2+$0x0], $0xffff  }
0x1a5: {  	v51 =	vadd.s32 v3, v38  }
0x1a6: {  	[tilespmem:s25+$0xD71A] =	vst v24  }
0x1a7: {  	v24 =	vld.idx.msk [tilespmem:v48+s2+$0x0], $0xffff;
	[tilespmem:s30+$0xD73A] =	vst v28  }
0x1a8: {  	v25 =	vadd.s32 v4, v61;
	[tilespmem:s31+$0xD75A] =	vst v30;
	v52 =	vld.idx.msk [tilespmem:v49+s2+$0x0], $0xffff  }
0x1a9: {  	v27 =	vadd.s32 v4, v62;
	v53 =	vld.idx.msk [tilespmem:v50+s2+$0x0], $0xffff;
	[tilespmem:s0+$0xD77A] =	vst v34  }
0x1aa: {  	v29 =	vadd.s32 v4, v36;
	v54 =	vld.idx.msk [tilespmem:v51+s2+$0x0], $0xffff  }
0x1ab: {  	v31 =	vadd.s32 v4, v38;
	s3 =	sadd.s32 $0x2A0, s28  }
0x1ac: {  	v55 =	vperm.xlane v20, v18;
	[tilespmem:s25+$0xD72A] =	vst v24;
	s6 =	sor.u32 $0x4A, s3  }
0x1ad: {  	v56 =	vperm.xlane v23, v18;
	v25 =	vld.idx.msk [tilespmem:v25+s2+$0x0], $0xffff;
	[tilespmem:s6+$0xD480] =	vst v52  }
0x1ae: {  	v57 =	vadd.s32 v1, v55;
	v58 =	vperm.xlane v22, v18;
	[tilespmem:s31+$0xD76A] =	vst v53;
	v27 =	vld.idx.msk [tilespmem:v27+s2+$0x0], $0xffff  }
0x1af: {  	v59 =	vadd.s32 v1, v56;
	v60 =	vperm.xlane v21, v18;
	v29 =	vld.idx.msk [tilespmem:v29+s2+$0x0], $0xffff;
	[tilespmem:s29+$0xD72A] =	vst v54  }
0x1b0: {  	v61 =	vadd.s32 v1, v58;
	v31 =	vld.idx.msk [tilespmem:v31+s2+$0x0], $0xffff  }
0x1b1: {  	v62 =	vadd.s32 v1, v60  }
0x1b2: {  	[tilespmem:s25+$0xD72C] =	vst v25;
	s3 =	sor.u32 $0x4C, s3  }
0x1b3: {  	v25 =	vld.idx.msk [tilespmem:v57+s2+$0x0], $0xffff;
	[tilespmem:s3+$0xD480] =	vst v27  }
0x1b4: {  	v63 =	vadd.s32 v2, v55;
	[tilespmem:s31+$0xD76C] =	vst v29;
	v36 =	vld.idx.msk [tilespmem:v59+s2+$0x0], $0xffff  }
0x1b5: {  	v37 =	vadd.s32 v2, v56;
	v38 =	vld.idx.msk [tilespmem:v61+s2+$0x0], $0xffff;
	[tilespmem:s29+$0xD72C] =	vst v31  }
0x1b6: {  	v39 =	vadd.s32 v2, v58;
	v40 =	vld.idx.msk [tilespmem:v62+s2+$0x0], $0xffff  }
0x1b7: {  	v41 =	vadd.s32 v2, v60  }
0x1b8: {  	[tilespmem:s25+$0xD73C] =	vst v25  }
0x1b9: {  	v25 =	vld.idx.msk [tilespmem:v63+s2+$0x0], $0xffff;
	[tilespmem:s28+$0xD73C] =	vst v36  }
0x1ba: {  	v42 =	vadd.s32 v3, v55;
	[tilespmem:s26+$0xD73C] =	vst v38;
	v29 =	vld.idx.msk [tilespmem:v37+s2+$0x0], $0xffff  }
0x1bb: {  	v43 =	vadd.s32 v3, v56;
	v31 =	vld.idx.msk [tilespmem:v39+s2+$0x0], $0xffff;
	[tilespmem:s29+$0xD73C] =	vst v40  }
0x1bc: {  	v44 =	vadd.s32 v3, v58;
	v34 =	vld.idx.msk [tilespmem:v41+s2+$0x0], $0xffff  }
0x1bd: {  	v45 =	vadd.s32 v3, v60;
	s3 =	sadd.s32 $0x2C0, s28  }
0x1be: {  	[tilespmem:s25+$0xD74C] =	vst v25;
	s6 =	sor.u32 $0x6C, s3  }
0x1bf: {  	v25 =	vld.idx.msk [tilespmem:v42+s2+$0x0], $0xffff;
	[tilespmem:s6+$0xD480] =	vst v29  }
0x1c0: {  	v24 =	vadd.s32 v4, v55;
	[tilespmem:s26+$0xD74C] =	vst v31;
	v46 =	vld.idx.msk [tilespmem:v43+s2+$0x0], $0xffff  }
0x1c1: {  	v26 =	vadd.s32 v4, v56;
	v47 =	vld.idx.msk [tilespmem:v44+s2+$0x0], $0xffff;
	[tilespmem:s10+$0xD740] =	vst v34  }
0x1c2: {  	v28 =	vadd.s32 v4, v58;
	v48 =	vld.idx.msk [tilespmem:v45+s2+$0x0], $0xffff  }
0x1c3: {  	v30 =	vadd.s32 v4, v60  }
0x1c4: {  	v20 =	vperm.xlane v20, v19;
	[tilespmem:s25+$0xD75C] =	vst v25;
	s10 =	sor.u32 $0x7C, s3  }
0x1c5: {  	v23 =	vperm.xlane v23, v19;
	v24 =	vld.idx.msk [tilespmem:v24+s2+$0x0], $0xffff;
	[tilespmem:s10+$0xD480] =	vst v46  }
0x1c6: {  	v22 =	vperm.xlane v22, v19;
	v49 =	vadd.s32 v1, v20;
	s6 =	sor.u32 $0x3C, s29;
	[tilespmem:s26+$0xD75C] =	vst v47;
	v26 =	vld.idx.msk [tilespmem:v26+s2+$0x0], $0xffff  }
0x1c7: {  	v21 =	vperm.xlane v21, v19;
	v50 =	vadd.s32 v1, v23;
	v28 =	vld.idx.msk [tilespmem:v28+s2+$0x0], $0xffff;
	[tilespmem:s6+$0xD740] =	vst v48  }
0x1c8: {  	v51 =	vadd.s32 v1, v22;
	v30 =	vld.idx.msk [tilespmem:v30+s2+$0x0], $0xffff  }
0x1c9: {  	v52 =	vadd.s32 v1, v21  }
0x1ca: {  	[tilespmem:s25+$0xD75E] =	vst v24;
	s3 =	sor.u32 $0x7E, s3  }
0x1cb: {  	v24 =	vld.idx.msk [tilespmem:v49+s2+$0x0], $0xffff;
	[tilespmem:s3+$0xD480] =	vst v26  }
0x1cc: {  	v53 =	vadd.s32 v2, v20;
	s10 =	sor.u32 $0x3E, s29;
	[tilespmem:s26+$0xD75E] =	vst v28;
	v26 =	vld.idx.msk [tilespmem:v50+s2+$0x0], $0xffff  }
0x1cd: {  	v54 =	vadd.s32 v2, v23;
	v28 =	vld.idx.msk [tilespmem:v51+s2+$0x0], $0xffff;
	[tilespmem:s10+$0xD740] =	vst v30  }
0x1ce: {  	v55 =	vadd.s32 v2, v22;
	v30 =	vld.idx.msk [tilespmem:v52+s2+$0x0], $0xffff  }
0x1cf: {  	v56 =	vadd.s32 v2, v21  }
0x1d0: {  	[tilespmem:s25+$0xD76E] =	vst v24  }
0x1d1: {  	v24 =	vld.idx.msk [tilespmem:v53+s2+$0x0], $0xffff;
	[tilespmem:s28+$0xD76E] =	vst v26  }
0x1d2: {  	v57 =	vadd.s32 v3, v20;
	[tilespmem:s26+$0xD76E] =	vst v28;
	v26 =	vld.idx.msk [tilespmem:v54+s2+$0x0], $0xffff  }
0x1d3: {  	v58 =	vadd.s32 v3, v23;
	v28 =	vld.idx.msk [tilespmem:v55+s2+$0x0], $0xffff;
	[tilespmem:s29+$0xD76E] =	vst v30  }
0x1d4: {  	v59 =	vadd.s32 v3, v22;
	v30 =	vld.idx.msk [tilespmem:v56+s2+$0x0], $0xffff  }
0x1d5: {  	v60 =	vadd.s32 v3, v21  }
0x1d6: {  	[tilespmem:s25+$0xD77E] =	vst v24  }
0x1d7: {  	v24 =	vld.idx.msk [tilespmem:v57+s2+$0x0], $0xffff;
	s29 =	sadd.s32 $0x2E0, s29;
	[tilespmem:s28+$0xD77E] =	vst v26  }
0x1d8: {  	v20 =	vadd.s32 v4, v20;
	s3 =	sor.u32 $0x5E, s29;
	[tilespmem:s26+$0xD77E] =	vst v28;
	v61 =	vld.idx.msk [tilespmem:v58+s2+$0x0], $0xffff  }
0x1d9: {  	v23 =	vadd.s32 v4, v23;
	v62 =	vld.idx.msk [tilespmem:v59+s2+$0x0], $0xffff;
	[tilespmem:s3+$0xD480] =	vst v30  }
0x1da: {  	v22 =	vadd.s32 v4, v22;
	v63 =	vld.idx.msk [tilespmem:v60+s2+$0x0], $0xffff  }
0x1db: {  	v21 =	vadd.s32 v4, v21  }
0x1dc: {  	[tilespmem:s25+$0xD78E] =	vst v24  }
0x1dd: {  	v20 =	vld.idx.msk [tilespmem:v20+s2+$0x0], $0xffff;
	[tilespmem:s30+$0xD7AE] =	vst v61  }
0x1de: {  	[tilespmem:s31+$0xD7CE] =	vst v62;
	v23 =	vld.idx.msk [tilespmem:v23+s2+$0x0], $0xffff  }
0x1df: {  	v22 =	vld.idx.msk [tilespmem:v22+s2+$0x0], $0xffff;
	[tilespmem:s0+$0xD7EE] =	vst v63  }
0x1e0: {  	p1 =	slt.u32 s24, $0x18;
	v21 =	vld.idx.msk [tilespmem:v21+s2+$0x0], $0xffff  }
.Ltmp0:
0x1e1: {  	_ = 	snop;
	(pc) =	sbr.rel @p1 .LBB2_3-.Ltmp0, $4  }
0x1e2: {  	[tilespmem:s25+$0xD790] =	vst v20  }
0x1e3: {  	[tilespmem:s30+$0xD7B0] =	vst v23  }
0x1e4: {  	[tilespmem:s31+$0xD7D0] =	vst v22;
	s31 =	sadd.s32 $0x4, s24  }
0x1e5: {  	s24 =	smov.u32 s31;
	[tilespmem:s0+$0xD7F0] =	vst v21  }
0x1e6: {  	s23 =	smul.u32 $0x2BC00, s23;
	_ =	sdelay $0x1  }
0x1e7: {  	s0 =	sor.u32 s21, s23  }
0x1e8: {  	s21 =	sor.u32 $0x80, s21;
	s0 =	sshrl.u32 s0, $0x3  }
0x1e9: {  	s31 =	sor.u32 s21, s22;
	s0 =	sadd.s32 s1, s0  }
0x1ea: {  	[hbm4b:s0+s11] =	stream.strided.scatter [tilespmem:s14], [sflag:$0x1], $0x5780, s12, s11, $0x38;
	[tilespmem:$0x18380] =	vst v63  }
0x1eb: {  	s0 =	sshrl.u32 s31, $0x3  }
0x1ec: {  	s0 =	sadd.s32 s4, s0  }
0x1ed: {  	[tilespmem:s15], [sflag:$0x3] =	stream.strided.gather [hbm4b:s0+s11], $0x200, s12, s11, $0x38;
	[tilespmem:$0x18380] =	vst v63  }
0x1ee: {  	_ =	swait.ge [sflag:s9], $0x200  }
0x1ef: {  	[sflag:s9] =	ssyncset.done $0x0  }
0x1f0: {  	s0 =	simm.s32 @!p0 $0x2;
	[sflag:s9] =	ssyncadd.s32 $0xFFFFFE00  }
0x1f1: {  	_ =	swait.ge @!p0 [sflag:s0], $0x5780  }
0x1f2: {  	[sflag:s0] =	ssyncset.done @!p0 $0x0  }
0x1f3: {  	s22 =	simm.s32 $0x0;
	[sflag:s0] =	ssyncadd.s32 @!p0 $0xFFFFA880  }
.LBB2_5:
0x1f4: {  	s0 =	smul.u32 $0x25, s22;
	_ =	sdelay $0x1  }
0x1f5: {  	s0 =	sshrl.u32 s0, $0x8  }
0x1f6: {  	s3 =	ssub.s32 s22, s0  }
0x1f7: {  	s3 =	sand.u32 $0xFE, s3  }
0x1f8: {  	s3 =	sshrl.u32 s3, $0x1  }
0x1f9: {  	s0 =	sadd.s32 s0, s3  }
0x1fa: {  	s0 =	sand.u32 $0xFC, s0  }
0x1fb: {  	s0 =	sshrl.u32 s0, $0x2  }
0x1fc: {  	s0 =	smul.u32 $0x7, s0;
	_ =	sdelay $0x1  }
0x1fd: {  	s25 =	sshll.u32 s22, $0x4;
	s0 =	ssub.s32 s22, s0  }
0x1fe: {  	s3 =	sand.u32 $0x3FFFFFF0, s25;
	s0 =	sand.u32 $0xFF, s0  }
0x1ff: {  	v20 =	vld [tilespmem:s3+$0xD280];
	s0 =	sshll.u32 s0, $0x4  }
0x200: {  	v21 =	vld [tilespmem:s0+$0xD000];
	_ =	sdelay $0x4  }
0x201: {  	v20 =	vadd.s32 v20, v21  }
0x202: {  	v20 =	vmul.u32 $0x32, v20;
	_ =	sdelay $0x1  }
0x203: {  	v36 =	vperm.xlane v20, v0;
	_ =	sdelay $0x1  }
0x204: {  	v22 =	vadd.s32 v1, v36;
	_ =	sdelay $0x4  }
0x205: {  	v22 =	vld.idx.msk [tilespmem:v22+s2+$0x0], $0xffff  }
0x206: {  	v23 =	vadd.s32 v2, v36  }
0x207: {  	s26 =	smul.u32 $0xC80, s22;
	_ =	sdelay $0x1  }
0x208: {  	s24 =	sshra.s32 s26, $0x2  }
0x209: {  	[tilespmem:s24+$0x12C00] =	vst v22  }
0x20a: {  	v22 =	vld.idx.msk [tilespmem:v23+s2+$0x0], $0xffff  }
0x20b: {  	v37 =	vadd.s32 v3, v36;
	_ =	sdelay $0x3  }
0x20c: {  	[tilespmem:s24+$0x12C10] =	vst v22  }
0x20d: {  	v22 =	vld.idx.msk [tilespmem:v37+s2+$0x0], $0xffff  }
0x20e: {  	v21 =	vadd.s32 v4, v36;
	_ =	sdelay $0x3  }
0x20f: {  	v38 =	vperm.xlane v20, v5;
	[tilespmem:s24+$0x12C20] =	vst v22  }
0x210: {  	v21 =	vld.idx.msk [tilespmem:v21+s2+$0x0], $0xffff  }
0x211: {  	v39 =	vadd.s32 v1, v38;
	_ =	sdelay $0x3  }
0x212: {  	[tilespmem:s24+$0x12C22] =	vst v21  }
0x213: {  	v21 =	vld.idx.msk [tilespmem:v39+s2+$0x0], $0xffff  }
0x214: {  	v40 =	vadd.s32 v2, v38;
	_ =	sdelay $0x3  }
0x215: {  	[tilespmem:s24+$0x12C32] =	vst v21  }
0x216: {  	v21 =	vld.idx.msk [tilespmem:v40+s2+$0x0], $0xffff  }
0x217: {  	v41 =	vadd.s32 v3, v38;
	_ =	sdelay $0x3  }
0x218: {  	[tilespmem:s24+$0x12C42] =	vst v21  }
0x219: {  	v21 =	vld.idx.msk [tilespmem:v41+s2+$0x0], $0xffff  }
0x21a: {  	v22 =	vadd.s32 v4, v38;
	_ =	sdelay $0x3  }
0x21b: {  	s0 =	sor.u32 $0x1, s22;
	v24 =	vperm.xlane v20, v6;
	[tilespmem:s24+$0x12C52] =	vst v21  }
0x21c: {  	s28 =	smul.u32 $0x25, s0;
	v21 =	vld.idx.msk [tilespmem:v22+s2+$0x0], $0xffff  }
0x21d: {  	s3 =	sor.u32 $0x2, s22;
	v42 =	vadd.s32 v1, v24  }
0x21e: {  	s10 =	sor.u32 $0x3, s22;
	s25 =	smul.u32 $0x25, s3;
	s5 =	sshrl.u32 s28, $0x8  }
0x21f: {  	s26 =	smul.u32 $0x25, s10;
	s6 =	ssub.s32 s0, s5  }
0x220: {  	s25 =	sshrl.u32 s25, $0x8;
	s6 =	sand.u32 $0xFE, s6  }
0x221: {  	s26 =	sshrl.u32 s26, $0x8;
	s29 =	ssub.s32 s3, s25;
	s6 =	sshrl.u32 s6, $0x1;
	[tilespmem:s24+$0x12C54] =	vst v21  }
0x222: {  	s31 =	sshll.u32 s0, $0x4;
	s5 =	sadd.s32 s5, s6;
	s6 =	sand.u32 $0xFE, s29;
	v21 =	vld.idx.msk [tilespmem:v42+s2+$0x0], $0xffff  }
0x223: {  	s28 =	ssub.s32 s10, s26;
	s5 =	sand.u32 $0xFC, s5;
	s6 =	sshrl.u32 s6, $0x1;
	v43 =	vadd.s32 v2, v24  }
0x224: {  	s30 =	sand.u32 $0xFE, s28;
	s5 =	sshrl.u32 s5, $0x2;
	s6 =	sadd.s32 s25, s6  }
0x225: {  	s25 =	sshrl.u32 s30, $0x1;
	s5 =	smul.u32 $0x7, s5;
	s6 =	sand.u32 $0xFC, s6  }
0x226: {  	s29 =	sand.u32 $0x3FFFFFF0, s31;
	s25 =	sadd.s32 s26, s25;
	s6 =	sshrl.u32 s6, $0x2  }
0x227: {  	s25 =	sand.u32 $0xFC, s25;
	s5 =	ssub.s32 s0, s5;
	s6 =	smul.u32 $0x7, s6;
	[tilespmem:s24+$0x12C64] =	vst v21  }
0x228: {  	s30 =	sshll.u32 s3, $0x4;
	s25 =	sshrl.u32 s25, $0x2;
	s5 =	sand.u32 $0xFF, s5;
	v25 =	vld.idx.msk [tilespmem:v43+s2+$0x0], $0xffff  }
0x229: {  	s25 =	smul.u32 $0x7, s25;
	s5 =	sshll.u32 s5, $0x4;
	s6 =	ssub.s32 s3, s6;
	v44 =	vld [tilespmem:s29+$0xD280]  }
0x22a: {  	s31 =	sand.u32 $0x3FFFFFF0, s30;
	s6 =	sand.u32 $0xFF, s6;
	v22 =	vld [tilespmem:s5+$0xD000]  }
0x22b: {  	s28 =	sshll.u32 s10, $0x4;
	s25 =	ssub.s32 s10, s25;
	s26 =	sshll.u32 s6, $0x4;
	v26 =	vld [tilespmem:s31+$0xD280]  }
0x22c: {  	s30 =	sand.u32 $0xFF, s25;
	v27 =	vld [tilespmem:s26+$0xD000];
	s29 =	sand.u32 $0x3FFFFFF0, s28  }
0x22d: {  	s31 =	sshll.u32 s30, $0x4;
	v28 =	vld [tilespmem:s29+$0xD280]  }
0x22e: {  	v29 =	vld [tilespmem:s31+$0xD000];
	_ =	sdelay $0x2  }
0x22f: {  	v21 =	vadd.s32 v44, v22  }
0x230: {  	v45 =	vadd.s32 v26, v27;
	v23 =	vmul.u32 $0x32, v21  }
0x231: {  	v22 =	vmul.u32 $0x32, v45;
	v46 =	vadd.s32 v28, v29  }
0x232: {  	v21 =	vmul.u32 $0x32, v46;
	v47 =	vperm.xlane v23, v0  }
0x233: {  	v48 =	vperm.xlane v22, v0  }
0x234: {  	v50 =	vperm.xlane v21, v0;
	v49 =	vadd.s32 v1, v47  }
0x235: {  	v30 =	vadd.s32 v1, v48  }
0x236: {  	v31 =	vadd.s32 v1, v50;
	_ =	sdelay $0x2  }
0x237: {  	v28 =	vld.idx.msk [tilespmem:v49+s2+$0x0], $0xffff  }
0x238: {  	v32 =	vadd.s32 v2, v47;
	v30 =	vld.idx.msk [tilespmem:v30+s2+$0x0], $0xffff  }
0x239: {  	v33 =	vadd.s32 v2, v48;
	v31 =	vld.idx.msk [tilespmem:v31+s2+$0x0], $0xffff  }
0x23a: {  	s26 =	smul.u32 $0x320, s0;
	v34 =	vadd.s32 v2, v50  }
0x23b: {  	s25 =	smul.u32 $0x320, s3  }
0x23c: {  	s28 =	smul.u32 $0x320, s10;
	[tilespmem:s26+$0x12C00] =	vst v28  }
0x23d: {  	[tilespmem:s25+$0x12C00] =	vst v30;
	v28 =	vld.idx.msk [tilespmem:v32+s2+$0x0], $0xffff  }
0x23e: {  	v51 =	vadd.s32 v3, v47;
	v52 =	vld.idx.msk [tilespmem:v33+s2+$0x0], $0xffff;
	[tilespmem:s28+$0x12C00] =	vst v31  }
0x23f: {  	v53 =	vadd.s32 v3, v48;
	v54 =	vld.idx.msk [tilespmem:v34+s2+$0x0], $0xffff  }
0x240: {  	v55 =	vadd.s32 v3, v50  }
0x241: {  	s0 =	sor.u32 $0x30, s26  }
0x242: {  	s5 =	sor.u32 $0x50, s25;
	[tilespmem:s0+$0x12C00] =	vst v28  }
0x243: {  	s6 =	sor.u32 $0x70, s28;
	[tilespmem:s5+$0x12C00] =	vst v52;
	v28 =	vld.idx.msk [tilespmem:v51+s2+$0x0], $0xffff  }
0x244: {  	v26 =	vadd.s32 v4, v47;
	v56 =	vld.idx.msk [tilespmem:v53+s2+$0x0], $0xffff;
	[tilespmem:s6+$0x12C00] =	vst v54  }
0x245: {  	v27 =	vadd.s32 v4, v48;
	v57 =	vld.idx.msk [tilespmem:v55+s2+$0x0], $0xffff  }
0x246: {  	v29 =	vadd.s32 v4, v50;
	_ =	sdelay $0x1  }
0x247: {  	s10 =	sor.u32 $0x60, s25;
	v58 =	vperm.xlane v23, v5;
	[tilespmem:s26+$0x12C20] =	vst v28  }
0x248: {  	v59 =	vperm.xlane v22, v5;
	[tilespmem:s10+$0x12C00] =	vst v56;
	v26 =	vld.idx.msk [tilespmem:v26+s2+$0x0], $0xffff  }
0x249: {  	v61 =	vperm.xlane v21, v5;
	v60 =	vadd.s32 v1, v58;
	v27 =	vld.idx.msk [tilespmem:v27+s2+$0x0], $0xffff;
	[tilespmem:s28+$0x12C20] =	vst v57  }
0x24a: {  	v62 =	vadd.s32 v1, v59;
	v29 =	vld.idx.msk [tilespmem:v29+s2+$0x0], $0xffff  }
0x24b: {  	s29 =	sadd.s32 $0x20, s26;
	v63 =	vadd.s32 v1, v61  }
0x24c: {  	s0 =	sor.u32 $0x42, s29  }
0x24d: {  	s30 =	sor.u32 $0x62, s25;
	[tilespmem:s0+$0x12C00] =	vst v26  }
0x24e: {  	[tilespmem:s30+$0x12C00] =	vst v27;
	v26 =	vld.idx.msk [tilespmem:v60+s2+$0x0], $0xffff  }
0x24f: {  	v36 =	vadd.s32 v2, v58;
	v37 =	vld.idx.msk [tilespmem:v62+s2+$0x0], $0xffff;
	[tilespmem:s28+$0x12C22] =	vst v29  }
0x250: {  	v38 =	vadd.s32 v2, v59;
	v39 =	vld.idx.msk [tilespmem:v63+s2+$0x0], $0xffff  }
0x251: {  	v40 =	vadd.s32 v2, v61;
	_ =	sdelay $0x1  }
0x252: {  	s31 =	sor.u32 $0x72, s25;
	[tilespmem:s26+$0x12C32] =	vst v26  }
0x253: {  	[tilespmem:s31+$0x12C00] =	vst v37;
	v26 =	vld.idx.msk [tilespmem:v36+s2+$0x0], $0xffff  }
0x254: {  	v41 =	vadd.s32 v3, v58;
	v29 =	vld.idx.msk [tilespmem:v38+s2+$0x0], $0xffff;
	[tilespmem:s28+$0x12C32] =	vst v39  }
0x255: {  	v42 =	vadd.s32 v3, v59;
	v33 =	vld.idx.msk [tilespmem:v40+s2+$0x0], $0xffff  }
0x256: {  	v43 =	vadd.s32 v3, v61  }
0x257: {  	s3 =	sor.u32 $0x62, s26  }
0x258: {  	[tilespmem:s3+$0x12C00] =	vst v26  }
0x259: {  	s5 =	sor.u32 $0x22, s28;
	[tilespmem:s25+$0x12C42] =	vst v29;
	v26 =	vld.idx.msk [tilespmem:v41+s2+$0x0], $0xffff  }
0x25a: {  	v44 =	vadd.s32 v4, v58;
	v45 =	vld.idx.msk [tilespmem:v42+s2+$0x0], $0xffff;
	[tilespmem:s5+$0x12C40] =	vst v33  }
0x25b: {  	v46 =	vadd.s32 v4, v59;
	v47 =	vld.idx.msk [tilespmem:v43+s2+$0x0], $0xffff  }
0x25c: {  	v31 =	vadd.s32 v4, v61  }
0x25d: {  	s6 =	sor.u32 $0x72, s26  }
0x25e: {  	v48 =	vperm.xlane v23, v6;
	[tilespmem:s6+$0x12C00] =	vst v26  }
0x25f: {  	v49 =	vperm.xlane v22, v6;
	s3 =	sor.u32 $0x32, s28;
	[tilespmem:s25+$0x12C52] =	vst v45;
	v27 =	vld.idx.msk [tilespmem:v44+s2+$0x0], $0xffff  }
0x260: {  	v50 =	vadd.s32 v1, v48;
	v51 =	vperm.xlane v21, v6;
	v29 =	vld.idx.msk [tilespmem:v46+s2+$0x0], $0xffff;
	[tilespmem:s3+$0x12C40] =	vst v47  }
0x261: {  	v52 =	vadd.s32 v1, v49;
	v31 =	vld.idx.msk [tilespmem:v31+s2+$0x0], $0xffff  }
0x262: {  	v53 =	vadd.s32 v1, v51  }
0x263: {  	s10 =	sor.u32 $0x74, s26  }
0x264: {  	[tilespmem:s10+$0x12C00] =	vst v27  }
0x265: {  	s29 =	sor.u32 $0x34, s28;
	[tilespmem:s25+$0x12C54] =	vst v29;
	v27 =	vld.idx.msk [tilespmem:v50+s2+$0x0], $0xffff  }
0x266: {  	v54 =	vadd.s32 v2, v48;
	v55 =	vld.idx.msk [tilespmem:v52+s2+$0x0], $0xffff;
	[tilespmem:s29+$0x12C40] =	vst v31  }
0x267: {  	v56 =	vadd.s32 v2, v49;
	v57 =	vld.idx.msk [tilespmem:v53+s2+$0x0], $0xffff  }
0x268: {  	v58 =	vadd.s32 v2, v51;
	_ =	sdelay $0x1  }
0x269: {  	[tilespmem:s26+$0x12C64] =	vst v27  }
0x26a: {  	v59 =	vadd.s32 v3, v24;
	[tilespmem:s25+$0x12C64] =	vst v55;
	v29 =	vld.idx.msk [tilespmem:v54+s2+$0x0], $0xffff  }
0x26b: {  	v60 =	vadd.s32 v3, v48;
	v31 =	vld.idx.msk [tilespmem:v56+s2+$0x0], $0xffff;
	[tilespmem:s28+$0x12C64] =	vst v57  }
0x26c: {  	v61 =	vadd.s32 v3, v49;
	v34 =	vld.idx.msk [tilespmem:v58+s2+$0x0], $0xffff  }
0x26d: {  	v35 =	vadd.s32 v3, v51  }
0x26e: {  	[tilespmem:s24+$0x12C74] =	vst v25  }
0x26f: {  	v25 =	vld.idx.msk [tilespmem:v59+s2+$0x0], $0xffff;
	s30 =	sadd.s32 $0x60, s28;
	[tilespmem:s26+$0x12C74] =	vst v29  }
0x270: {  	v24 =	vadd.s32 v4, v24;
	s0 =	sor.u32 $0x54, s30;
	[tilespmem:s25+$0x12C74] =	vst v31;
	v62 =	vld.idx.msk [tilespmem:v60+s2+$0x0], $0xffff  }
0x271: {  	v26 =	vadd.s32 v4, v48;
	v63 =	vld.idx.msk [tilespmem:v61+s2+$0x0], $0xffff;
	[tilespmem:s0+$0x12C00] =	vst v34  }
0x272: {  	v28 =	vadd.s32 v4, v49;
	v36 =	vld.idx.msk [tilespmem:v35+s2+$0x0], $0xffff  }
0x273: {  	v30 =	vadd.s32 v4, v51  }
0x274: {  	[tilespmem:s24+$0x12C84] =	vst v25;
	v37 =	vperm.xlane v20, v7;
	s29 =	sand.u32 $0x7F80, s26  }
0x275: {  	v24 =	vld.idx.msk [tilespmem:v24+s2+$0x0], $0xffff;
	s30 =	sand.u32 $0x7F80, s25;
	v38 =	vperm.xlane v23, v7;
	[tilespmem:s29+$0x12CA4] =	vst v62  }
0x276: {  	v39 =	vadd.s32 v1, v37;
	v40 =	vperm.xlane v22, v7;
	s0 =	sand.u32 $0x7F80, s28;
	[tilespmem:s30+$0x12CC4] =	vst v63;
	v26 =	vld.idx.msk [tilespmem:v26+s2+$0x0], $0xffff  }
0x277: {  	v41 =	vadd.s32 v1, v38;
	v42 =	vperm.xlane v21, v7;
	v28 =	vld.idx.msk [tilespmem:v28+s2+$0x0], $0xffff;
	[tilespmem:s0+$0x12CE4] =	vst v36  }
0x278: {  	v43 =	vadd.s32 v1, v40;
	v30 =	vld.idx.msk [tilespmem:v30+s2+$0x0], $0xffff  }
0x279: {  	v44 =	vadd.s32 v1, v42  }
0x27a: {  	[tilespmem:s24+$0x12C86] =	vst v24  }
0x27b: {  	v24 =	vld.idx.msk [tilespmem:v39+s2+$0x0], $0xffff;
	[tilespmem:s29+$0x12CA6] =	vst v26  }
0x27c: {  	v45 =	vadd.s32 v2, v37;
	[tilespmem:s30+$0x12CC6] =	vst v28;
	v46 =	vld.idx.msk [tilespmem:v41+s2+$0x0], $0xffff  }
0x27d: {  	v47 =	vadd.s32 v2, v38;
	v48 =	vld.idx.msk [tilespmem:v43+s2+$0x0], $0xffff;
	[tilespmem:s0+$0x12CE6] =	vst v30  }
0x27e: {  	v49 =	vadd.s32 v2, v40;
	v50 =	vld.idx.msk [tilespmem:v44+s2+$0x0], $0xffff  }
0x27f: {  	v51 =	vadd.s32 v2, v42  }
0x280: {  	[tilespmem:s24+$0x12C96] =	vst v24  }
0x281: {  	v24 =	vld.idx.msk [tilespmem:v45+s2+$0x0], $0xffff;
	[tilespmem:s26+$0x12C96] =	vst v46  }
0x282: {  	v52 =	vadd.s32 v3, v37;
	[tilespmem:s25+$0x12C96] =	vst v48;
	v28 =	vld.idx.msk [tilespmem:v47+s2+$0x0], $0xffff  }
0x283: {  	v53 =	vadd.s32 v3, v38;
	v30 =	vld.idx.msk [tilespmem:v49+s2+$0x0], $0xffff;
	[tilespmem:s28+$0x12C96] =	vst v50  }
0x284: {  	v54 =	vadd.s32 v3, v40;
	v34 =	vld.idx.msk [tilespmem:v51+s2+$0x0], $0xffff  }
0x285: {  	s5 =	sadd.s32 $0xA0, s26;
	v55 =	vadd.s32 v3, v42  }
0x286: {  	s31 =	sor.u32 $0x46, s5;
	[tilespmem:s24+$0x12CA6] =	vst v24  }
0x287: {  	v24 =	vld.idx.msk [tilespmem:v52+s2+$0x0], $0xffff;
	[tilespmem:s31+$0x12C00] =	vst v28  }
0x288: {  	v25 =	vadd.s32 v4, v37;
	[tilespmem:s30+$0x12CE6] =	vst v30;
	v56 =	vld.idx.msk [tilespmem:v53+s2+$0x0], $0xffff  }
0x289: {  	v27 =	vadd.s32 v4, v38;
	v57 =	vld.idx.msk [tilespmem:v54+s2+$0x0], $0xffff;
	[tilespmem:s28+$0x12CA6] =	vst v34  }
0x28a: {  	v29 =	vadd.s32 v4, v40;
	v58 =	vld.idx.msk [tilespmem:v55+s2+$0x0], $0xffff  }
0x28b: {  	v31 =	vadd.s32 v4, v42  }
0x28c: {  	v59 =	vperm.xlane v20, v8;
	s10 =	sor.u32 $0x56, s5;
	[tilespmem:s24+$0x12CB6] =	vst v24  }
0x28d: {  	v25 =	vld.idx.msk [tilespmem:v25+s2+$0x0], $0xffff;
	v60 =	vperm.xlane v23, v8;
	[tilespmem:s10+$0x12C00] =	vst v56  }
0x28e: {  	v61 =	vadd.s32 v1, v59;
	v62 =	vperm.xlane v22, v8;
	[tilespmem:s30+$0x12CF6] =	vst v57;
	v27 =	vld.idx.msk [tilespmem:v27+s2+$0x0], $0xffff  }
0x28f: {  	v63 =	vadd.s32 v1, v60;
	v36 =	vperm.xlane v21, v8;
	v29 =	vld.idx.msk [tilespmem:v29+s2+$0x0], $0xffff;
	[tilespmem:s28+$0x12CB6] =	vst v58  }
0x290: {  	v37 =	vadd.s32 v1, v62;
	v31 =	vld.idx.msk [tilespmem:v31+s2+$0x0], $0xffff  }
0x291: {  	v38 =	vadd.s32 v1, v36  }
0x292: {  	s5 =	sor.u32 $0x58, s5;
	[tilespmem:s24+$0x12CB8] =	vst v25  }
0x293: {  	v25 =	vld.idx.msk [tilespmem:v61+s2+$0x0], $0xffff;
	[tilespmem:s5+$0x12C00] =	vst v27  }
0x294: {  	v39 =	vadd.s32 v2, v59;
	[tilespmem:s30+$0x12CF8] =	vst v29;
	v40 =	vld.idx.msk [tilespmem:v63+s2+$0x0], $0xffff  }
0x295: {  	v41 =	vadd.s32 v2, v60;
	v42 =	vld.idx.msk [tilespmem:v37+s2+$0x0], $0xffff;
	[tilespmem:s28+$0x12CB8] =	vst v31  }
0x296: {  	v43 =	vadd.s32 v2, v62;
	v44 =	vld.idx.msk [tilespmem:v38+s2+$0x0], $0xffff  }
0x297: {  	v45 =	vadd.s32 v2, v36  }
0x298: {  	[tilespmem:s24+$0x12CC8] =	vst v25  }
0x299: {  	v25 =	vld.idx.msk [tilespmem:v39+s2+$0x0], $0xffff;
	[tilespmem:s26+$0x12CC8] =	vst v40  }
0x29a: {  	v46 =	vadd.s32 v3, v59;
	[tilespmem:s25+$0x12CC8] =	vst v42;
	v29 =	vld.idx.msk [tilespmem:v41+s2+$0x0], $0xffff  }
0x29b: {  	v47 =	vadd.s32 v3, v60;
	v31 =	vld.idx.msk [tilespmem:v43+s2+$0x0], $0xffff;
	[tilespmem:s28+$0x12CC8] =	vst v44  }
0x29c: {  	v48 =	vadd.s32 v3, v62;
	v34 =	vld.idx.msk [tilespmem:v45+s2+$0x0], $0xffff  }
0x29d: {  	v49 =	vadd.s32 v3, v36;
	s31 =	sadd.s32 $0xC0, s26  }
0x29e: {  	[tilespmem:s24+$0x12CD8] =	vst v25;
	s5 =	sor.u32 $0x78, s31  }
0x29f: {  	v25 =	vld.idx.msk [tilespmem:v46+s2+$0x0], $0xffff;
	[tilespmem:s5+$0x12C00] =	vst v29  }
0x2a0: {  	s6 =	sor.u32 $0x38, s28;
	v24 =	vadd.s32 v4, v59;
	[tilespmem:s25+$0x12CD8] =	vst v31;
	v50 =	vld.idx.msk [tilespmem:v47+s2+$0x0], $0xffff  }
0x2a1: {  	v26 =	vadd.s32 v4, v60;
	v51 =	vld.idx.msk [tilespmem:v48+s2+$0x0], $0xffff;
	[tilespmem:s6+$0x12CC0] =	vst v34  }
0x2a2: {  	v28 =	vadd.s32 v4, v62;
	v52 =	vld.idx.msk [tilespmem:v49+s2+$0x0], $0xffff  }
0x2a3: {  	v30 =	vadd.s32 v4, v36  }
0x2a4: {  	v53 =	vperm.xlane v20, v9;
	[tilespmem:s24+$0x12CE8] =	vst v25  }
0x2a5: {  	v54 =	vperm.xlane v23, v9;
	v24 =	vld.idx.msk [tilespmem:v24+s2+$0x0], $0xffff;
	s10 =	sadd.s32 $0xE0, s28;
	[tilespmem:s26+$0x12CE8] =	vst v50  }
0x2a6: {  	v55 =	vadd.s32 v1, v53;
	v56 =	vperm.xlane v22, v9;
	s31 =	sor.u32 $0x48, s10;
	[tilespmem:s25+$0x12CE8] =	vst v51;
	v26 =	vld.idx.msk [tilespmem:v26+s2+$0x0], $0xffff  }
0x2a7: {  	v57 =	vadd.s32 v1, v54;
	v58 =	vperm.xlane v21, v9;
	v28 =	vld.idx.msk [tilespmem:v28+s2+$0x0], $0xffff;
	[tilespmem:s31+$0x12C00] =	vst v52  }
0x2a8: {  	v59 =	vadd.s32 v1, v56;
	v30 =	vld.idx.msk [tilespmem:v30+s2+$0x0], $0xffff  }
0x2a9: {  	v60 =	vadd.s32 v1, v58  }
0x2aa: {  	[tilespmem:s24+$0x12CEA] =	vst v24  }
0x2ab: {  	v24 =	vld.idx.msk [tilespmem:v55+s2+$0x0], $0xffff;
	[tilespmem:s26+$0x12CEA] =	vst v26  }
0x2ac: {  	v61 =	vadd.s32 v2, v53;
	s5 =	sor.u32 $0x4A, s10;
	[tilespmem:s25+$0x12CEA] =	vst v28;
	v62 =	vld.idx.msk [tilespmem:v57+s2+$0x0], $0xffff  }
0x2ad: {  	v63 =	vadd.s32 v2, v54;
	v36 =	vld.idx.msk [tilespmem:v59+s2+$0x0], $0xffff;
	[tilespmem:s5+$0x12C00] =	vst v30  }
0x2ae: {  	v37 =	vadd.s32 v2, v56;
	v38 =	vld.idx.msk [tilespmem:v60+s2+$0x0], $0xffff  }
0x2af: {  	v39 =	vadd.s32 v2, v58  }
0x2b0: {  	[tilespmem:s24+$0x12CFA] =	vst v24  }
0x2b1: {  	v24 =	vld.idx.msk [tilespmem:v61+s2+$0x0], $0xffff;
	[tilespmem:s26+$0x12CFA] =	vst v62  }
0x2b2: {  	v40 =	vadd.s32 v3, v53;
	[tilespmem:s25+$0x12CFA] =	vst v36;
	v28 =	vld.idx.msk [tilespmem:v63+s2+$0x0], $0xffff  }
0x2b3: {  	v41 =	vadd.s32 v3, v54;
	v30 =	vld.idx.msk [tilespmem:v37+s2+$0x0], $0xffff;
	[tilespmem:s28+$0x12CFA] =	vst v38  }
0x2b4: {  	v42 =	vadd.s32 v3, v56;
	v34 =	vld.idx.msk [tilespmem:v39+s2+$0x0], $0xffff  }
0x2b5: {  	v43 =	vadd.s32 v3, v58  }
0x2b6: {  	[tilespmem:s24+$0x12D0A] =	vst v24  }
0x2b7: {  	v24 =	vld.idx.msk [tilespmem:v40+s2+$0x0], $0xffff;
	[tilespmem:s29+$0x12D2A] =	vst v28  }
0x2b8: {  	v25 =	vadd.s32 v4, v53;
	[tilespmem:s30+$0x12D4A] =	vst v30;
	v44 =	vld.idx.msk [tilespmem:v41+s2+$0x0], $0xffff  }
0x2b9: {  	v27 =	vadd.s32 v4, v54;
	v45 =	vld.idx.msk [tilespmem:v42+s2+$0x0], $0xffff;
	[tilespmem:s0+$0x12D6A] =	vst v34  }
0x2ba: {  	v29 =	vadd.s32 v4, v56;
	v46 =	vld.idx.msk [tilespmem:v43+s2+$0x0], $0xffff  }
0x2bb: {  	v31 =	vadd.s32 v4, v58  }
0x2bc: {  	v47 =	vperm.xlane v20, v10;
	[tilespmem:s24+$0x12D1A] =	vst v24  }
0x2bd: {  	v48 =	vperm.xlane v23, v10;
	v25 =	vld.idx.msk [tilespmem:v25+s2+$0x0], $0xffff;
	[tilespmem:s29+$0x12D3A] =	vst v44  }
0x2be: {  	v49 =	vadd.s32 v1, v47;
	v50 =	vperm.xlane v22, v10;
	[tilespmem:s30+$0x12D5A] =	vst v45;
	v27 =	vld.idx.msk [tilespmem:v27+s2+$0x0], $0xffff  }
0x2bf: {  	v51 =	vadd.s32 v1, v48;
	v52 =	vperm.xlane v21, v10;
	v29 =	vld.idx.msk [tilespmem:v29+s2+$0x0], $0xffff;
	[tilespmem:s0+$0x12D7A] =	vst v46  }
0x2c0: {  	v53 =	vadd.s32 v1, v50;
	v31 =	vld.idx.msk [tilespmem:v31+s2+$0x0], $0xffff  }
0x2c1: {  	v54 =	vadd.s32 v1, v52  }
0x2c2: {  	[tilespmem:s24+$0x12D1C] =	vst v25  }
0x2c3: {  	v25 =	vld.idx.msk [tilespmem:v49+s2+$0x0], $0xffff;
	[tilespmem:s29+$0x12D3C] =	vst v27  }
0x2c4: {  	v55 =	vadd.s32 v2, v47;
	[tilespmem:s30+$0x12D5C] =	vst v29;
	v56 =	vld.idx.msk [tilespmem:v51+s2+$0x0], $0xffff  }
0x2c5: {  	v57 =	vadd.s32 v2, v48;
	v58 =	vld.idx.msk [tilespmem:v53+s2+$0x0], $0xffff;
	[tilespmem:s0+$0x12D7C] =	vst v31  }
0x2c6: {  	v59 =	vadd.s32 v2, v50;
	v60 =	vld.idx.msk [tilespmem:v54+s2+$0x0], $0xffff  }
0x2c7: {  	v61 =	vadd.s32 v2, v52  }
0x2c8: {  	[tilespmem:s24+$0x12D2C] =	vst v25  }
0x2c9: {  	v25 =	vld.idx.msk [tilespmem:v55+s2+$0x0], $0xffff;
	[tilespmem:s26+$0x12D2C] =	vst v56  }
0x2ca: {  	v62 =	vadd.s32 v3, v47;
	[tilespmem:s25+$0x12D2C] =	vst v58;
	v29 =	vld.idx.msk [tilespmem:v57+s2+$0x0], $0xffff  }
0x2cb: {  	v63 =	vadd.s32 v3, v48;
	v31 =	vld.idx.msk [tilespmem:v59+s2+$0x0], $0xffff;
	[tilespmem:s28+$0x12D2C] =	vst v60  }
0x2cc: {  	v36 =	vadd.s32 v3, v50;
	v34 =	vld.idx.msk [tilespmem:v61+s2+$0x0], $0xffff  }
0x2cd: {  	s10 =	sadd.s32 $0x120, s26;
	v37 =	vadd.s32 v3, v52  }
0x2ce: {  	s5 =	sor.u32 $0x5C, s10;
	[tilespmem:s24+$0x12D3C] =	vst v25  }
0x2cf: {  	v25 =	vld.idx.msk [tilespmem:v62+s2+$0x0], $0xffff;
	[tilespmem:s5+$0x12C00] =	vst v29  }
0x2d0: {  	v24 =	vadd.s32 v4, v47;
	[tilespmem:s30+$0x12D7C] =	vst v31;
	v38 =	vld.idx.msk [tilespmem:v63+s2+$0x0], $0xffff  }
0x2d1: {  	v26 =	vadd.s32 v4, v48;
	v39 =	vld.idx.msk [tilespmem:v36+s2+$0x0], $0xffff;
	[tilespmem:s28+$0x12D3C] =	vst v34  }
0x2d2: {  	v28 =	vadd.s32 v4, v50;
	v40 =	vld.idx.msk [tilespmem:v37+s2+$0x0], $0xffff  }
0x2d3: {  	v30 =	vadd.s32 v4, v52;
	s5 =	sadd.s32 $0x140, s26  }
0x2d4: {  	v41 =	vperm.xlane v20, v11;
	[tilespmem:s24+$0x12D4C] =	vst v25;
	s31 =	sor.u32 $0x6C, s5  }
0x2d5: {  	v42 =	vperm.xlane v23, v11;
	v24 =	vld.idx.msk [tilespmem:v24+s2+$0x0], $0xffff;
	[tilespmem:s31+$0x12C00] =	vst v38  }
0x2d6: {  	s10 =	sor.u32 $0x2C, s28;
	v43 =	vadd.s32 v1, v41;
	v44 =	vperm.xlane v22, v11;
	[tilespmem:s25+$0x12D4C] =	vst v39;
	v26 =	vld.idx.msk [tilespmem:v26+s2+$0x0], $0xffff  }
0x2d7: {  	v45 =	vadd.s32 v1, v42;
	v46 =	vperm.xlane v21, v11;
	v28 =	vld.idx.msk [tilespmem:v28+s2+$0x0], $0xffff;
	[tilespmem:s10+$0x12D40] =	vst v40  }
0x2d8: {  	v47 =	vadd.s32 v1, v44;
	v30 =	vld.idx.msk [tilespmem:v30+s2+$0x0], $0xffff  }
0x2d9: {  	v48 =	vadd.s32 v1, v46  }
0x2da: {  	[tilespmem:s24+$0x12D4E] =	vst v24;
	s5 =	sor.u32 $0x6E, s5  }
0x2db: {  	v24 =	vld.idx.msk [tilespmem:v43+s2+$0x0], $0xffff;
	[tilespmem:s5+$0x12C00] =	vst v26  }
0x2dc: {  	s6 =	sor.u32 $0x2E, s28;
	v49 =	vadd.s32 v2, v41;
	[tilespmem:s25+$0x12D4E] =	vst v28;
	v50 =	vld.idx.msk [tilespmem:v45+s2+$0x0], $0xffff  }
0x2dd: {  	v51 =	vadd.s32 v2, v42;
	v52 =	vld.idx.msk [tilespmem:v47+s2+$0x0], $0xffff;
	[tilespmem:s6+$0x12D40] =	vst v30  }
0x2de: {  	v53 =	vadd.s32 v2, v44;
	v54 =	vld.idx.msk [tilespmem:v48+s2+$0x0], $0xffff  }
0x2df: {  	v55 =	vadd.s32 v2, v46  }
0x2e0: {  	[tilespmem:s24+$0x12D5E] =	vst v24  }
0x2e1: {  	v24 =	vld.idx.msk [tilespmem:v49+s2+$0x0], $0xffff;
	[tilespmem:s26+$0x12D5E] =	vst v50  }
0x2e2: {  	v56 =	vadd.s32 v3, v41;
	[tilespmem:s25+$0x12D5E] =	vst v52;
	v28 =	vld.idx.msk [tilespmem:v51+s2+$0x0], $0xffff  }
0x2e3: {  	v57 =	vadd.s32 v3, v42;
	v30 =	vld.idx.msk [tilespmem:v53+s2+$0x0], $0xffff;
	[tilespmem:s28+$0x12D5E] =	vst v54  }
0x2e4: {  	v58 =	vadd.s32 v3, v44;
	v34 =	vld.idx.msk [tilespmem:v55+s2+$0x0], $0xffff  }
0x2e5: {  	v59 =	vadd.s32 v3, v46  }
0x2e6: {  	[tilespmem:s24+$0x12D6E] =	vst v24  }
0x2e7: {  	v24 =	vld.idx.msk [tilespmem:v56+s2+$0x0], $0xffff;
	s5 =	sadd.s32 $0x160, s28;
	[tilespmem:s26+$0x12D6E] =	vst v28  }
0x2e8: {  	v25 =	vadd.s32 v4, v41;
	s31 =	sor.u32 $0x4E, s5;
	[tilespmem:s25+$0x12D6E] =	vst v30;
	v60 =	vld.idx.msk [tilespmem:v57+s2+$0x0], $0xffff  }
0x2e9: {  	v27 =	vadd.s32 v4, v42;
	v61 =	vld.idx.msk [tilespmem:v58+s2+$0x0], $0xffff;
	[tilespmem:s31+$0x12C00] =	vst v34  }
0x2ea: {  	v29 =	vadd.s32 v4, v44;
	v62 =	vld.idx.msk [tilespmem:v59+s2+$0x0], $0xffff  }
0x2eb: {  	v31 =	vadd.s32 v4, v46  }
0x2ec: {  	v63 =	vperm.xlane v20, v12;
	[tilespmem:s24+$0x12D7E] =	vst v24  }
0x2ed: {  	v36 =	vperm.xlane v23, v12;
	v25 =	vld.idx.msk [tilespmem:v25+s2+$0x0], $0xffff;
	[tilespmem:s26+$0x12D7E] =	vst v60  }
0x2ee: {  	v37 =	vadd.s32 v1, v63;
	v38 =	vperm.xlane v22, v12;
	s5 =	sor.u32 $0x5E, s5;
	[tilespmem:s25+$0x12D7E] =	vst v61;
	v27 =	vld.idx.msk [tilespmem:v27+s2+$0x0], $0xffff  }
0x2ef: {  	v39 =	vadd.s32 v1, v36;
	v40 =	vperm.xlane v21, v12;
	v29 =	vld.idx.msk [tilespmem:v29+s2+$0x0], $0xffff;
	[tilespmem:s5+$0x12C00] =	vst v62  }
0x2f0: {  	v41 =	vadd.s32 v1, v38;
	v31 =	vld.idx.msk [tilespmem:v31+s2+$0x0], $0xffff  }
0x2f1: {  	v42 =	vadd.s32 v1, v40  }
0x2f2: {  	[tilespmem:s24+$0x12D80] =	vst v25  }
0x2f3: {  	v25 =	vld.idx.msk [tilespmem:v37+s2+$0x0], $0xffff;
	[tilespmem:s29+$0x12DA0] =	vst v27  }
0x2f4: {  	v43 =	vadd.s32 v2, v63;
	[tilespmem:s30+$0x12DC0] =	vst v29;
	v44 =	vld.idx.msk [tilespmem:v39+s2+$0x0], $0xffff  }
0x2f5: {  	v45 =	vadd.s32 v2, v36;
	v46 =	vld.idx.msk [tilespmem:v41+s2+$0x0], $0xffff;
	[tilespmem:s0+$0x12DE0] =	vst v31  }
0x2f6: {  	v47 =	vadd.s32 v2, v38;
	v48 =	vld.idx.msk [tilespmem:v42+s2+$0x0], $0xffff  }
0x2f7: {  	v49 =	vadd.s32 v2, v40  }
0x2f8: {  	[tilespmem:s24+$0x12D90] =	vst v25  }
0x2f9: {  	v25 =	vld.idx.msk [tilespmem:v43+s2+$0x0], $0xffff;
	[tilespmem:s26+$0x12D90] =	vst v44  }
0x2fa: {  	v50 =	vadd.s32 v3, v63;
	[tilespmem:s25+$0x12D90] =	vst v46;
	v29 =	vld.idx.msk [tilespmem:v45+s2+$0x0], $0xffff  }
0x2fb: {  	v51 =	vadd.s32 v3, v36;
	v31 =	vld.idx.msk [tilespmem:v47+s2+$0x0], $0xffff;
	[tilespmem:s28+$0x12D90] =	vst v48  }
0x2fc: {  	v52 =	vadd.s32 v3, v38;
	v34 =	vld.idx.msk [tilespmem:v49+s2+$0x0], $0xffff  }
0x2fd: {  	v53 =	vadd.s32 v3, v40  }
0x2fe: {  	[tilespmem:s24+$0x12DA0] =	vst v25  }
0x2ff: {  	v25 =	vld.idx.msk [tilespmem:v50+s2+$0x0], $0xffff;
	[tilespmem:s26+$0x12DA0] =	vst v29  }
0x300: {  	v24 =	vadd.s32 v4, v63;
	[tilespmem:s30+$0x12DE0] =	vst v31;
	v54 =	vld.idx.msk [tilespmem:v51+s2+$0x0], $0xffff  }
0x301: {  	v26 =	vadd.s32 v4, v36;
	v55 =	vld.idx.msk [tilespmem:v52+s2+$0x0], $0xffff;
	[tilespmem:s28+$0x12DA0] =	vst v34  }
0x302: {  	v28 =	vadd.s32 v4, v38;
	v56 =	vld.idx.msk [tilespmem:v53+s2+$0x0], $0xffff  }
0x303: {  	v30 =	vadd.s32 v4, v40;
	s5 =	sadd.s32 $0x1A0, s26  }
0x304: {  	v57 =	vperm.xlane v20, v13;
	[tilespmem:s24+$0x12DB0] =	vst v25;
	s31 =	sor.u32 $0x50, s5  }
0x305: {  	v58 =	vperm.xlane v23, v13;
	v24 =	vld.idx.msk [tilespmem:v24+s2+$0x0], $0xffff;
	[tilespmem:s31+$0x12C00] =	vst v54  }
0x306: {  	v59 =	vadd.s32 v1, v57;
	v60 =	vperm.xlane v22, v13;
	[tilespmem:s30+$0x12DF0] =	vst v55;
	v26 =	vld.idx.msk [tilespmem:v26+s2+$0x0], $0xffff  }
0x307: {  	v61 =	vadd.s32 v1, v58;
	v62 =	vperm.xlane v21, v13;
	v28 =	vld.idx.msk [tilespmem:v28+s2+$0x0], $0xffff;
	[tilespmem:s28+$0x12DB0] =	vst v56  }
0x308: {  	v63 =	vadd.s32 v1, v60;
	v30 =	vld.idx.msk [tilespmem:v30+s2+$0x0], $0xffff  }
0x309: {  	v36 =	vadd.s32 v1, v62  }
0x30a: {  	s5 =	sor.u32 $0x52, s5;
	[tilespmem:s24+$0x12DB2] =	vst v24  }
0x30b: {  	v24 =	vld.idx.msk [tilespmem:v59+s2+$0x0], $0xffff;
	[tilespmem:s5+$0x12C00] =	vst v26  }
0x30c: {  	v37 =	vadd.s32 v2, v57;
	[tilespmem:s30+$0x12DF2] =	vst v28;
	v38 =	vld.idx.msk [tilespmem:v61+s2+$0x0], $0xffff  }
0x30d: {  	v39 =	vadd.s32 v2, v58;
	v40 =	vld.idx.msk [tilespmem:v63+s2+$0x0], $0xffff;
	[tilespmem:s28+$0x12DB2] =	vst v30  }
0x30e: {  	v41 =	vadd.s32 v2, v60;
	v42 =	vld.idx.msk [tilespmem:v36+s2+$0x0], $0xffff  }
0x30f: {  	v43 =	vadd.s32 v2, v62  }
0x310: {  	[tilespmem:s24+$0x12DC2] =	vst v24  }
0x311: {  	v24 =	vld.idx.msk [tilespmem:v37+s2+$0x0], $0xffff;
	[tilespmem:s26+$0x12DC2] =	vst v38  }
0x312: {  	v44 =	vadd.s32 v3, v57;
	[tilespmem:s25+$0x12DC2] =	vst v40;
	v28 =	vld.idx.msk [tilespmem:v39+s2+$0x0], $0xffff  }
0x313: {  	v45 =	vadd.s32 v3, v58;
	v30 =	vld.idx.msk [tilespmem:v41+s2+$0x0], $0xffff;
	[tilespmem:s28+$0x12DC2] =	vst v42  }
0x314: {  	v46 =	vadd.s32 v3, v60;
	v34 =	vld.idx.msk [tilespmem:v43+s2+$0x0], $0xffff  }
0x315: {  	v47 =	vadd.s32 v3, v62;
	s31 =	sadd.s32 $0x1C0, s26  }
0x316: {  	[tilespmem:s24+$0x12DD2] =	vst v24;
	s5 =	sor.u32 $0x72, s31  }
0x317: {  	v24 =	vld.idx.msk [tilespmem:v44+s2+$0x0], $0xffff;
	[tilespmem:s5+$0x12C00] =	vst v28  }
0x318: {  	v25 =	vadd.s32 v4, v57;
	[tilespmem:s25+$0x12DD2] =	vst v30;
	v48 =	vld.idx.msk [tilespmem:v45+s2+$0x0], $0xffff  }
0x319: {  	v27 =	vadd.s32 v4, v58;
	v49 =	vld.idx.msk [tilespmem:v46+s2+$0x0], $0xffff;
	[tilespmem:s3+$0x12DC0] =	vst v34  }
0x31a: {  	v29 =	vadd.s32 v4, v60;
	v50 =	vld.idx.msk [tilespmem:v47+s2+$0x0], $0xffff  }
0x31b: {  	v31 =	vadd.s32 v4, v62  }
0x31c: {  	v51 =	vperm.xlane v20, v14;
	[tilespmem:s24+$0x12DE2] =	vst v24  }
0x31d: {  	s6 =	sadd.s32 $0x1E0, s28;
	v52 =	vperm.xlane v23, v14;
	v25 =	vld.idx.msk [tilespmem:v25+s2+$0x0], $0xffff;
	[tilespmem:s26+$0x12DE2] =	vst v48  }
0x31e: {  	v53 =	vadd.s32 v1, v51;
	v54 =	vperm.xlane v22, v14;
	s31 =	sor.u32 $0x42, s6;
	[tilespmem:s25+$0x12DE2] =	vst v49;
	v27 =	vld.idx.msk [tilespmem:v27+s2+$0x0], $0xffff  }
0x31f: {  	v55 =	vadd.s32 v1, v52;
	v56 =	vperm.xlane v21, v14;
	v29 =	vld.idx.msk [tilespmem:v29+s2+$0x0], $0xffff;
	[tilespmem:s31+$0x12C00] =	vst v50  }
0x320: {  	v57 =	vadd.s32 v1, v54;
	v31 =	vld.idx.msk [tilespmem:v31+s2+$0x0], $0xffff  }
0x321: {  	v58 =	vadd.s32 v1, v56  }
0x322: {  	[tilespmem:s24+$0x12DE4] =	vst v25  }
0x323: {  	v25 =	vld.idx.msk [tilespmem:v53+s2+$0x0], $0xffff;
	[tilespmem:s26+$0x12DE4] =	vst v27  }
0x324: {  	v59 =	vadd.s32 v2, v51;
	s3 =	sor.u32 $0x44, s6;
	[tilespmem:s25+$0x12DE4] =	vst v29;
	v60 =	vld.idx.msk [tilespmem:v55+s2+$0x0], $0xffff  }
0x325: {  	v61 =	vadd.s32 v2, v52;
	v62 =	vld.idx.msk [tilespmem:v57+s2+$0x0], $0xffff;
	[tilespmem:s3+$0x12C00] =	vst v31  }
0x326: {  	v63 =	vadd.s32 v2, v54;
	v36 =	vld.idx.msk [tilespmem:v58+s2+$0x0], $0xffff  }
0x327: {  	v37 =	vadd.s32 v2, v56  }
0x328: {  	[tilespmem:s24+$0x12DF4] =	vst v25  }
0x329: {  	v25 =	vld.idx.msk [tilespmem:v59+s2+$0x0], $0xffff;
	[tilespmem:s26+$0x12DF4] =	vst v60  }
0x32a: {  	v38 =	vadd.s32 v3, v51;
	[tilespmem:s25+$0x12DF4] =	vst v62;
	v29 =	vld.idx.msk [tilespmem:v61+s2+$0x0], $0xffff  }
0x32b: {  	v39 =	vadd.s32 v3, v52;
	v31 =	vld.idx.msk [tilespmem:v63+s2+$0x0], $0xffff;
	[tilespmem:s28+$0x12DF4] =	vst v36  }
0x32c: {  	v40 =	vadd.s32 v3, v54;
	v34 =	vld.idx.msk [tilespmem:v37+s2+$0x0], $0xffff  }
0x32d: {  	v41 =	vadd.s32 v3, v56  }
0x32e: {  	[tilespmem:s24+$0x12E04] =	vst v25  }
0x32f: {  	v25 =	vld.idx.msk [tilespmem:v38+s2+$0x0], $0xffff;
	[tilespmem:s29+$0x12E24] =	vst v29  }
0x330: {  	v24 =	vadd.s32 v4, v51;
	[tilespmem:s30+$0x12E44] =	vst v31;
	v42 =	vld.idx.msk [tilespmem:v39+s2+$0x0], $0xffff  }
0x331: {  	v26 =	vadd.s32 v4, v52;
	v43 =	vld.idx.msk [tilespmem:v40+s2+$0x0], $0xffff;
	[tilespmem:s0+$0x12E64] =	vst v34  }
0x332: {  	v28 =	vadd.s32 v4, v54;
	v44 =	vld.idx.msk [tilespmem:v41+s2+$0x0], $0xffff  }
0x333: {  	v30 =	vadd.s32 v4, v56  }
0x334: {  	v45 =	vperm.xlane v20, v15;
	[tilespmem:s24+$0x12E14] =	vst v25  }
0x335: {  	v46 =	vperm.xlane v23, v15;
	v24 =	vld.idx.msk [tilespmem:v24+s2+$0x0], $0xffff;
	[tilespmem:s29+$0x12E34] =	vst v42  }
0x336: {  	v47 =	vadd.s32 v1, v45;
	v48 =	vperm.xlane v22, v15;
	[tilespmem:s30+$0x12E54] =	vst v43;
	v26 =	vld.idx.msk [tilespmem:v26+s2+$0x0], $0xffff  }
0x337: {  	v49 =	vadd.s32 v1, v46;
	v50 =	vperm.xlane v21, v15;
	v28 =	vld.idx.msk [tilespmem:v28+s2+$0x0], $0xffff;
	[tilespmem:s0+$0x12E74] =	vst v44  }
0x338: {  	v51 =	vadd.s32 v1, v48;
	v30 =	vld.idx.msk [tilespmem:v30+s2+$0x0], $0xffff  }
0x339: {  	v52 =	vadd.s32 v1, v50  }
0x33a: {  	[tilespmem:s24+$0x12E16] =	vst v24  }
0x33b: {  	v24 =	vld.idx.msk [tilespmem:v47+s2+$0x0], $0xffff;
	[tilespmem:s29+$0x12E36] =	vst v26  }
0x33c: {  	v53 =	vadd.s32 v2, v45;
	[tilespmem:s30+$0x12E56] =	vst v28;
	v54 =	vld.idx.msk [tilespmem:v49+s2+$0x0], $0xffff  }
0x33d: {  	v55 =	vadd.s32 v2, v46;
	v56 =	vld.idx.msk [tilespmem:v51+s2+$0x0], $0xffff;
	[tilespmem:s0+$0x12E76] =	vst v30  }
0x33e: {  	v57 =	vadd.s32 v2, v48;
	v58 =	vld.idx.msk [tilespmem:v52+s2+$0x0], $0xffff  }
0x33f: {  	v59 =	vadd.s32 v2, v50  }
0x340: {  	[tilespmem:s24+$0x12E26] =	vst v24  }
0x341: {  	v24 =	vld.idx.msk [tilespmem:v53+s2+$0x0], $0xffff;
	[tilespmem:s26+$0x12E26] =	vst v54  }
0x342: {  	v60 =	vadd.s32 v3, v45;
	[tilespmem:s25+$0x12E26] =	vst v56;
	v28 =	vld.idx.msk [tilespmem:v55+s2+$0x0], $0xffff  }
0x343: {  	v61 =	vadd.s32 v3, v46;
	v30 =	vld.idx.msk [tilespmem:v57+s2+$0x0], $0xffff;
	[tilespmem:s28+$0x12E26] =	vst v58  }
0x344: {  	v62 =	vadd.s32 v3, v48;
	v34 =	vld.idx.msk [tilespmem:v59+s2+$0x0], $0xffff  }
0x345: {  	s5 =	sadd.s32 $0x220, s26;
	v63 =	vadd.s32 v3, v50  }
0x346: {  	s3 =	sor.u32 $0x56, s5;
	[tilespmem:s24+$0x12E36] =	vst v24  }
0x347: {  	v24 =	vld.idx.msk [tilespmem:v60+s2+$0x0], $0xffff;
	[tilespmem:s3+$0x12C00] =	vst v28  }
0x348: {  	v25 =	vadd.s32 v4, v45;
	[tilespmem:s30+$0x12E76] =	vst v30;
	v36 =	vld.idx.msk [tilespmem:v61+s2+$0x0], $0xffff  }
0x349: {  	v27 =	vadd.s32 v4, v46;
	v37 =	vld.idx.msk [tilespmem:v62+s2+$0x0], $0xffff;
	[tilespmem:s28+$0x12E36] =	vst v34  }
0x34a: {  	v29 =	vadd.s32 v4, v48;
	v38 =	vld.idx.msk [tilespmem:v63+s2+$0x0], $0xffff  }
0x34b: {  	v31 =	vadd.s32 v4, v50;
	s3 =	sadd.s32 $0x240, s26  }
0x34c: {  	v39 =	vperm.xlane v20, v16;
	[tilespmem:s24+$0x12E46] =	vst v24;
	s6 =	sor.u32 $0x66, s3  }
0x34d: {  	v40 =	vperm.xlane v23, v16;
	v25 =	vld.idx.msk [tilespmem:v25+s2+$0x0], $0xffff;
	[tilespmem:s6+$0x12C00] =	vst v36  }
0x34e: {  	s31 =	sor.u32 $0x26, s28;
	v41 =	vadd.s32 v1, v39;
	v42 =	vperm.xlane v22, v16;
	[tilespmem:s25+$0x12E46] =	vst v37;
	v27 =	vld.idx.msk [tilespmem:v27+s2+$0x0], $0xffff  }
0x34f: {  	v43 =	vadd.s32 v1, v40;
	v44 =	vperm.xlane v21, v16;
	v29 =	vld.idx.msk [tilespmem:v29+s2+$0x0], $0xffff;
	[tilespmem:s31+$0x12E40] =	vst v38  }
0x350: {  	v45 =	vadd.s32 v1, v42;
	v31 =	vld.idx.msk [tilespmem:v31+s2+$0x0], $0xffff  }
0x351: {  	v46 =	vadd.s32 v1, v44  }
0x352: {  	[tilespmem:s24+$0x12E48] =	vst v25;
	s3 =	sor.u32 $0x68, s3  }
0x353: {  	v25 =	vld.idx.msk [tilespmem:v41+s2+$0x0], $0xffff;
	[tilespmem:s3+$0x12C00] =	vst v27  }
0x354: {  	s5 =	sor.u32 $0x28, s28;
	v47 =	vadd.s32 v2, v39;
	[tilespmem:s25+$0x12E48] =	vst v29;
	v48 =	vld.idx.msk [tilespmem:v43+s2+$0x0], $0xffff  }
0x355: {  	v49 =	vadd.s32 v2, v40;
	v50 =	vld.idx.msk [tilespmem:v45+s2+$0x0], $0xffff;
	[tilespmem:s5+$0x12E40] =	vst v31  }
0x356: {  	v51 =	vadd.s32 v2, v42;
	v52 =	vld.idx.msk [tilespmem:v46+s2+$0x0], $0xffff  }
0x357: {  	v53 =	vadd.s32 v2, v44  }
0x358: {  	[tilespmem:s24+$0x12E58] =	vst v25  }
0x359: {  	v25 =	vld.idx.msk [tilespmem:v47+s2+$0x0], $0xffff;
	[tilespmem:s26+$0x12E58] =	vst v48  }
0x35a: {  	v54 =	vadd.s32 v3, v39;
	[tilespmem:s25+$0x12E58] =	vst v50;
	v29 =	vld.idx.msk [tilespmem:v49+s2+$0x0], $0xffff  }
0x35b: {  	v55 =	vadd.s32 v3, v40;
	v31 =	vld.idx.msk [tilespmem:v51+s2+$0x0], $0xffff;
	[tilespmem:s28+$0x12E58] =	vst v52  }
0x35c: {  	v56 =	vadd.s32 v3, v42;
	v34 =	vld.idx.msk [tilespmem:v53+s2+$0x0], $0xffff  }
0x35d: {  	v57 =	vadd.s32 v3, v44  }
0x35e: {  	[tilespmem:s24+$0x12E68] =	vst v25  }
0x35f: {  	v25 =	vld.idx.msk [tilespmem:v54+s2+$0x0], $0xffff;
	s3 =	sadd.s32 $0x260, s28;
	[tilespmem:s26+$0x12E68] =	vst v29  }
0x360: {  	v24 =	vadd.s32 v4, v39;
	s6 =	sor.u32 $0x48, s3;
	[tilespmem:s25+$0x12E68] =	vst v31;
	v58 =	vld.idx.msk [tilespmem:v55+s2+$0x0], $0xffff  }
0x361: {  	v26 =	vadd.s32 v4, v40;
	v59 =	vld.idx.msk [tilespmem:v56+s2+$0x0], $0xffff;
	[tilespmem:s6+$0x12C00] =	vst v34  }
0x362: {  	v28 =	vadd.s32 v4, v42;
	v60 =	vld.idx.msk [tilespmem:v57+s2+$0x0], $0xffff  }
0x363: {  	v30 =	vadd.s32 v4, v44  }
0x364: {  	v61 =	vperm.xlane v20, v17;
	[tilespmem:s24+$0x12E78] =	vst v25  }
0x365: {  	v62 =	vperm.xlane v23, v17;
	v24 =	vld.idx.msk [tilespmem:v24+s2+$0x0], $0xffff;
	[tilespmem:s26+$0x12E78] =	vst v58  }
0x366: {  	v63 =	vadd.s32 v1, v61;
	v36 =	vperm.xlane v22, v17;
	s31 =	sor.u32 $0x58, s3;
	[tilespmem:s25+$0x12E78] =	vst v59;
	v26 =	vld.idx.msk [tilespmem:v26+s2+$0x0], $0xffff  }
0x367: {  	v37 =	vadd.s32 v1, v62;
	v38 =	vperm.xlane v21, v17;
	v28 =	vld.idx.msk [tilespmem:v28+s2+$0x0], $0xffff;
	[tilespmem:s31+$0x12C00] =	vst v60  }
0x368: {  	v39 =	vadd.s32 v1, v36;
	v30 =	vld.idx.msk [tilespmem:v30+s2+$0x0], $0xffff  }
0x369: {  	v40 =	vadd.s32 v1, v38  }
0x36a: {  	[tilespmem:s24+$0x12E7A] =	vst v24  }
0x36b: {  	v24 =	vld.idx.msk [tilespmem:v63+s2+$0x0], $0xffff;
	[tilespmem:s26+$0x12E7A] =	vst v26  }
0x36c: {  	v41 =	vadd.s32 v2, v61;
	s3 =	sor.u32 $0x5A, s3;
	[tilespmem:s25+$0x12E7A] =	vst v28;
	v42 =	vld.idx.msk [tilespmem:v37+s2+$0x0], $0xffff  }
0x36d: {  	v43 =	vadd.s32 v2, v62;
	v44 =	vld.idx.msk [tilespmem:v39+s2+$0x0], $0xffff;
	[tilespmem:s3+$0x12C00] =	vst v30  }
0x36e: {  	v45 =	vadd.s32 v2, v36;
	v46 =	vld.idx.msk [tilespmem:v40+s2+$0x0], $0xffff  }
0x36f: {  	v47 =	vadd.s32 v2, v38  }
0x370: {  	[tilespmem:s24+$0x12E8A] =	vst v24  }
0x371: {  	v24 =	vld.idx.msk [tilespmem:v41+s2+$0x0], $0xffff;
	[tilespmem:s26+$0x12E8A] =	vst v42  }
0x372: {  	v48 =	vadd.s32 v3, v61;
	[tilespmem:s25+$0x12E8A] =	vst v44;
	v28 =	vld.idx.msk [tilespmem:v43+s2+$0x0], $0xffff  }
0x373: {  	v49 =	vadd.s32 v3, v62;
	v30 =	vld.idx.msk [tilespmem:v45+s2+$0x0], $0xffff;
	[tilespmem:s28+$0x12E8A] =	vst v46  }
0x374: {  	v50 =	vadd.s32 v3, v36;
	v34 =	vld.idx.msk [tilespmem:v47+s2+$0x0], $0xffff  }
0x375: {  	v51 =	vadd.s32 v3, v38  }
0x376: {  	[tilespmem:s24+$0x12E9A] =	vst v24  }
0x377: {  	v24 =	vld.idx.msk [tilespmem:v48+s2+$0x0], $0xffff;
	[tilespmem:s29+$0x12EBA] =	vst v28  }
0x378: {  	v25 =	vadd.s32 v4, v61;
	[tilespmem:s30+$0x12EDA] =	vst v30;
	v52 =	vld.idx.msk [tilespmem:v49+s2+$0x0], $0xffff  }
0x379: {  	v27 =	vadd.s32 v4, v62;
	v53 =	vld.idx.msk [tilespmem:v50+s2+$0x0], $0xffff;
	[tilespmem:s0+$0x12EFA] =	vst v34  }
0x37a: {  	v29 =	vadd.s32 v4, v36;
	v54 =	vld.idx.msk [tilespmem:v51+s2+$0x0], $0xffff  }
0x37b: {  	v31 =	vadd.s32 v4, v38;
	s6 =	sadd.s32 $0x2A0, s26  }
0x37c: {  	v55 =	vperm.xlane v20, v18;
	[tilespmem:s24+$0x12EAA] =	vst v24;
	s31 =	sor.u32 $0x4A, s6  }
0x37d: {  	v56 =	vperm.xlane v23, v18;
	v25 =	vld.idx.msk [tilespmem:v25+s2+$0x0], $0xffff;
	[tilespmem:s31+$0x12C00] =	vst v52  }
0x37e: {  	v57 =	vadd.s32 v1, v55;
	v58 =	vperm.xlane v22, v18;
	[tilespmem:s30+$0x12EEA] =	vst v53;
	v27 =	vld.idx.msk [tilespmem:v27+s2+$0x0], $0xffff  }
0x37f: {  	v59 =	vadd.s32 v1, v56;
	v60 =	vperm.xlane v21, v18;
	v29 =	vld.idx.msk [tilespmem:v29+s2+$0x0], $0xffff;
	[tilespmem:s28+$0x12EAA] =	vst v54  }
0x380: {  	v61 =	vadd.s32 v1, v58;
	v31 =	vld.idx.msk [tilespmem:v31+s2+$0x0], $0xffff  }
0x381: {  	v62 =	vadd.s32 v1, v60  }
0x382: {  	[tilespmem:s24+$0x12EAC] =	vst v25;
	s3 =	sor.u32 $0x4C, s6  }
0x383: {  	v25 =	vld.idx.msk [tilespmem:v57+s2+$0x0], $0xffff;
	[tilespmem:s3+$0x12C00] =	vst v27  }
0x384: {  	v63 =	vadd.s32 v2, v55;
	[tilespmem:s30+$0x12EEC] =	vst v29;
	v36 =	vld.idx.msk [tilespmem:v59+s2+$0x0], $0xffff  }
0x385: {  	v37 =	vadd.s32 v2, v56;
	v38 =	vld.idx.msk [tilespmem:v61+s2+$0x0], $0xffff;
	[tilespmem:s28+$0x12EAC] =	vst v31  }
0x386: {  	v39 =	vadd.s32 v2, v58;
	v40 =	vld.idx.msk [tilespmem:v62+s2+$0x0], $0xffff  }
0x387: {  	v41 =	vadd.s32 v2, v60  }
0x388: {  	[tilespmem:s24+$0x12EBC] =	vst v25  }
0x389: {  	v25 =	vld.idx.msk [tilespmem:v63+s2+$0x0], $0xffff;
	[tilespmem:s26+$0x12EBC] =	vst v36  }
0x38a: {  	v42 =	vadd.s32 v3, v55;
	[tilespmem:s25+$0x12EBC] =	vst v38;
	v29 =	vld.idx.msk [tilespmem:v37+s2+$0x0], $0xffff  }
0x38b: {  	v43 =	vadd.s32 v3, v56;
	v31 =	vld.idx.msk [tilespmem:v39+s2+$0x0], $0xffff;
	[tilespmem:s28+$0x12EBC] =	vst v40  }
0x38c: {  	v44 =	vadd.s32 v3, v58;
	v34 =	vld.idx.msk [tilespmem:v41+s2+$0x0], $0xffff  }
0x38d: {  	v45 =	vadd.s32 v3, v60;
	s3 =	sadd.s32 $0x2C0, s26  }
0x38e: {  	[tilespmem:s24+$0x12ECC] =	vst v25;
	s6 =	sor.u32 $0x6C, s3  }
0x38f: {  	v25 =	vld.idx.msk [tilespmem:v42+s2+$0x0], $0xffff;
	[tilespmem:s6+$0x12C00] =	vst v29  }
0x390: {  	v24 =	vadd.s32 v4, v55;
	[tilespmem:s25+$0x12ECC] =	vst v31;
	v46 =	vld.idx.msk [tilespmem:v43+s2+$0x0], $0xffff  }
0x391: {  	v26 =	vadd.s32 v4, v56;
	[tilespmem:s10+$0x12EC0] =	vst v34;
	v47 =	vld.idx.msk [tilespmem:v44+s2+$0x0], $0xffff  }
0x392: {  	v28 =	vadd.s32 v4, v58;
	v48 =	vld.idx.msk [tilespmem:v45+s2+$0x0], $0xffff  }
0x393: {  	v30 =	vadd.s32 v4, v60  }
0x394: {  	v20 =	vperm.xlane v20, v19;
	[tilespmem:s24+$0x12EDC] =	vst v25;
	s31 =	sor.u32 $0x7C, s3  }
0x395: {  	v23 =	vperm.xlane v23, v19;
	v24 =	vld.idx.msk [tilespmem:v24+s2+$0x0], $0xffff;
	[tilespmem:s31+$0x12C00] =	vst v46  }
0x396: {  	v22 =	vperm.xlane v22, v19;
	v49 =	vadd.s32 v1, v20;
	s6 =	sor.u32 $0x3C, s28;
	[tilespmem:s25+$0x12EDC] =	vst v47;
	v26 =	vld.idx.msk [tilespmem:v26+s2+$0x0], $0xffff  }
0x397: {  	v21 =	vperm.xlane v21, v19;
	v50 =	vadd.s32 v1, v23;
	[tilespmem:s6+$0x12EC0] =	vst v48;
	v28 =	vld.idx.msk [tilespmem:v28+s2+$0x0], $0xffff  }
0x398: {  	v51 =	vadd.s32 v1, v22;
	v30 =	vld.idx.msk [tilespmem:v30+s2+$0x0], $0xffff  }
0x399: {  	v52 =	vadd.s32 v1, v21  }
0x39a: {  	[tilespmem:s24+$0x12EDE] =	vst v24;
	s3 =	sor.u32 $0x7E, s3  }
0x39b: {  	v24 =	vld.idx.msk [tilespmem:v49+s2+$0x0], $0xffff;
	[tilespmem:s3+$0x12C00] =	vst v26  }
0x39c: {  	v53 =	vadd.s32 v2, v20;
	s10 =	sor.u32 $0x3E, s28;
	[tilespmem:s25+$0x12EDE] =	vst v28;
	v26 =	vld.idx.msk [tilespmem:v50+s2+$0x0], $0xffff  }
0x39d: {  	v54 =	vadd.s32 v2, v23;
	[tilespmem:s10+$0x12EC0] =	vst v30;
	v28 =	vld.idx.msk [tilespmem:v51+s2+$0x0], $0xffff  }
0x39e: {  	v55 =	vadd.s32 v2, v22;
	v30 =	vld.idx.msk [tilespmem:v52+s2+$0x0], $0xffff  }
0x39f: {  	v56 =	vadd.s32 v2, v21  }
0x3a0: {  	[tilespmem:s24+$0x12EEE] =	vst v24  }
0x3a1: {  	v24 =	vld.idx.msk [tilespmem:v53+s2+$0x0], $0xffff;
	[tilespmem:s26+$0x12EEE] =	vst v26  }
0x3a2: {  	v57 =	vadd.s32 v3, v20;
	[tilespmem:s25+$0x12EEE] =	vst v28;
	v26 =	vld.idx.msk [tilespmem:v54+s2+$0x0], $0xffff  }
0x3a3: {  	v58 =	vadd.s32 v3, v23;
	v28 =	vld.idx.msk [tilespmem:v55+s2+$0x0], $0xffff;
	[tilespmem:s28+$0x12EEE] =	vst v30  }
0x3a4: {  	v59 =	vadd.s32 v3, v22;
	v30 =	vld.idx.msk [tilespmem:v56+s2+$0x0], $0xffff  }
0x3a5: {  	v60 =	vadd.s32 v3, v21  }
0x3a6: {  	[tilespmem:s24+$0x12EFE] =	vst v24  }
0x3a7: {  	v24 =	vld.idx.msk [tilespmem:v57+s2+$0x0], $0xffff;
	s28 =	sadd.s32 $0x2E0, s28;
	[tilespmem:s26+$0x12EFE] =	vst v26  }
0x3a8: {  	v20 =	vadd.s32 v4, v20;
	s3 =	sor.u32 $0x5E, s28;
	[tilespmem:s25+$0x12EFE] =	vst v28;
	v61 =	vld.idx.msk [tilespmem:v58+s2+$0x0], $0xffff  }
0x3a9: {  	v23 =	vadd.s32 v4, v23;
	[tilespmem:s3+$0x12C00] =	vst v30;
	v62 =	vld.idx.msk [tilespmem:v59+s2+$0x0], $0xffff  }
0x3aa: {  	v22 =	vadd.s32 v4, v22;
	v63 =	vld.idx.msk [tilespmem:v60+s2+$0x0], $0xffff  }
0x3ab: {  	v21 =	vadd.s32 v4, v21  }
0x3ac: {  	[tilespmem:s24+$0x12F0E] =	vst v24  }
0x3ad: {  	v20 =	vld.idx.msk [tilespmem:v20+s2+$0x0], $0xffff;
	[tilespmem:s29+$0x12F2E] =	vst v61  }
0x3ae: {  	[tilespmem:s30+$0x12F4E] =	vst v62;
	v23 =	vld.idx.msk [tilespmem:v23+s2+$0x0], $0xffff  }
0x3af: {  	[tilespmem:s0+$0x12F6E] =	vst v63;
	v22 =	vld.idx.msk [tilespmem:v22+s2+$0x0], $0xffff  }
0x3b0: {  	p0 =	slt.u32 s22, $0x18;
	v21 =	vld.idx.msk [tilespmem:v21+s2+$0x0], $0xffff  }
.Ltmp1:
0x3b1: {  	_ = 	snop;
	(pc) =	sbr.rel @p0 .LBB2_5-.Ltmp1, $4  }
0x3b2: {  	[tilespmem:s24+$0x12F10] =	vst v20  }
0x3b3: {  	[tilespmem:s29+$0x12F30] =	vst v23  }
0x3b4: {  	s31 =	sadd.s32 $0x4, s22;
	[tilespmem:s30+$0x12F50] =	vst v22  }
0x3b5: {  	s22 =	smov.u32 s31;
	[tilespmem:s0+$0x12F70] =	vst v21  }
0x3b6: {  	s20 =	sadd.s32 $0x1, s20  }
0x3b7: {  	p0 =	sne.s32 s20, $0x10  }
.Ltmp2:
0x3b8: {  	_ = 	snop;
	(pc) =	sbr.rel @p0 .LBB2_2-.Ltmp2, $4  }
0x3b9: {  	s0 =	sor.u32 s21, s23  }
0x3ba: {  	s0 =	sshrl.u32 s0, $0x3  }
0x3bb: {  	s0 =	sadd.s32 s1, s0  }
0x3bc: {  	[hbm4b:s0+s11] =	stream.strided.scatter [tilespmem:s16], [sflag:$0x2], $0x5780, s12, s11, $0x38;
	[tilespmem:$0x18380] =	vst v63  }
0x3bd: {  	s19 =	sadd.s32 $0x1, s19  }
0x3be: {  	_ =	swait.ge [sflag:s17], $0x5780;
	p0 =	sne.s32 s19, s8  }
.Ltmp3:
0x3bf: {  	[sflag:s17] =	ssyncset.done $0x0;
	(pc) =	sbr.rel @p0 .LBB2_1-.Ltmp3, $4  }
0x3c0: {  	[sflag:s17] =	ssyncadd.s32 $0xFFFFA880  }
0x3c1: {  	_ =	swait.ge [sflag:s18], $0x5780  }
0x3c2: {  	[sflag:s18] =	ssyncset.done $0x0  }
0x3c3: {  	[sflag:s18] =	ssyncadd.s32 $0xFFFFA880  }
0x3c4: {  	_ =	sfence.sel $0x180000  }
0x3c5: {  	[bflag:$0x0] =	sbarrier.arrive $0xFFFF  }
0x3c6: {  	_ =	strace $0x90000047  }
0x3c7: {  	s0 =	stileid.u32;
	[bflag:$0x2] =	sbarrier.arrive $0xFFFF  }
0x3c8: {  	p0 =	sne.s32 s0, $0x0;
	s0 =	rddreg [dreg:$0x2]  }
0x3c9: {  	s0 =	sadd.s32 @!p0 $0x100000, s0  }
0x3ca: {  	[sflag:s0] =	ssyncadd.tile.s32 @!p0 $0x1;
	_ =	shalt  }
.Lfunc_end2:
_tile_overlayer_lowered:
.L_overlay_start_2:
0x3cb: {  	(tag) =	ssettag $0x2  }
0x3cc: {  	s0 =	rddreg [dreg:$0x0];
	s2 =	stileid.u32  }
0x3cd: {  	s1 =	rddreg [dreg:$0x1];
	p0 =	sne.s32 s2, $0x0  }
0x3ce: {  	s3 =	rddreg [dreg:$0x2];
	[bflag:$0x3] =	sbarrier.arrive $0xFFFF;
	s2 =	simm.s32 @!p0 $0x1C03  }
0x3cf: {  	[timem:s3], [sflag:s2] =	dma.local @!p0 [hbm:s0], s1  }
0x3d0: {  	s0 =	simm.s32 @!p0 $0x3  }
0x3d1: {  	_ =	swait.ge @!p0 [sflag:s0], s1  }
0x3d2: {  	s1 =	ssub.s32 @!p0 $0x0, s1;
	[sflag:s0] =	ssyncset.done @!p0 $0x0  }
0x3d3: {  	[sflag:s0] =	ssyncadd.s32 @!p0 s1  }
0x3d4: {  	[bflag:$0x3] =	sbarrier.arrive $0xFFFF  }
0x3d5: {  	_ =	shalt  }

// kernel: sparse-core-data-format-call.cloned.1.call-start
scs
called_computation_lowered:
.L_overlay_start_0:
0x0: {  	s2 =	sld [smem:$0x3FD9]  }
0x1: {  	s3 =	sld [smem:$0x3FFE];
	_ =	sdelay $0x1  }
0x2: {  	s1 =	srdreg.scid  }
0x3: {  	s0 =	sand.u32 $0x1, s1  }
0x4: {  	s18 =	sshll.u32 s0, $0xA;
	s2 =	sadd.s32 s3, s2  }
0x5: {  	s2 =	sadd.s32 s2, s18  }
0x6: {  	[smem:$0x3FC6] =	sst s2  }
0x7: {  	_ = 	snop  }
0x8: {  	s2 =	sld [smem:$0x3FD0];
	(tm) =	ssettm $0x1  }
0x9: {  	s19 =	sld [smem:$0x3FFB];
	_ =	sdelay $0x3  }
0xa: {  	_ =	strace s19  }
0xb: {  	s3 =	sld [smem:$0x3FFC];
	_ =	sdelay $0x3  }
0xc: {  	_ =	strace s3  }
0xd: {  	s3 =	sld [smem:$0x3FFD];
	_ =	sdelay $0x3  }
0xe: {  	_ =	strace s3  }
0xf: {  	_ =	strace $0x8FFFFFFF  }
0x10: {  	s20 =	sld [smem:$0x3FDB];
	_ =	sdelay $0x1  }
0x11: {  	s4 =	simm.s32 $_scs_section_size  }
0x12: {  	s5 =	simm.s32 $_size__tile_overlayer_lowered;
	s6 =	simm.s32 $_tile_overlayer_lowered  }
0x13: {  	s23 =	simm.s32 $0x1BFF;
	s22 =	sshll.u32 s6, $0x1;
	s3 =	sadd.s32 s4, s20  }
0x14: {  	s7 =	simm.s32 $0x0;
	s21 =	sshll.u32 s5, $0x1;
	s5 =	sadd.s32 s22, s3  }
0x15: {  	[timem:s7], [sflag:s23] =	dma.local [hbm:s5], s21  }
0x16: {  	_ =	swait.ge [sflag:s23], s21  }
0x17: {  	s4 =	ssub.s32 $0x0, s21;
	[sflag:s23] =	ssyncset.done $0x0  }
0x18: {  	[sflag:s23] =	ssyncadd.s32 s4;
	_ =	sdelay $0x1  }
0x19: {  	s24 =	simm.s32 $0x1B8B  }
0x1a: {  	_ =	swait.ge [sflag:s24], $0x1  }
0x1b: {  	[sflag:s24] =	ssyncset.done $0x0  }
0x1c: {  	s26 =	simm.s32 $0x1B8E;
	s25 =	sld [smem:$0x3FFE];
	[sflag:s24] =	ssyncadd.s32 $0xFFFFFFFF  }
0x1d: {  	s27 =	simm.s32 $execute0_lowered;
	[smem:$0x3FD2] =	sst s26  }
0x1e: {  	s5 =	sshll.u32 s27, $0x1;
	_ =	strace $0x80000049;
	[dreg:$0x1] =	wrdreg $0xFFFFFFFF  }
0x1f: {  	s28 =	simm.s32 $_size_execute0_lowered;
	s3 =	sadd.s32 s3, s5;
	[dreg:$0x0] =	wrdreg $0x0  }
0x20: {  	s5 =	sshll.u32 s28, $0x1;
	[dreg:$0x2] =	wrdreg s3  }
0x21: {  	[dreg:$0x3] =	wrdreg s5  }
0x22: {  	[dreg:$0x4] =	wrdreg $0xC0  }
0x23: {  	_ =	task [dreg:s7], $0x5FFFF  }
0x24: {  	[dreg:$0x1] =	wrdreg $0xFFFFFFFF  }
0x25: {  	[dreg:$0x0] =	wrdreg $0x60  }
0x26: {  	[dreg:$0x2] =	wrdreg s25  }
0x27: {  	[dreg:$0x3] =	wrdreg s2  }
0x28: {  	[dreg:$0x4] =	wrdreg $0x9  }
0x29: {  	_ =	task.clear_ibuf [dreg:s7], $0x5FFFF;
	_ =	strace $0x90000049  }
0x2a: {  	s29 =	simm.s32 $0x9;
	_ =	strace $0x8000004B  }
0x2b: {  	_ =	swait.ge [sflag:s29], $0x1  }
0x2c: {  	[sflag:s29] =	ssyncadd.s32 $0xFFFFFFFF  }
0x2d: {  	_ =	strace $0x9000004B  }
0x2e: {  	_ =	sfence  }
0x2f: {  	s30 =	sld [smem:$0x0];
	_ =	sdelay $0x2  }
0x30: {  	s31 =	sshll.u32 s1, $0xD;
	s1 =	sshrl.u32 s1, $0x2  }
0x31: {  	s3 =	sand.u32 $0x4000, s31;
	s1 =	sadd.s32 s1, s30  }
0x32: {  	s0 =	sor.u32 s3, s0;
	s1 =	sshll.u32 s1, $0x11  }
0x33: {  	s0 =	sor.u32 s1, s0  }
0x34: {  	s0 =	sadd.s32 $0x8F2B, s0  }
0x35: {  	[sflag:s0] =	ssyncadd.remote.s32 $0x1  }
0x36: {  	_ =	sfence.sel $0xFFFF  }
0x37: {  	[dreg:$0x0] =	wrdreg $0xFFFFFFFF;
	(pc) =	sbr.abs _section_cstart, $3  }
0x38: {  	[dreg:$0x1] =	wrdreg $0xFFFFFFFF  }
0x39: {  	_ =	task.clear_ibuf [dreg:s7], $0x2FFFF;
	_ =	strace $0x9FFFFFFF  }
0x3a: {  	(tm) =	ssettm $0x7FFFFFFF  }
0x3b: {  	_ =	shalt  }
tec
execute0_lowered:
.L_overlay_start_1:
0x0: {  	(tag) =	ssettag $0x1  }
0x1: {  	s0 =	srdreg.scid  }
0x2: {  	s1 =	sshll.u32 s0, $0x4  }
0x3: {  	s6 =	rddreg [dreg:$0x0];
	s0 =	stileid.u32;
	s1 =	sand.u32 $0x10, s1  }
0x4: {  	s3 =	rddreg [dreg:$0x1];
	s1 =	sor.u32 s0, s1  }
0x5: {  	s5 =	simm.s32 $0x1;
	s31 =	simm.s32 $0x2;
	s2 =	sshll.u32 s1, $0x7  }
0x6: {  	s15 =	simm.s32 $0x0;
	s8 =	simm.s32 $0x20000;
	s4 =	ssub.s32 $0x4000, s2  }
0x7: {  	s14 =	simm.s32 $0x0;
	s9 =	simm.s32 $0x0;
	s30 =	sand.u32 $0xF80, s4  }
0x8: {  	s10 =	simm.s32 $0x0;
	s11 =	simm.s32 $0x0;
	p0 =	sne.s32 s30, $0x0  }
.Ltmp0:
0x9: {  	s7 =	sshrl.u32 s4, $0xC;
	s5 =	simm.s32 @!p0 $0x0;
	(pc) =	sbr.rel .LBB1_1-.Ltmp0, $4  }
0xa: {  	s13 =	simm.s32 $0x0;
	s1 =	rddreg [dreg:$0x2];
	s5 =	sadd.s32 s5, s7  }
0xb: {  	_ =	strace $0x8000004A;
	s4 =	simm.s32 $0x1;
	s5 =	smul.u32 $0xB, s5  }
0xc: {  	s6 =	sadd.s32 $0x800, s6;
	s12 =	smov.u32 s2;
	[sflag:s4] =	ssyncpa.u1 $0x0  }
0xd: {  	[sflag:s31] =	ssyncpa.u1 $0x0;
	p0 =	por $0x0, $0x0;
	s7 =	sadd.s32 $0x1, s5  }
.LBB1_4:
0xe: {  	s20 =	sshra.s32 s20, $0x2  }
0xf: {  	s28 =	sand.u32 $0x78, s10;
	s21 =	sshll.u32 s9, $0xE;
	s22 =	sshll.u32 s10, $0x3  }
0x10: {  	s24 =	sshll.u32 s9, $0x7;
	p1 =	sgt.s32 s9, $0x4F8;
	s30 =	sshra.s32 s9, $0x1F  }
0x11: {  	s26 =	sshra.s32 s10, $0x1F;
	s19 =	sadd.s32 s20, s19;
	s21 =	sand.u32 $0xFFFE0000, s21  }
0x12: {  	v5 =	vld [tilespmem:s17+$0xFFFFFFD0];
	[tilespmem:s18+$0x2040 ss:$0x81] =	vst.msk $0xffff, v4;
	s23 =	sand.u32 $0xFFFFFC00, s22;
	s29 =	sand.u32 $0x380, s24;
	s22 =	sand.u32 $0x3C00, s22  }
0x13: {  	v58 =	vld [tilespmem:s17+$0xFFFFFFE0];
	[tilespmem:s18+$0x2850 ss:$0x81] =	vst.msk $0xffff, v3;
	s21 =	sadd.s32 s23, s21;
	s20 =	sor.u32 s28, s22;
	s22 =	smov.u32 s9  }
0x14: {  	v59 =	vld [tilespmem:s17+$0xFFFFFFF0];
	[tilespmem:s18+$0x3060 ss:$0x81] =	vst.msk $0xffff, v2;
	s24 =	sand.u32 s30, s9;
	s21 =	sshrl.u32 s21, $0xE;
	s22 =	simm.s32 @!p1 $0x4F8  }
0x15: {  	v60 =	vld [tilespmem:s17+$0x0];
	[tilespmem:s18+$0x0 ss:$0x81] =	vst.msk $0xffff, v1;
	p1 =	sgt.s32 s10, $0x3F80;
	s31 =	ssub.s32 s22, s24;
	s22 =	smov.u32 s10  }
0x16: {  	v61 =	vld [tilespmem:s17+$0x10];
	[tilespmem:s19+$0x3870 ss:$0x81] =	vst.msk $0xffff, v0;
	s25 =	smulhi.u32 $0x2ECFBA, s21;
	s24 =	sand.u32 s26, s10;
	s22 =	simm.s32 @!p1 $0x3F80  }
0x17: {  	v62 =	vld [tilespmem:s17+$0x20];
	s20 =	sor.u32 s29, s20;
	[tilespmem:s19+$0x810 ss:$0x81] =	vst.msk $0xffff, v5;
	s27 =	sadd.s32 $0xFFFFFB08, s31;
	s22 =	ssub.s32 s22, s24  }
0x18: {  	v63 =	vld [tilespmem:s17+$0xFFFFFFC0];
	[tilespmem:s19+$0x1020 ss:$0x81] =	vst.msk $0xffff, v58;
	s18 =	ssub.s32 $0x578, s31;
	s28 =	smul.u32 $0x578, s25;
	s29 =	sadd.s32 $0xFFFFC080, s22  }
0x19: {  	[tilespmem:s19+$0x1830 ss:$0x81] =	vst.msk $0xffff, v59;
	p1 =	sgt.s32 s27, $0x7F;
	s22 =	ssub.s32 $0x4000, s22;
	p2 =	sgt.s32 s29, $0x7F  }
0x1a: {  	s30 =	sand.u32 $0x7, s10;
	[tilespmem:s19+$0x2040 ss:$0x81] =	vst.msk $0xffff, v60;
	s18 =	simm.s32 @p1 $0x0;
	s22 =	simm.s32 @p2 $0x0  }
0x1b: {  	s20 =	sshrl.u32 s20, $0x3;
	[tilespmem:s19+$0x2850 ss:$0x81] =	vst.msk $0xffff, v61;
	s17 =	ssub.s32 s21, s28;
	s18 =	smul.u32 s22, s18  }
0x1c: {  	[tilespmem:s19+$0x3060 ss:$0x81] =	vst.msk $0xffff, v62;
	s20 =	sadd.s32 s3, s20;
	s21 =	sshll.u32 s30, $0x12;
	s17 =	sshll.u32 s17, $0xB  }
0x1d: {  	[tilespmem:s19+$0x0 ss:$0x81] =	vst.msk $0xffff, v63;
	s31 =	sor.u32 $0x400, s21;
	s17 =	sadd.s32 s17, s20;
	s18 =	sand.u32 $0x3FFFFFFF, s18  }
0x1e: {  	[hbm4b:s17+s31] =	stream.strided.scatter [tilespmem:s16], [sflag:$0x2], s18, s8, s31, $0x20;
	[tilespmem:$0x10100] =	vst v63  }
.LBB1_5:
0x1f: {  	p1 =	slt.u32 s13, $0x2  }
0x20: {  	s17 =	smov.u32 s15;
	p2 =	sgt.s32 @!p1 s15, $0x4F8;
	s16 =	sshra.s32 @!p1 s15, $0x1F  }
0x21: {  	p3 =	sgt.s32 @!p1 s14, $0x3F80;
	s18 =	sshra.s32 @!p1 s14, $0x1F;
	p2 =	por !p2, p1  }
0x22: {  	s15 =	sand.u32 @!p1 s16, s15;
	p3 =	por !p3, p1;
	s16 =	smov.u32 s14  }
0x23: {  	s14 =	sand.u32 @!p1 s18, s14;
	s17 =	simm.s32 @p2 $0x4F8;
	s16 =	simm.s32 @p3 $0x3F80  }
0x24: {  	s15 =	ssub.s32 @!p1 s17, s15;
	s14 =	ssub.s32 @!p1 s16, s14  }
0x25: {  	s18 =	smov.u32 s12;
	s16 =	sadd.s32 @!p1 $0xFFFFFB08, s15;
	s17 =	sadd.s32 @!p1 $0xFFFFC080, s14  }
0x26: {  	s15 =	ssub.s32 @!p1 $0x578, s15;
	p2 =	sgt.s32 @!p1 s16, $0x7F;
	p3 =	sgt.s32 @!p1 s17, $0x7F  }
0x27: {  	s14 =	ssub.s32 @!p1 $0x4000, s14;
	p2 =	por !p2, p1;
	p3 =	por !p3, p1  }
0x28: {  	s16 =	sadd.s32 $0x80, s11;
	s15 =	simm.s32 @!p2 $0x0;
	s14 =	simm.s32 @!p3 $0x0  }
0x29: {  	p2 =	sgt.s32 s16, $0x577;
	s14 =	smul.u32 @!p1 s14, s15;
	s15 =	sadd.s32 $0x1000, s12  }
0x2a: {  	s18 =	smov.u32 @p2 s15  }
0x2b: {  	s16 =	simm.s32 @p2 $0x0;
	p2 =	sgt.s32 s18, $0x3FFF  }
0x2c: {  	s18 =	smov.u32 @p2 s2;
	p2 =	sne.s32 s13, s7  }
.Ltmp1:
0x2d: {  	p0 =	por !p0, !p0;
	s17 =	simm.s32 @!p1 $0x2;
	(pc) =	sbr.rel @!p2 .LBB1_6-.Ltmp1, $4  }
0x2e: {  	s15 =	smov.u32 s9;
	s9 =	smov.u32 s11;
	s14 =	sand.u32 @!p1 $0x3FFFFFFF, s14  }
0x2f: {  	s11 =	smov.u32 s16;
	_ =	swait.ge @!p1 [sflag:s17], s14;
	s19 =	ssub.s32 @!p1 $0x0, s14  }
0x30: {  	s14 =	smov.u32 s10;
	s13 =	sadd.s32 $0x1, s13;
	[sflag:s17] =	ssyncset.done @!p1 $0x0  }
0x31: {  	s10 =	smov.u32 s12;
	s12 =	smov.u32 s18;
	[sflag:s17] =	ssyncadd.s32 @!p1 s19  }
.LBB1_1:
0x32: {  	p1 =	sge.u32 s13, s5  }
0x33: {  	s16 =	sshrl.u32 @!p1 s12, $0x3  }
0x34: {  	s17 =	sshll.u32 @!p1 s11, $0x3;
	s16 =	smul.u32 @!p1 $0x2C00, s16  }
0x35: {  	s18 =	sshll.u32 @!p1 s12, $0x7;
	s17 =	sand.u32 @!p1 $0xFFFFFC00, s17  }
0x36: {  	s16 =	sadd.s32 @!p1 s16, s17;
	s17 =	sand.u32 @!p1 $0x380, s18  }
0x37: {  	s18 =	sand.u32 @!p1 $0x7F, s11;
	s16 =	sor.u32 @!p1 s17, s16  }
0x38: {  	s17 =	sor.u32 @!p1 s18, s16  }
0x39: {  	s18 =	smulhi.u32 @!p1 $0xBA2E8BA3, s17;
	_ =	sdelay $0x1  }
0x3a: {  	s16 =	smulhi.u32 @!p1 $0xBA2E8BA3, s16;
	s18 =	sshrl.u32 @!p1 s18, $0xA  }
0x3b: {  	s18 =	smul.u32 @!p1 $0x580, s18  }
0x3c: {  	s31 =	sadd.s32 $0xFFFFFFFF, s13;
	s19 =	sxor.u32 @!p1 $0xFFFFFFFF, s13;
	s16 =	sshrl.u32 @!p1 s16, $0xA  }
0x3d: {  	s19 =	sshll.u32 @!p1 s19, $0xE;
	s16 =	sand.u32 @!p1 $0x3FFF, s16;
	s17 =	ssub.s32 @!p1 s17, s18  }
0x3e: {  	s16 =	smul.u32 @!p1 $0xB0, s16;
	s18 =	sshrl.u32 @!p1 s17, $0x3;
	s17 =	sand.u32 @!p1 $0x7, s17  }
0x3f: {  	s19 =	sand.u32 @!p1 $0x4000, s19;
	s18 =	sadd.s32 @!p1 s6, s18;
	s17 =	sshll.u32 @!p1 s17, $0x12  }
0x40: {  	s16 =	sadd.s32 @!p1 s16, s18;
	s17 =	sor.u32 @!p1 $0x400, s17;
	s18 =	simm.s32 @!p1 $0x2C00  }
0x41: {  	[tilespmem:s19], [sflag:$0x1] =	stream.strided.gather @!p1 [hbm4b:s16+s17], $0x4000, s18, s17, $0x38;
	[tilespmem:$0x10100] =	vst v63  }
0x42: {  	p1 =	sge.u32 s31, s5  }
.Ltmp2:
0x43: {  	_ = 	snop;
	(pc) =	sbr.rel @p1 .LBB1_5-.Ltmp2, $1  }
0x44: {  	_ =	sdelay $0x3  }
0x45: {  	s16 =	simm.s32 $0x1  }
0x46: {  	_ =	swait.ge [sflag:s4], $0x4000;
	s16 =	simm.s32 @!p0 $0x0  }
0x47: {  	[sflag:s4] =	ssyncset.done $0x0;
	s17 =	sshll.u32 s16, $0xE  }
0x48: {  	[sflag:s4] =	ssyncadd.s32 $0xFFFFC000;
	s17 =	sor.u32 $0x40, s17  }
0x49: {  	s16 =	smul.u32 $0x10200, s16;
	v0 =	vld [tilespmem:s17+$0x30]  }
0x4a: {  	v1 =	vld [tilespmem:s17+$0xFFFFFFD0]  }
0x4b: {  	s16 =	sshrl.u32 s16, $0x2;
	v5 =	vld [tilespmem:s17+$0xFFFFFFE0]  }
0x4c: {  	v6 =	vld [tilespmem:s17+$0xFFFFFFF0];
	s19 =	sor.u32 $0x8000, s16  }
0x4d: {  	s31 =	sand.u32 $0x1, s13;
	v4 =	vld [tilespmem:s17+$0x0];
	s18 =	sadd.s32 $0x0, s19  }
0x4e: {  	v3 =	vld [tilespmem:s17+$0x10];
	s16 =	smul.u32 $0x10200, s31;
	[tilespmem:s18+$0x3870 ss:$0x81] =	vst.msk $0xffff, v0  }
0x4f: {  	v2 =	vld [tilespmem:s17+$0x20];
	[tilespmem:s18+$0x810 ss:$0x81] =	vst.msk $0xffff, v1  }
0x50: {  	s16 =	sshrl.u32 s16, $0x2;
	v1 =	vld [tilespmem:s17+$0xFFFFFFC0];
	[tilespmem:s18+$0x1020 ss:$0x81] =	vst.msk $0xffff, v5;
	s17 =	sadd.s32 $0x80, s17  }
0x51: {  	s20 =	simm.s32 $0x4;
	s21 =	simm.s32 $0x8;
	s16 =	sor.u32 $0x8000, s16;
	[tilespmem:s18+$0x1830 ss:$0x81] =	vst.msk $0xffff, v6;
	v0 =	vld [tilespmem:s17+$0x30]  }
.LBB1_3:
0x52: {  	p1 =	sne.s32 s21, $0x1FC;
	v5 =	vld [tilespmem:s17+$0xFFFFFFD0];
	[tilespmem:s18+$0x2040 ss:$0x81] =	vst.msk $0xffff, v4  }
0x53: {  	v6 =	vld [tilespmem:s17+$0xFFFFFFE0];
	[tilespmem:s18+$0x2850 ss:$0x81] =	vst.msk $0xffff, v3  }
0x54: {  	s22 =	sshra.s32 s20, $0x2;
	s20 =	smov.u32 s21;
	v7 =	vld [tilespmem:s17+$0xFFFFFFF0];
	[tilespmem:s18+$0x3060 ss:$0x81] =	vst.msk $0xffff, v2  }
.Ltmp3:
0x55: {  	v4 =	vld [tilespmem:s17+$0x0];
	[tilespmem:s18+$0x0 ss:$0x81] =	vst.msk $0xffff, v1;
	s18 =	sadd.s32 s22, s19;
	(pc) =	sbr.rel @p1 .LBB1_3-.Ltmp3, $4  }
0x56: {  	v3 =	vld [tilespmem:s17+$0x10];
	[tilespmem:s18+$0x3870 ss:$0x81] =	vst.msk $0xffff, v0  }
0x57: {  	[tilespmem:s18+$0x810 ss:$0x81] =	vst.msk $0xffff, v5;
	v2 =	vld [tilespmem:s17+$0x20]  }
0x58: {  	v1 =	vld [tilespmem:s17+$0xFFFFFFC0];
	[tilespmem:s18+$0x1020 ss:$0x81] =	vst.msk $0xffff, v6;
	s17 =	sadd.s32 $0x80, s17  }
0x59: {  	s21 =	sadd.s32 $0x4, s21;
	v0 =	vld [tilespmem:s17+$0x30];
	[tilespmem:s18+$0x1830 ss:$0x81] =	vst.msk $0xffff, v7  }
.Ltmp4:
0x5a: {  	_ = 	snop;
	(pc) =	sbr.rel .LBB1_4-.Ltmp4, $1  }
0x5b: {  	_ =	sdelay $0x3  }
.LBB1_6:
0x5c: {  	_ =	sfence.sel $0x180000  }
0x5d: {  	s2 =	simm.s32 $0x1;
	[bflag:$0x0] =	sbarrier.arrive $0xFFFF  }
0x5e: {  	s31 =	simm.s32 $0x2;
	[sflag:s2] =	ssyncpa.u1 $0x1  }
0x5f: {  	[sflag:s31] =	ssyncpa.u1 $0x1  }
0x60: {  	p0 =	sne.s32 s0, $0x0;
	_ =	strace $0x9000004A  }
0x61: {  	s0 =	sadd.s32 @!p0 $0x100000, s1;
	[bflag:$0x2] =	sbarrier.arrive $0xFFFF  }
0x62: {  	[sflag:s0] =	ssyncadd.tile.s32 @!p0 $0x1;
	_ =	shalt  }
.Lfunc_end1:
_tile_overlayer_lowered:
.L_overlay_start_2:
0x63: {  	(tag) =	ssettag $0x2  }
0x64: {  	s0 =	rddreg [dreg:$0x0];
	s2 =	stileid.u32  }
0x65: {  	s1 =	rddreg [dreg:$0x1];
	p0 =	sne.s32 s2, $0x0  }
0x66: {  	s3 =	rddreg [dreg:$0x2];
	[bflag:$0x3] =	sbarrier.arrive $0xFFFF;
	s2 =	simm.s32 @!p0 $0x1C01  }
0x67: {  	[timem:s3], [sflag:s2] =	dma.local @!p0 [hbm:s0], s1  }
0x68: {  	s0 =	simm.s32 @!p0 $0x1  }
0x69: {  	_ =	swait.ge @!p0 [sflag:s0], s1  }
0x6a: {  	s1 =	ssub.s32 @!p0 $0x0, s1;
	[sflag:s0] =	ssyncset.done @!p0 $0x0  }
0x6b: {  	[sflag:s0] =	ssyncadd.s32 @!p0 s1  }
0x6c: {  	[bflag:$0x3] =	sbarrier.arrive $0xFFFF  }
0x6d: {  	_ =	shalt  }

</sc_bundles>
